<compile_context>
chip_gen: v7x
topology: tpu7x:2x2x1
jax: 0.10.2.dev20260603
libtpu: 0.0.44.dev20260713+nightly
codegen_flags: <defaults>
</compile_context>

<pallas_src>
import functools

import jax
import jax.numpy as jnp
from jax import lax
from jax.experimental import pallas as pl
from jax.experimental.pallas import tpu as pltpu
from jax.experimental.pallas import tpu_sc as plsc

N = 10000
NP = 10240
E = 320000
NTILE = 16
CHUNK = 128
NCHUNK = 160
GRP = 32
EPT = NCHUNK * CHUNK
EP = EPT * NTILE
RPT = NP // NTILE
B = 128
F32 = jnp.float32



def _sc_mesh():
    return plsc.VectorSubcoreMesh(core_axis_name="c", subcore_axis_name="s")


def _deg_body(dst_hbm, u_hbm, out_hbm, unit_v, idx_v, hist_sh, sem):
    c = lax.axis_index("c")
    s = lax.axis_index("s")
    pltpu.sync_copy(u_hbm.at[pl.ds(0, CHUNK)], unit_v)
    for r in range(RPT // CHUNK):
        pltpu.sync_copy(unit_v, hist_sh.at[pl.ds(s * RPT + r * CHUNK, CHUNK)])
    plsc.subcore_barrier()
    pltpu.sync_copy(u_hbm.at[pl.ds(CHUNK, CHUNK)], unit_v)
    pltpu.sync_copy(dst_hbm.at[c, s], idx_v)

    def chunk(i, carry):
        pltpu.sync_copy(unit_v, hist_sh.at[idx_v.at[i]], add=True)
        return carry

    lax.fori_loop(0, NCHUNK, chunk, 0)
    plsc.subcore_barrier()
    pltpu.sync_copy(hist_sh.at[pl.ds(s * RPT, RPT)],
                    out_hbm.at[pl.ds(c * NP + s * RPT, RPT)])


def _degree_count(dst_st, unit_rows):
    kern = pl.kernel(
        _deg_body,
        out_type=jax.ShapeDtypeStruct((2 * NP, 16), F32),
        mesh=_sc_mesh(),
        scratch_types=[
            pltpu.VMEM((CHUNK, 16), F32),
            pltpu.VMEM((NCHUNK, CHUNK), jnp.int32),
            pltpu.VMEM_SHARED((NP, 16), F32),
            pltpu.SemaphoreType.DMA,
        ],
    )
    return kern(dst_st, unit_rows)


def _agg_body(y_hbm, src_hbm, dst_hbm, z_hbm, out_hbm,
              idxs_v, idxd_v, rows0, rows1, acc_sh, sem0, sem1):
    c = lax.axis_index("c")
    s = lax.axis_index("s")
    pltpu.sync_copy(z_hbm, rows0)
    for r in range(RPT // CHUNK):
        pltpu.sync_copy(rows0, acc_sh.at[pl.ds(s * RPT + r * CHUNK, CHUNK)])
    plsc.subcore_barrier()
    def group(g, carry):
        pltpu.sync_copy(src_hbm.at[c, s, pl.ds(g * GRP, GRP)], idxs_v)
        pltpu.sync_copy(dst_hbm.at[c, s, pl.ds(g * GRP, GRP)], idxd_v)
        pltpu.async_copy(y_hbm.at[idxs_v.at[0]], rows0, sem0)
        pltpu.async_copy(y_hbm.at[idxs_v.at[1]], rows1, sem1)

        def pair(i, carry2):
            i0 = 2 * i
            nxt = jnp.minimum(i0 + 2, GRP - 1)
            nxt1 = jnp.minimum(i0 + 3, GRP - 1)
            pltpu.make_async_copy(y_hbm.at[idxs_v.at[0]], rows0, sem0).wait()
            pltpu.sync_copy(rows0, acc_sh.at[idxd_v.at[i0]], add=True)
            pltpu.async_copy(y_hbm.at[idxs_v.at[nxt]], rows0, sem0)
            pltpu.make_async_copy(y_hbm.at[idxs_v.at[0]], rows1, sem1).wait()
            pltpu.sync_copy(rows1, acc_sh.at[idxd_v.at[i0 + 1]], add=True)
            pltpu.async_copy(y_hbm.at[idxs_v.at[nxt1]], rows1, sem1)
            return carry2

        lax.fori_loop(0, GRP // 2, pair, 0)
        pltpu.make_async_copy(y_hbm.at[idxs_v.at[0]], rows0, sem0).wait()
        pltpu.make_async_copy(y_hbm.at[idxs_v.at[0]], rows1, sem1).wait()
        return carry

    lax.fori_loop(0, NCHUNK // GRP, group, 0)
    plsc.subcore_barrier()
    pltpu.sync_copy(acc_sh.at[pl.ds(s * RPT, RPT)],
                    out_hbm.at[pl.ds(c * NP + s * RPT, RPT)])


def _agg_narrow_body(y_hbm, src_hbm, dst_hbm, z_hbm, out_hbm,
                     idxs_v, idxd_v, rows0, rows1, acc_sh, sem0, sem1, *,
                     feat):
    c = lax.axis_index("c")
    s = lax.axis_index("s")
    ytab = y_hbm
    pltpu.sync_copy(z_hbm, rows0)
    for r in range(RPT // CHUNK):
        pltpu.sync_copy(rows0, acc_sh.at[pl.ds(s * RPT + r * CHUNK, CHUNK)])
    plsc.subcore_barrier()

    def group(g, carry):
        pltpu.sync_copy(src_hbm.at[c, s, pl.ds(g * GRP, GRP)], idxs_v)
        pltpu.sync_copy(dst_hbm.at[c, s, pl.ds(g * GRP, GRP)], idxd_v)
        pltpu.async_copy(ytab.at[idxs_v.at[0]], rows0, sem0)
        pltpu.async_copy(ytab.at[idxs_v.at[1]], rows1, sem1)

        def pair(i, carry2):
            i0 = 2 * i
            nxt = jnp.minimum(i0 + 2, GRP - 1)
            nxt1 = jnp.minimum(i0 + 3, GRP - 1)
            pltpu.make_async_copy(ytab.at[idxs_v.at[0]], rows0, sem0).wait()
            pltpu.sync_copy(rows0, acc_sh.at[idxd_v.at[i0]], add=True)
            pltpu.async_copy(ytab.at[idxs_v.at[nxt]], rows0, sem0)
            pltpu.make_async_copy(ytab.at[idxs_v.at[0]], rows1, sem1).wait()
            pltpu.sync_copy(rows1, acc_sh.at[idxd_v.at[i0 + 1]], add=True)
            pltpu.async_copy(ytab.at[idxs_v.at[nxt1]], rows1, sem1)
            return carry2

        lax.fori_loop(0, GRP // 2, pair, 0)
        pltpu.make_async_copy(ytab.at[idxs_v.at[0]], rows0, sem0).wait()
        pltpu.make_async_copy(ytab.at[idxs_v.at[0]], rows1, sem1).wait()
        return carry

    lax.fori_loop(0, NCHUNK // GRP, group, 0)
    plsc.subcore_barrier()
    pltpu.sync_copy(acc_sh.at[pl.ds(s * RPT, RPT)],
                    out_hbm.at[pl.ds(c * NP + s * RPT, RPT)])


def _edge_aggregate_narrow(ys_flat, src_st, dst_st, feat):
    kern = pl.kernel(
        functools.partial(_agg_narrow_body, feat=feat),
        out_type=jax.ShapeDtypeStruct((2 * NP, feat), F32),
        mesh=_sc_mesh(),
        compiler_params=pltpu.CompilerParams(use_tc_tiling_on_sc=False),
        scratch_types=[
            pltpu.VMEM((GRP, CHUNK), jnp.int32),
            pltpu.VMEM((GRP, CHUNK), jnp.int32),
            pltpu.VMEM((CHUNK, feat), F32),
            pltpu.VMEM((CHUNK, feat), F32),
            pltpu.VMEM_SHARED((NP, feat), F32),
            pltpu.SemaphoreType.DMA,
            pltpu.SemaphoreType.DMA,
        ],
    )
    return kern(ys_flat, src_st, dst_st, jnp.zeros((CHUNK, feat), F32))


def _edge_aggregate(ys, src_st, dst_st, zero_rows, feat):
    kern = pl.kernel(
        _agg_body,
        out_type=jax.ShapeDtypeStruct((2 * NP, feat), F32),
        mesh=_sc_mesh(),
        scratch_types=[
            pltpu.VMEM((GRP, CHUNK), jnp.int32),
            pltpu.VMEM((GRP, CHUNK), jnp.int32),
            pltpu.VMEM((CHUNK, feat), F32),
            pltpu.VMEM((CHUNK, feat), F32),
            pltpu.VMEM_SHARED((NP, feat), F32),
            pltpu.SemaphoreType.DMA,
            pltpu.SemaphoreType.DMA,
        ],
    )
    return kern(ys, src_st, dst_st, zero_rows)



def _onehot_body(b_ref, m1_ref, m2_ref):
    rows = lax.broadcasted_iota(jnp.int32, (B, NP), 0)
    m1_ref[...] = jnp.where(rows == b_ref[0:1, :], 1.0, 0.0).astype(F32)
    m2_ref[...] = jnp.where(rows == b_ref[1:2, :], 1.0, 0.0).astype(F32)


def _onehot(batch_pad2):
    return pl.pallas_call(
        _onehot_body,
        out_shape=[jax.ShapeDtypeStruct((B, NP), F32),
                   jax.ShapeDtypeStruct((B, NP), F32)],
    )(batch_pad2)


def _y0_body(x_ref, w_ref, cnt_ref, y_ref):
    dis = lax.rsqrt(cnt_ref[:, :1] + 1.0)
    y_ref[...] = jnp.dot(x_ref[...], w_ref[...],
                         preferred_element_type=F32) * dis


def _y0(xs, W1, cnt):
    return pl.pallas_call(
        _y0_body,
        out_shape=jax.ShapeDtypeStruct((2 * NP, W1.shape[1]), F32),
    )(xs, W1, cnt)


def _hy_body(agg_ref, y_ref, cnt_ref, b_ref, wn_ref, h_ref, ynext_ref):
    dis = lax.rsqrt(cnt_ref[:, :1] + 1.0)
    h = jax.nn.relu((agg_ref[...] + y_ref[...]) * dis + b_ref[...])
    h_ref[...] = h
    if ynext_ref is not None:
        ynext_ref[...] = jnp.dot(h, wn_ref[...], preferred_element_type=F32) * dis


def _hy(agg, y, cnt, b, wn):
    feat = y.shape[1]
    if wn is None:
        out_shape = [jax.ShapeDtypeStruct((2 * NP, feat), F32)]
        body = lambda *rs: _hy_body(*rs[:4], None, rs[4], None)
        args = (agg, y, cnt, b)
    else:
        out_shape = [jax.ShapeDtypeStruct((2 * NP, feat), F32),
                     jax.ShapeDtypeStruct((2 * NP, wn.shape[1]), F32)]
        body = _hy_body
        args = (agg, y, cnt, b, wn)
    return pl.pallas_call(body, out_shape=out_shape)(*args)


def _pool_body(h_ref, w1_ref, b1_ref, w2_ref, b2_ref, m1_ref, m2_ref,
               p1_ref, p2_ref):
    h = h_ref[...]
    hid = jax.nn.relu(jnp.dot(h, w1_ref[...], preferred_element_type=F32)
                      + b1_ref[...])
    a = jnp.tanh(jnp.dot(hid, w2_ref[...], preferred_element_type=F32)
                 + b2_ref[...])
    xatt = a * h + h
    for g, (m_ref, p_ref) in enumerate(((m1_ref, p1_ref), (m2_ref, p2_ref))):
        xg = xatt[g * NP:(g + 1) * NP]
        m = m_ref[...]
        cntg = jnp.sum(m, axis=1, keepdims=True)
        mean = (jnp.dot(m, xg, preferred_element_type=F32)
                / jnp.maximum(cntg, 1.0))
        tg = jnp.tanh(mean)
        tgb = lax.dot_general(m, tg, (((0,), (0,)), ((), ())),
                              preferred_element_type=F32)
        coefs = jax.nn.sigmoid(jnp.sum(xg * tgb, axis=1, keepdims=True))
        p_ref[...] = jnp.dot(m, coefs * xg, preferred_element_type=F32)


def _pool(h, w1, b1, w2, b2, m1, m2):
    feat = h.shape[1]
    return pl.pallas_call(
        _pool_body,
        out_shape=[jax.ShapeDtypeStruct((B, feat), F32),
                   jax.ShapeDtypeStruct((B, feat), F32)],
    )(h, w1, b1, w2, b2, m1, m2)


def _head_body(p11, p12, p21, p22, p31, p32, w1, t1, c1, w2, t2, c2, w3, t3, c3,
               sw1, sb1, sw2, sb2, fw, fb, out_ref):
    def tnet(e1, e2, w_ref, wbt_ref, bias_ref, d):
        outer = (e1[:, :, None] * e2[:, None, :]).reshape(B, d * d)
        s = jnp.dot(outer, w_ref[...], preferred_element_type=F32)
        comb = jnp.concatenate([e1, e2], axis=1)
        return jax.nn.relu(s + jnp.dot(comb, wbt_ref[...],
                                       preferred_element_type=F32)
                           + bias_ref[...])

    s1 = tnet(p11[...], p12[...], w1, t1, c1, 128)
    s2 = tnet(p21[...], p22[...], w2, t2, c2, 64)
    s3 = tnet(p31[...], p32[...], w3, t3, c3, 32)
    scores = jnp.concatenate([s3, s2, s1], axis=1)
    se = jax.nn.sigmoid(
        jnp.dot(jax.nn.relu(jnp.dot(scores, sw1[...],
                                    preferred_element_type=F32) + sb1[...]),
                sw2[...], preferred_element_type=F32) + sb2[...])
    out_ref[...] = jax.nn.relu(
        jnp.dot(se * scores + scores, fw[...], preferred_element_type=F32)
        + fb[...])


def _head(pools, tn, se_w1, se_b1, se_w2, se_b2, fc_w, fc_b):
    args = list(pools)
    for w2d, wbt, bias in tn:
        args += [w2d, wbt, bias]
    args += [se_w1, se_b1.reshape(1, -1), se_w2, se_b2.reshape(1, -1),
             fc_w, fc_b.reshape(1, -1)]
    return pl.pallas_call(
        _head_body,
        out_shape=jax.ShapeDtypeStruct((B, 64), F32),
    )(*args)



def kernel(x1, x2, edge_index1, edge_index2, batch1, batch2, W1, b1, W2, b2,
           W3, b3, a1_w1, a1_b1, a1_w2, a1_b2, a2_w1, a2_b1, a2_w2, a2_b2,
           a3_w1, a3_b1, a3_w2, a3_b2, tn1_W, tn1_Wb, tn1_bias,
           tn2_W, tn2_Wb, tn2_bias, tn3_W, tn3_Wb, tn3_bias,
           se_w1, se_b1, se_w2, se_b2, fc_w, fc_b):
    pad_e = EP - E
    pad_n = NP - N

    def pad_edges(v, off):
        return jnp.concatenate([v + off, jnp.full((pad_e,), off + NP - 1,
                                                  jnp.int32)])

    src_st = jnp.concatenate([pad_edges(edge_index1[0], 0),
                              pad_edges(edge_index2[0], NP)]
                             ).reshape(2, NTILE, NCHUNK, CHUNK)
    dst_st = jnp.concatenate([pad_edges(edge_index1[1], 0),
                              pad_edges(edge_index2[1], 0)]
                             ).reshape(2, NTILE, NCHUNK, CHUNK)
    xs = jnp.concatenate([
        jnp.pad(x1, ((0, pad_n), (0, 0))),
        jnp.pad(x2, ((0, pad_n), (0, 0)))])
    bp1 = jnp.pad(batch1, (0, pad_n), constant_values=jnp.int32(B + 7))
    bp2 = jnp.pad(batch2, (0, pad_n), constant_values=jnp.int32(B + 7))

    unit_rows = jnp.concatenate([jnp.zeros((CHUNK, 16), F32),
                                 jnp.ones((CHUNK, 16), F32)])

    cnt = _degree_count(dst_st, unit_rows)
    m1, m2 = _onehot(jnp.stack([bp1, bp2]))

    ys = _y0(xs, W1, cnt)
    pools = []
    att = [(a1_w1, a1_b1, a1_w2, a1_b2), (a2_w1, a2_b1, a2_w2, a2_b2),
           (a3_w1, a3_b1, a3_w2, a3_b2)]
    biases = [b1, b2, b3]
    nexts = [W2, W3, None]
    zero_rows = jnp.zeros((CHUNK, 128), F32)
    for lvl in range(3):
        feat = biases[lvl].shape[0]
        if lvl == 0:
            agg = _edge_aggregate(ys, src_st, dst_st, zero_rows, 128)
        else:
            agg = _edge_aggregate_narrow(ys, src_st, dst_st, feat)
        w1a, b1a, w2a, b2a = att[lvl]
        bl = biases[lvl].reshape(1, feat)
        res = _hy(agg, ys, cnt, bl, nexts[lvl])
        if nexts[lvl] is not None:
            ys = res[1]
        pools.append(tuple(_pool(res[0], w1a, b1a.reshape(1, -1), w2a,
                                 b2a.reshape(1, -1), m1, m2)))

    tn = [(tn1_W.reshape(128 * 128, 64), tn1_Wb.T, tn1_bias.reshape(1, -1)),
          (tn2_W.reshape(64 * 64, 32), tn2_Wb.T, tn2_bias.reshape(1, -1)),
          (tn3_W.reshape(32 * 32, 16), tn3_Wb.T, tn3_bias.reshape(1, -1))]
    pool_args = [pools[0][0], pools[0][1], pools[1][0], pools[1][1],
                 pools[2][0], pools[2][1]]
    return _head(pool_args, tn, se_w1, se_b1, se_w2, se_b2, fc_w, fc_b)

# --- scband reference (transcript-rebuilt; emitter-appended) ---
"""Pipeline reference for scband-egsct-generator-34918084117144 (READ-ONLY COPY).

The authoritative reference and input builder live on the scoring server;
editing this copy changes nothing except your own understanding.
"""

import jax, jax.numpy as jnp
import numpy as np

N = 10000
E = 320000
D = 128
F1, F2, F3 = 128, 64, 32
B = 128
BOT = 64
FEAT = (F1 + F2 + F3) // 2

def gcn(x, ei, W, b, n):
    xw = x @ W
    loop = jnp.arange(n, dtype=ei.dtype)
    src = jnp.concatenate([ei[0], loop])
    dst = jnp.concatenate([ei[1], loop])
    deg = jnp.zeros(n, jnp.float32).at[dst].add(1.0)
    dis = 1.0 / jnp.sqrt(deg)
    norm = dis[src] * dis[dst]
    out = jnp.zeros((n, xw.shape[1]), jnp.float32).at[dst].add(xw[src] * norm[:, None])
    return out + b

def att_pool(x, batch, w1, b1, w2, b2, ng):
    a = jnp.tanh(jax.nn.relu(x @ w1 + b1) @ w2 + b2)
    x = a * x + x
    cnt = jax.ops.segment_sum(jnp.ones(x.shape[0], jnp.float32), batch, ng)
    mean = jax.ops.segment_sum(x, batch, ng) / jnp.maximum(cnt, 1.0)[:, None]
    tg = jnp.tanh(mean)
    coefs = jax.nn.sigmoid(jnp.sum(x * tg[batch], axis=1))
    return jax.ops.segment_sum(coefs[:, None] * x, batch, ng)

def tnet(e1, e2, W, Wb, bias):
    d, k = W.shape[0], W.shape[2]
    s = (e1 @ W.reshape(d, d * k)).reshape(-1, d, k)
    s = jnp.einsum('bdk,bd->bk', s, e2)
    comb = jnp.concatenate([e1, e2], axis=1)
    return jax.nn.relu(s + comb @ Wb.T + bias)

def _forward(p, q):
    ei1, ei2, bt1, bt2 = q['edge_index1'], q['edge_index2'], q['batch1'], q['batch2']
    f1_1 = jax.nn.relu(gcn(p['x1'], ei1, p['W1'], p['b1'], N))
    f1_2 = jax.nn.relu(gcn(p['x2'], ei2, p['W1'], p['b1'], N))
    p1_1 = att_pool(f1_1, bt1, p['a1_w1'], p['a1_b1'], p['a1_w2'], p['a1_b2'], B)
    p1_2 = att_pool(f1_2, bt2, p['a1_w1'], p['a1_b1'], p['a1_w2'], p['a1_b2'], B)
    s1 = tnet(p1_1, p1_2, p['tn1_W'], p['tn1_Wb'], p['tn1_bias'])
    f2_1 = jax.nn.relu(gcn(f1_1, ei1, p['W2'], p['b2'], N))
    f2_2 = jax.nn.relu(gcn(f1_2, ei2, p['W2'], p['b2'], N))
    p2_1 = att_pool(f2_1, bt1, p['a2_w1'], p['a2_b1'], p['a2_w2'], p['a2_b2'], B)
    p2_2 = att_pool(f2_2, bt2, p['a2_w1'], p['a2_b1'], p['a2_w2'], p['a2_b2'], B)
    s2 = tnet(p2_1, p2_2, p['tn2_W'], p['tn2_Wb'], p['tn2_bias'])
    f3_1 = jax.nn.relu(gcn(f2_1, ei1, p['W3'], p['b3'], N))
    f3_2 = jax.nn.relu(gcn(f2_2, ei2, p['W3'], p['b3'], N))
    p3_1 = att_pool(f3_1, bt1, p['a3_w1'], p['a3_b1'], p['a3_w2'], p['a3_b2'], B)
    p3_2 = att_pool(f3_2, bt2, p['a3_w1'], p['a3_b1'], p['a3_w2'], p['a3_b2'], B)
    s3 = tnet(p3_1, p3_2, p['tn3_W'], p['tn3_Wb'], p['tn3_bias'])
    scores = jnp.concatenate([s3, s2, s1], axis=1)
    se = jax.nn.sigmoid(jax.nn.relu(scores @ p['se_w1'] + p['se_b1']) @ p['se_w2'] + p['se_b2'])
    return jax.nn.relu((se * scores + scores) @ p['fc_w'] + p['fc_b'])

def setup_inputs(seed=0):
    key = jax.random.key(seed)
    ks = jax.random.split(key, 40)
    inp = {}
    inp['x1'] = jax.random.normal(ks[0], (N, D), dtype=jnp.float32)
    inp['x2'] = jax.random.normal(ks[1], (N, D), dtype=jnp.float32)
    inp['edge_index1'] = jax.random.randint(ks[2], (2, E), 0, N, dtype=jnp.int32)
    inp['edge_index2'] = jax.random.randint(ks[3], (2, E), 0, N, dtype=jnp.int32)
    inp['batch1'] = jnp.sort(jax.random.randint(ks[4], (N,), 0, B, dtype=jnp.int32))
    inp['batch2'] = jnp.sort(jax.random.randint(ks[5], (N,), 0, B, dtype=jnp.int32))
    def nrm(k, shape):
        return (jax.random.normal(k, shape, dtype=jnp.float32) / np.sqrt(shape[0])).astype(jnp.float32)
    inp['W1'] = nrm(ks[6], (D, F1)); inp['b1'] = jnp.zeros(F1, jnp.float32)
    inp['W2'] = nrm(ks[7], (F1, F2)); inp['b2'] = jnp.zeros(F2, jnp.float32)
    inp['W3'] = nrm(ks[8], (F2, F3)); inp['b3'] = jnp.zeros(F3, jnp.float32)
    i = 9
    for name, d in (('a1', F1), ('a2', F2), ('a3', F3)):
        h = d // 4
        inp[name + '_w1'] = nrm(ks[i], (d, h)); inp[name + '_b1'] = jnp.zeros(h, jnp.float32)
        inp[name + '_w2'] = nrm(ks[i + 1], (h, d)); inp[name + '_b2'] = jnp.zeros(d, jnp.float32)
        i += 2
    for name, d in (('tn1', F1), ('tn2', F2), ('tn3', F3)):
        k = d // 2
        inp[name + '_W'] = nrm(ks[i], (d, d * k)).reshape(d, d, k)
        inp[name + '_Wb'] = nrm(ks[i + 1], (k, 2 * d))
        inp[name + '_bias'] = jnp.zeros(k, jnp.float32)
        i += 2
    h = FEAT // 4
    inp['se_w1'] = nrm(ks[i], (FEAT, h)); inp['se_b1'] = jnp.zeros(h, jnp.float32)
    inp['se_w2'] = nrm(ks[i + 1], (h, FEAT)); inp['se_b2'] = jnp.zeros(FEAT, jnp.float32)
    inp['fc_w'] = nrm(ks[i + 2], (FEAT, BOT)); inp['fc_b'] = jnp.zeros(BOT, jnp.float32)
    return inp

def reference(x1, x2, edge_index1, edge_index2, batch1, batch2,
              W1, b1, W2, b2, W3, b3,
              a1_w1, a1_b1, a1_w2, a1_b2,
              a2_w1, a2_b1, a2_w2, a2_b2,
              a3_w1, a3_b1, a3_w2, a3_b2,
              tn1_W, tn1_Wb, tn1_bias,
              tn2_W, tn2_Wb, tn2_bias,
              tn3_W, tn3_Wb, tn3_bias,
              se_w1, se_b1, se_w2, se_b2,
              fc_w, fc_b):
    p = dict(locals())
    q = {k: p.pop(k) for k in ('edge_index1', 'batch1', 'edge_index2', 'batch2')}
    return _forward(p, q)

if __name__ == "__main__":
    import jax
    _d = setup_inputs()
    print(jax.jit(kernel)(*tuple(_d.values())))

</pallas_src>

<mosaic_0001>
#map = affine_map<(d0, d1) -> (0, 0)>
#map1 = affine_map<(d0, d1) -> (0, 0, 0, 0)>
module attributes {stable_mosaic.version = 14 : i64} {
  func.func @_agg_narrow_body(%arg0: i32, %arg1: i32, %arg2: memref<20480x32xf32, #tpu.memory_space<hbm>>, %arg3: memref<2x16x160x128xi32, #tpu.memory_space<hbm>>, %arg4: memref<2x16x160x128xi32, #tpu.memory_space<hbm>>, %arg5: memref<128x32xf32, #tpu.memory_space<hbm>>, %arg6: memref<20480x32xf32, #tpu.memory_space<hbm>>, %arg7: memref<32x128xi32, #tpu.memory_space<vmem>>, %arg8: memref<32x128xi32, #tpu.memory_space<vmem>>, %arg9: memref<128x32xf32, #tpu.memory_space<vmem>>, %arg10: memref<128x32xf32, #tpu.memory_space<vmem>>, %arg11: memref<10240x32xf32, #tpu.memory_space<vmem_shared>>, %arg12: memref<!tpu.dma_semaphore, #tpu.memory_space<semaphore_mem>>, %arg13: memref<!tpu.dma_semaphore, #tpu.memory_space<semaphore_mem>>) attributes {dimension_semantics = [#tpu.dimension_semantics<core_parallel>, #tpu.dimension_semantics<subcore_parallel>], iteration_bounds = array<i64: 2, 16>, scalar_prefetch = 0 : i64, scratch_operands = 7 : i64, tpu.core_type = #tpu.core_type<sc_vector_subcore>, window_params = [{transform_indices = #map}, {transform_indices = #map1}, {transform_indices = #map1}, {transform_indices = #map}, {transform_indices = #map}]} {
    "tpu.region"() ({
      %run_scoped3A = tpu.sem_alloc : memref<!tpu.dma_semaphore, #tpu.memory_space<semaphore_mem>>
      tpu.enqueue_dma source(%arg5 : memref<128x32xf32, #tpu.memory_space<hbm>>) target(%arg9 : memref<128x32xf32, #tpu.memory_space<vmem>>) target_semaphore(%run_scoped3A : memref<!tpu.dma_semaphore, #tpu.memory_space<semaphore_mem>>)
      tpu.wait_dma2 semaphore(%run_scoped3A : memref<!tpu.dma_semaphore, #tpu.memory_space<semaphore_mem>>) src(%arg5 : memref<128x32xf32, #tpu.memory_space<hbm>>) dst(%arg9 : memref<128x32xf32, #tpu.memory_space<vmem>>)
      tpu.yield
    }) : () -> ()
    %mul3A = arith.constant 640 : i32
    %mul3A_0 = arith.muli %arg1, %mul3A : i32
    %add3A = arith.constant 0 : i32
    %add3A_1 = arith.addi %mul3A_0, %add3A : i32
    "tpu.region"() ({
      %run_scoped3A = tpu.sem_alloc : memref<!tpu.dma_semaphore, #tpu.memory_space<semaphore_mem>>
      %dma_start3A = arith.constant 0 : i32
      %dma_start3A_31 = tpu.memref_slice %arg11[%add3A_1, %dma_start3A] : memref<10240x32xf32, #tpu.memory_space<vmem_shared>> -> memref<128x32xf32, #tpu.memory_space<vmem_shared>>
      %dma_start3A_32 = arith.constant 0 : i32
      %dma_start3A_33 = tpu.memref_slice %arg11[%add3A_1, %dma_start3A_32] : memref<10240x32xf32, #tpu.memory_space<vmem_shared>> -> memref<128x32xf32, #tpu.memory_space<vmem_shared>>
      tpu.enqueue_dma source(%arg9 : memref<128x32xf32, #tpu.memory_space<vmem>>) target(%dma_start3A_33 : memref<128x32xf32, #tpu.memory_space<vmem_shared>>) target_semaphore(%run_scoped3A : memref<!tpu.dma_semaphore, #tpu.memory_space<semaphore_mem>>)
      %dma_wait3A = arith.constant 0 : i32
      %dma_wait3A_34 = tpu.memref_slice %arg11[%add3A_1, %dma_wait3A] : memref<10240x32xf32, #tpu.memory_space<vmem_shared>> -> memref<128x32xf32, #tpu.memory_space<vmem_shared>>
      %dma_wait3A_35 = arith.constant 0 : i32
      %dma_wait3A_36 = tpu.memref_slice %arg11[%add3A_1, %dma_wait3A_35] : memref<10240x32xf32, #tpu.memory_space<vmem_shared>> -> memref<128x32xf32, #tpu.memory_space<vmem_shared>>
      tpu.wait_dma2 semaphore(%run_scoped3A : memref<!tpu.dma_semaphore, #tpu.memory_space<semaphore_mem>>) src(%arg9 : memref<128x32xf32, #tpu.memory_space<vmem>>) dst(%dma_wait3A_36 : memref<128x32xf32, #tpu.memory_space<vmem_shared>>)
      tpu.yield
    }) : () -> ()
    %mul3A_2 = arith.constant 640 : i32
    %mul3A_3 = arith.muli %arg1, %mul3A_2 : i32
    %add3A_4 = arith.constant 128 : i32
    %add3A_5 = arith.addi %mul3A_3, %add3A_4 : i32
    "tpu.region"() ({
      %run_scoped3A = tpu.sem_alloc : memref<!tpu.dma_semaphore, #tpu.memory_space<semaphore_mem>>
      %dma_start3A = arith.constant 0 : i32
      %dma_start3A_31 = tpu.memref_slice %arg11[%add3A_5, %dma_start3A] : memref<10240x32xf32, #tpu.memory_space<vmem_shared>> -> memref<128x32xf32, #tpu.memory_space<vmem_shared>>
      %dma_start3A_32 = arith.constant 0 : i32
      %dma_start3A_33 = tpu.memref_slice %arg11[%add3A_5, %dma_start3A_32] : memref<10240x32xf32, #tpu.memory_space<vmem_shared>> -> memref<128x32xf32, #tpu.memory_space<vmem_shared>>
      tpu.enqueue_dma source(%arg9 : memref<128x32xf32, #tpu.memory_space<vmem>>) target(%dma_start3A_33 : memref<128x32xf32, #tpu.memory_space<vmem_shared>>) target_semaphore(%run_scoped3A : memref<!tpu.dma_semaphore, #tpu.memory_space<semaphore_mem>>)
      %dma_wait3A = arith.constant 0 : i32
      %dma_wait3A_34 = tpu.memref_slice %arg11[%add3A_5, %dma_wait3A] : memref<10240x32xf32, #tpu.memory_space<vmem_shared>> -> memref<128x32xf32, #tpu.memory_space<vmem_shared>>
      %dma_wait3A_35 = arith.constant 0 : i32
      %dma_wait3A_36 = tpu.memref_slice %arg11[%add3A_5, %dma_wait3A_35] : memref<10240x32xf32, #tpu.memory_space<vmem_shared>> -> memref<128x32xf32, #tpu.memory_space<vmem_shared>>
      tpu.wait_dma2 semaphore(%run_scoped3A : memref<!tpu.dma_semaphore, #tpu.memory_space<semaphore_mem>>) src(%arg9 : memref<128x32xf32, #tpu.memory_space<vmem>>) dst(%dma_wait3A_36 : memref<128x32xf32, #tpu.memory_space<vmem_shared>>)
      tpu.yield
    }) : () -> ()
    %mul3A_6 = arith.constant 640 : i32
    %mul3A_7 = arith.muli %arg1, %mul3A_6 : i32
    %add3A_8 = arith.constant 256 : i32
    %add3A_9 = arith.addi %mul3A_7, %add3A_8 : i32
    "tpu.region"() ({
      %run_scoped3A = tpu.sem_alloc : memref<!tpu.dma_semaphore, #tpu.memory_space<semaphore_mem>>
      %dma_start3A = arith.constant 0 : i32
      %dma_start3A_31 = tpu.memref_slice %arg11[%add3A_9, %dma_start3A] : memref<10240x32xf32, #tpu.memory_space<vmem_shared>> -> memref<128x32xf32, #tpu.memory_space<vmem_shared>>
      %dma_start3A_32 = arith.constant 0 : i32
      %dma_start3A_33 = tpu.memref_slice %arg11[%add3A_9, %dma_start3A_32] : memref<10240x32xf32, #tpu.memory_space<vmem_shared>> -> memref<128x32xf32, #tpu.memory_space<vmem_shared>>
      tpu.enqueue_dma source(%arg9 : memref<128x32xf32, #tpu.memory_space<vmem>>) target(%dma_start3A_33 : memref<128x32xf32, #tpu.memory_space<vmem_shared>>) target_semaphore(%run_scoped3A : memref<!tpu.dma_semaphore, #tpu.memory_space<semaphore_mem>>)
      %dma_wait3A = arith.constant 0 : i32
      %dma_wait3A_34 = tpu.memref_slice %arg11[%add3A_9, %dma_wait3A] : memref<10240x32xf32, #tpu.memory_space<vmem_shared>> -> memref<128x32xf32, #tpu.memory_space<vmem_shared>>
      %dma_wait3A_35 = arith.constant 0 : i32
      %dma_wait3A_36 = tpu.memref_slice %arg11[%add3A_9, %dma_wait3A_35] : memref<10240x32xf32, #tpu.memory_space<vmem_shared>> -> memref<128x32xf32, #tpu.memory_space<vmem_shared>>
      tpu.wait_dma2 semaphore(%run_scoped3A : memref<!tpu.dma_semaphore, #tpu.memory_space<semaphore_mem>>) src(%arg9 : memref<128x32xf32, #tpu.memory_space<vmem>>) dst(%dma_wait3A_36 : memref<128x32xf32, #tpu.memory_space<vmem_shared>>)
      tpu.yield
    }) : () -> ()
    %mul3A_10 = arith.constant 640 : i32
    %mul3A_11 = arith.muli %arg1, %mul3A_10 : i32
    %add3A_12 = arith.constant 384 : i32
    %add3A_13 = arith.addi %mul3A_11, %add3A_12 : i32
    "tpu.region"() ({
      %run_scoped3A = tpu.sem_alloc : memref<!tpu.dma_semaphore, #tpu.memory_space<semaphore_mem>>
      %dma_start3A = arith.constant 0 : i32
      %dma_start3A_31 = tpu.memref_slice %arg11[%add3A_13, %dma_start3A] : memref<10240x32xf32, #tpu.memory_space<vmem_shared>> -> memref<128x32xf32, #tpu.memory_space<vmem_shared>>
      %dma_start3A_32 = arith.constant 0 : i32
      %dma_start3A_33 = tpu.memref_slice %arg11[%add3A_13, %dma_start3A_32] : memref<10240x32xf32, #tpu.memory_space<vmem_shared>> -> memref<128x32xf32, #tpu.memory_space<vmem_shared>>
      tpu.enqueue_dma source(%arg9 : memref<128x32xf32, #tpu.memory_space<vmem>>) target(%dma_start3A_33 : memref<128x32xf32, #tpu.memory_space<vmem_shared>>) target_semaphore(%run_scoped3A : memref<!tpu.dma_semaphore, #tpu.memory_space<semaphore_mem>>)
      %dma_wait3A = arith.constant 0 : i32
      %dma_wait3A_34 = tpu.memref_slice %arg11[%add3A_13, %dma_wait3A] : memref<10240x32xf32, #tpu.memory_space<vmem_shared>> -> memref<128x32xf32, #tpu.memory_space<vmem_shared>>
      %dma_wait3A_35 = arith.constant 0 : i32
      %dma_wait3A_36 = tpu.memref_slice %arg11[%add3A_13, %dma_wait3A_35] : memref<10240x32xf32, #tpu.memory_space<vmem_shared>> -> memref<128x32xf32, #tpu.memory_space<vmem_shared>>
      tpu.wait_dma2 semaphore(%run_scoped3A : memref<!tpu.dma_semaphore, #tpu.memory_space<semaphore_mem>>) src(%arg9 : memref<128x32xf32, #tpu.memory_space<vmem>>) dst(%dma_wait3A_36 : memref<128x32xf32, #tpu.memory_space<vmem_shared>>)
      tpu.yield
    }) : () -> ()
    %mul3A_14 = arith.constant 640 : i32
    %mul3A_15 = arith.muli %arg1, %mul3A_14 : i32
    %add3A_16 = arith.constant 512 : i32
    %add3A_17 = arith.addi %mul3A_15, %add3A_16 : i32
    "tpu.region"() ({
      %run_scoped3A = tpu.sem_alloc : memref<!tpu.dma_semaphore, #tpu.memory_space<semaphore_mem>>
      %dma_start3A = arith.constant 0 : i32
      %dma_start3A_31 = tpu.memref_slice %arg11[%add3A_17, %dma_start3A] : memref<10240x32xf32, #tpu.memory_space<vmem_shared>> -> memref<128x32xf32, #tpu.memory_space<vmem_shared>>
      %dma_start3A_32 = arith.constant 0 : i32
      %dma_start3A_33 = tpu.memref_slice %arg11[%add3A_17, %dma_start3A_32] : memref<10240x32xf32, #tpu.memory_space<vmem_shared>> -> memref<128x32xf32, #tpu.memory_space<vmem_shared>>
      tpu.enqueue_dma source(%arg9 : memref<128x32xf32, #tpu.memory_space<vmem>>) target(%dma_start3A_33 : memref<128x32xf32, #tpu.memory_space<vmem_shared>>) target_semaphore(%run_scoped3A : memref<!tpu.dma_semaphore, #tpu.memory_space<semaphore_mem>>)
      %dma_wait3A = arith.constant 0 : i32
      %dma_wait3A_34 = tpu.memref_slice %arg11[%add3A_17, %dma_wait3A] : memref<10240x32xf32, #tpu.memory_space<vmem_shared>> -> memref<128x32xf32, #tpu.memory_space<vmem_shared>>
      %dma_wait3A_35 = arith.constant 0 : i32
      %dma_wait3A_36 = tpu.memref_slice %arg11[%add3A_17, %dma_wait3A_35] : memref<10240x32xf32, #tpu.memory_space<vmem_shared>> -> memref<128x32xf32, #tpu.memory_space<vmem_shared>>
      tpu.wait_dma2 semaphore(%run_scoped3A : memref<!tpu.dma_semaphore, #tpu.memory_space<semaphore_mem>>) src(%arg9 : memref<128x32xf32, #tpu.memory_space<vmem>>) dst(%dma_wait3A_36 : memref<128x32xf32, #tpu.memory_space<vmem_shared>>)
      tpu.yield
    }) : () -> ()
    %barrier3A = arith.constant 0 : index
    tpu.barrier barrier_id(%barrier3A)
    %scan3A = arith.constant 0 : i32
    %scan3A_18 = arith.constant 0 : i32
    %scan3A_19 = arith.constant 5 : i32
    %scan3A_20 = arith.addi %scan3A_18, %scan3A_19 : i32
    %scan3A_21 = arith.constant 1 : i32
    scf.for %scan3A_31 = %scan3A_18 to %scan3A_20 step %scan3A_21  : i32 {
      %mul3A_32 = arith.constant 32 : i32
      %mul3A_33 = arith.muli %scan3A_31, %mul3A_32 : i32
      "tpu.region"() ({
        %run_scoped3A = tpu.sem_alloc : memref<!tpu.dma_semaphore, #tpu.memory_space<semaphore_mem>>
        %dma_start3A_68 = arith.constant 0 : i32
        %dma_start3A_69 = tpu.memref_slice %arg3[%arg0, %arg1, %mul3A_33, %dma_start3A_68] : memref<2x16x160x128xi32, #tpu.memory_space<hbm>> -> memref<1x1x32x128xi32, #tpu.memory_space<hbm>>
        %dma_start3A_70 = tpu.memref_squeeze %dma_start3A_69 : memref<1x1x32x128xi32, #tpu.memory_space<hbm>> -> memref<32x128xi32, #tpu.memory_space<hbm>>
        %dma_start3A_71 = arith.constant 0 : i32
        %dma_start3A_72 = tpu.memref_slice %arg3[%arg0, %arg1, %mul3A_33, %dma_start3A_71] : memref<2x16x160x128xi32, #tpu.memory_space<hbm>> -> memref<1x1x32x128xi32, #tpu.memory_space<hbm>>
        %dma_start3A_73 = tpu.memref_squeeze %dma_start3A_72 : memref<1x1x32x128xi32, #tpu.memory_space<hbm>> -> memref<32x128xi32, #tpu.memory_space<hbm>>
        tpu.enqueue_dma source(%dma_start3A_73 : memref<32x128xi32, #tpu.memory_space<hbm>>) target(%arg7 : memref<32x128xi32, #tpu.memory_space<vmem>>) target_semaphore(%run_scoped3A : memref<!tpu.dma_semaphore, #tpu.memory_space<semaphore_mem>>)
        %dma_wait3A_74 = arith.constant 0 : i32
        %dma_wait3A_75 = tpu.memref_slice %arg3[%arg0, %arg1, %mul3A_33, %dma_wait3A_74] : memref<2x16x160x128xi32, #tpu.memory_space<hbm>> -> memref<1x1x32x128xi32, #tpu.memory_space<hbm>>
        %dma_wait3A_76 = tpu.memref_squeeze %dma_wait3A_75 : memref<1x1x32x128xi32, #tpu.memory_space<hbm>> -> memref<32x128xi32, #tpu.memory_space<hbm>>
        %dma_wait3A_77 = arith.constant 0 : i32
        %dma_wait3A_78 = tpu.memref_slice %arg3[%arg0, %arg1, %mul3A_33, %dma_wait3A_77] : memref<2x16x160x128xi32, #tpu.memory_space<hbm>> -> memref<1x1x32x128xi32, #tpu.memory_space<hbm>>
        %dma_wait3A_79 = tpu.memref_squeeze %dma_wait3A_78 : memref<1x1x32x128xi32, #tpu.memory_space<hbm>> -> memref<32x128xi32, #tpu.memory_space<hbm>>
        tpu.wait_dma2 semaphore(%run_scoped3A : memref<!tpu.dma_semaphore, #tpu.memory_space<semaphore_mem>>) src(%dma_wait3A_79 : memref<32x128xi32, #tpu.memory_space<hbm>>) dst(%arg7 : memref<32x128xi32, #tpu.memory_space<vmem>>)
        tpu.yield
      }) : () -> ()
      %mul3A_34 = arith.constant 32 : i32
      %mul3A_35 = arith.muli %scan3A_31, %mul3A_34 : i32
      "tpu.region"() ({
        %run_scoped3A = tpu.sem_alloc : memref<!tpu.dma_semaphore, #tpu.memory_space<semaphore_mem>>
        %dma_start3A_68 = arith.constant 0 : i32
        %dma_start3A_69 = tpu.memref_slice %arg4[%arg0, %arg1, %mul3A_35, %dma_start3A_68] : memref<2x16x160x128xi32, #tpu.memory_space<hbm>> -> memref<1x1x32x128xi32, #tpu.memory_space<hbm>>
        %dma_start3A_70 = tpu.memref_squeeze %dma_start3A_69 : memref<1x1x32x128xi32, #tpu.memory_space<hbm>> -> memref<32x128xi32, #tpu.memory_space<hbm>>
        %dma_start3A_71 = arith.constant 0 : i32
        %dma_start3A_72 = tpu.memref_slice %arg4[%arg0, %arg1, %mul3A_35, %dma_start3A_71] : memref<2x16x160x128xi32, #tpu.memory_space<hbm>> -> memref<1x1x32x128xi32, #tpu.memory_space<hbm>>
        %dma_start3A_73 = tpu.memref_squeeze %dma_start3A_72 : memref<1x1x32x128xi32, #tpu.memory_space<hbm>> -> memref<32x128xi32, #tpu.memory_space<hbm>>
        tpu.enqueue_dma source(%dma_start3A_73 : memref<32x128xi32, #tpu.memory_space<hbm>>) target(%arg8 : memref<32x128xi32, #tpu.memory_space<vmem>>) target_semaphore(%run_scoped3A : memref<!tpu.dma_semaphore, #tpu.memory_space<semaphore_mem>>)
        %dma_wait3A_74 = arith.constant 0 : i32
        %dma_wait3A_75 = tpu.memref_slice %arg4[%arg0, %arg1, %mul3A_35, %dma_wait3A_74] : memref<2x16x160x128xi32, #tpu.memory_space<hbm>> -> memref<1x1x32x128xi32, #tpu.memory_space<hbm>>
        %dma_wait3A_76 = tpu.memref_squeeze %dma_wait3A_75 : memref<1x1x32x128xi32, #tpu.memory_space<hbm>> -> memref<32x128xi32, #tpu.memory_space<hbm>>
        %dma_wait3A_77 = arith.constant 0 : i32
        %dma_wait3A_78 = tpu.memref_slice %arg4[%arg0, %arg1, %mul3A_35, %dma_wait3A_77] : memref<2x16x160x128xi32, #tpu.memory_space<hbm>> -> memref<1x1x32x128xi32, #tpu.memory_space<hbm>>
        %dma_wait3A_79 = tpu.memref_squeeze %dma_wait3A_78 : memref<1x1x32x128xi32, #tpu.memory_space<hbm>> -> memref<32x128xi32, #tpu.memory_space<hbm>>
        tpu.wait_dma2 semaphore(%run_scoped3A : memref<!tpu.dma_semaphore, #tpu.memory_space<semaphore_mem>>) src(%dma_wait3A_79 : memref<32x128xi32, #tpu.memory_space<hbm>>) dst(%arg8 : memref<32x128xi32, #tpu.memory_space<vmem>>)
        tpu.yield
      }) : () -> ()
      %dma_start3A = arith.constant 0 : i32
      %dma_start3A_36 = arith.constant 0 : i32
      %dma_start3A_37 = tpu.memref_slice %arg7[%dma_start3A, %dma_start3A_36] : memref<32x128xi32, #tpu.memory_space<vmem>> -> memref<1x128xi32, #tpu.memory_space<vmem>>
      %dma_start3A_38 = tpu.memref_squeeze %dma_start3A_37 : memref<1x128xi32, #tpu.memory_space<vmem>> -> memref<128xi32, #tpu.memory_space<vmem>>
      %dma_start3A_39 = arith.constant 0 : i32
      %dma_start3A_40 = arith.constant 0 : i32
      %dma_start3A_41 = tpu.memref_slice %arg2[%dma_start3A_39, %dma_start3A_40] : memref<20480x32xf32, #tpu.memory_space<hbm>> -> memref<20480x32xf32, #tpu.memory_space<hbm>>
      tpu.enqueue_indirect_dma source(%dma_start3A_41 : memref<20480x32xf32, #tpu.memory_space<hbm>>) target(%arg9 : memref<128x32xf32, #tpu.memory_space<vmem>>) offsets(%dma_start3A_38 : memref<128xi32, #tpu.memory_space<vmem>>) semaphore(%arg12 : memref<!tpu.dma_semaphore, #tpu.memory_space<semaphore_mem>>)
      %dma_start3A_42 = arith.constant 1 : i32
      %dma_start3A_43 = arith.constant 0 : i32
      %dma_start3A_44 = tpu.memref_slice %arg7[%dma_start3A_42, %dma_start3A_43] : memref<32x128xi32, #tpu.memory_space<vmem>> -> memref<1x128xi32, #tpu.memory_space<vmem>>
      %dma_start3A_45 = tpu.memref_squeeze %dma_start3A_44 : memref<1x128xi32, #tpu.memory_space<vmem>> -> memref<128xi32, #tpu.memory_space<vmem>>
      %dma_start3A_46 = arith.constant 0 : i32
      %dma_start3A_47 = arith.constant 0 : i32
      %dma_start3A_48 = tpu.memref_slice %arg2[%dma_start3A_46, %dma_start3A_47] : memref<20480x32xf32, #tpu.memory_space<hbm>> -> memref<20480x32xf32, #tpu.memory_space<hbm>>
      tpu.enqueue_indirect_dma source(%dma_start3A_48 : memref<20480x32xf32, #tpu.memory_space<hbm>>) target(%arg10 : memref<128x32xf32, #tpu.memory_space<vmem>>) offsets(%dma_start3A_45 : memref<128xi32, #tpu.memory_space<vmem>>) semaphore(%arg13 : memref<!tpu.dma_semaphore, #tpu.memory_space<semaphore_mem>>)
      %scan3A_49 = arith.constant 0 : i32
      %scan3A_50 = arith.constant 0 : i32
      %scan3A_51 = arith.constant 16 : i32
      %scan3A_52 = arith.addi %scan3A_50, %scan3A_51 : i32
      %scan3A_53 = arith.constant 1 : i32
      scf.for %scan3A_68 = %scan3A_50 to %scan3A_52 step %scan3A_53  : i32 {
        %mul3A_69 = arith.constant 2 : i32
        %mul3A_70 = arith.muli %mul3A_69, %scan3A_68 : i32
        %add3A_71 = arith.constant 2 : i32
        %add3A_72 = arith.addi %mul3A_70, %add3A_71 : i32
        %min3A = arith.constant 31 : i32
        %min3A_73 = arith.minsi %add3A_72, %min3A : i32
        %add3A_74 = arith.constant 3 : i32
        %add3A_75 = arith.addi %mul3A_70, %add3A_74 : i32
        %min3A_76 = arith.constant 31 : i32
        %min3A_77 = arith.minsi %add3A_75, %min3A_76 : i32
        %dma_wait3A_78 = arith.constant 0 : i32
        %dma_wait3A_79 = arith.constant 0 : i32
        %dma_wait3A_80 = tpu.memref_slice %arg7[%dma_wait3A_78, %dma_wait3A_79] : memref<32x128xi32, #tpu.memory_space<vmem>> -> memref<1x128xi32, #tpu.memory_space<vmem>>
        %dma_wait3A_81 = tpu.memref_squeeze %dma_wait3A_80 : memref<1x128xi32, #tpu.memory_space<vmem>> -> memref<128xi32, #tpu.memory_space<vmem>>
        %dma_wait3A_82 = arith.constant 0 : i32
        %dma_wait3A_83 = arith.constant 0 : i32
        %dma_wait3A_84 = tpu.memref_slice %arg2[%dma_wait3A_82, %dma_wait3A_83] : memref<20480x32xf32, #tpu.memory_space<hbm>> -> memref<20480x32xf32, #tpu.memory_space<hbm>>
        tpu.wait_indirect_dma semaphore(%arg12 : memref<!tpu.dma_semaphore, #tpu.memory_space<semaphore_mem>>) src(%dma_wait3A_84 : memref<20480x32xf32, #tpu.memory_space<hbm>>) dst(%arg9 : memref<128x32xf32, #tpu.memory_space<vmem>>)
        "tpu.region"() ({
          %run_scoped3A = tpu.sem_alloc : memref<!tpu.dma_semaphore, #tpu.memory_space<semaphore_mem>>
          %dma_start3A_106 = arith.constant 0 : i32
          %dma_start3A_107 = tpu.memref_slice %arg8[%mul3A_70, %dma_start3A_106] : memref<32x128xi32, #tpu.memory_space<vmem>> -> memref<1x128xi32, #tpu.memory_space<vmem>>
          %dma_start3A_108 = tpu.memref_squeeze %dma_start3A_107 : memref<1x128xi32, #tpu.memory_space<vmem>> -> memref<128xi32, #tpu.memory_space<vmem>>
          %dma_start3A_109 = arith.constant 0 : i32
          %dma_start3A_110 = arith.constant 0 : i32
          %dma_start3A_111 = tpu.memref_slice %arg11[%dma_start3A_109, %dma_start3A_110] : memref<10240x32xf32, #tpu.memory_space<vmem_shared>> -> memref<10240x32xf32, #tpu.memory_space<vmem_shared>>
          tpu.enqueue_indirect_dma source(%arg9 : memref<128x32xf32, #tpu.memory_space<vmem>>) target(%dma_start3A_111 : memref<10240x32xf32, #tpu.memory_space<vmem_shared>>) offsets(%dma_start3A_108 : memref<128xi32, #tpu.memory_space<vmem>>) semaphore(%run_scoped3A : memref<!tpu.dma_semaphore, #tpu.memory_space<semaphore_mem>>) {add = true}
          %dma_wait3A_112 = arith.constant 0 : i32
          %dma_wait3A_113 = tpu.memref_slice %arg8[%mul3A_70, %dma_wait3A_112] : memref<32x128xi32, #tpu.memory_space<vmem>> -> memref<1x128xi32, #tpu.memory_space<vmem>>
          %dma_wait3A_114 = tpu.memref_squeeze %dma_wait3A_113 : memref<1x128xi32, #tpu.memory_space<vmem>> -> memref<128xi32, #tpu.memory_space<vmem>>
          %dma_wait3A_115 = arith.constant 0 : i32
          %dma_wait3A_116 = arith.constant 0 : i32
          %dma_wait3A_117 = tpu.memref_slice %arg11[%dma_wait3A_115, %dma_wait3A_116] : memref<10240x32xf32, #tpu.memory_space<vmem_shared>> -> memref<10240x32xf32, #tpu.memory_space<vmem_shared>>
          tpu.wait_indirect_dma semaphore(%run_scoped3A : memref<!tpu.dma_semaphore, #tpu.memory_space<semaphore_mem>>) src(%arg9 : memref<128x32xf32, #tpu.memory_space<vmem>>) dst(%dma_wait3A_117 : memref<10240x32xf32, #tpu.memory_space<vmem_shared>>)
          tpu.yield
        }) : () -> ()
        %dma_start3A_85 = arith.constant 0 : i32
        %dma_start3A_86 = tpu.memref_slice %arg7[%min3A_73, %dma_start3A_85] : memref<32x128xi32, #tpu.memory_space<vmem>> -> memref<1x128xi32, #tpu.memory_space<vmem>>
        %dma_start3A_87 = tpu.memref_squeeze %dma_start3A_86 : memref<1x128xi32, #tpu.memory_space<vmem>> -> memref<128xi32, #tpu.memory_space<vmem>>
        %dma_start3A_88 = arith.constant 0 : i32
        %dma_start3A_89 = arith.constant 0 : i32
        %dma_start3A_90 = tpu.memref_slice %arg2[%dma_start3A_88, %dma_start3A_89] : memref<20480x32xf32, #tpu.memory_space<hbm>> -> memref<20480x32xf32, #tpu.memory_space<hbm>>
        tpu.enqueue_indirect_dma source(%dma_start3A_90 : memref<20480x32xf32, #tpu.memory_space<hbm>>) target(%arg9 : memref<128x32xf32, #tpu.memory_space<vmem>>) offsets(%dma_start3A_87 : memref<128xi32, #tpu.memory_space<vmem>>) semaphore(%arg12 : memref<!tpu.dma_semaphore, #tpu.memory_space<semaphore_mem>>)
        %dma_wait3A_91 = arith.constant 0 : i32
        %dma_wait3A_92 = arith.constant 0 : i32
        %dma_wait3A_93 = tpu.memref_slice %arg7[%dma_wait3A_91, %dma_wait3A_92] : memref<32x128xi32, #tpu.memory_space<vmem>> -> memref<1x128xi32, #tpu.memory_space<vmem>>
        %dma_wait3A_94 = tpu.memref_squeeze %dma_wait3A_93 : memref<1x128xi32, #tpu.memory_space<vmem>> -> memref<128xi32, #tpu.memory_space<vmem>>
        %dma_wait3A_95 = arith.constant 0 : i32
        %dma_wait3A_96 = arith.constant 0 : i32
        %dma_wait3A_97 = tpu.memref_slice %arg2[%dma_wait3A_95, %dma_wait3A_96] : memref<20480x32xf32, #tpu.memory_space<hbm>> -> memref<20480x32xf32, #tpu.memory_space<hbm>>
        tpu.wait_indirect_dma semaphore(%arg13 : memref<!tpu.dma_semaphore, #tpu.memory_space<semaphore_mem>>) src(%dma_wait3A_97 : memref<20480x32xf32, #tpu.memory_space<hbm>>) dst(%arg10 : memref<128x32xf32, #tpu.memory_space<vmem>>)
        %add3A_98 = arith.constant 1 : i32
        %add3A_99 = arith.addi %mul3A_70, %add3A_98 : i32
        "tpu.region"() ({
          %run_scoped3A = tpu.sem_alloc : memref<!tpu.dma_semaphore, #tpu.memory_space<semaphore_mem>>
          %dma_start3A_106 = arith.constant 0 : i32
          %dma_start3A_107 = tpu.memref_slice %arg8[%add3A_99, %dma_start3A_106] : memref<32x128xi32, #tpu.memory_space<vmem>> -> memref<1x128xi32, #tpu.memory_space<vmem>>
          %dma_start3A_108 = tpu.memref_squeeze %dma_start3A_107 : memref<1x128xi32, #tpu.memory_space<vmem>> -> memref<128xi32, #tpu.memory_space<vmem>>
          %dma_start3A_109 = arith.constant 0 : i32
          %dma_start3A_110 = arith.constant 0 : i32
          %dma_start3A_111 = tpu.memref_slice %arg11[%dma_start3A_109, %dma_start3A_110] : memref<10240x32xf32, #tpu.memory_space<vmem_shared>> -> memref<10240x32xf32, #tpu.memory_space<vmem_shared>>
          tpu.enqueue_indirect_dma source(%arg10 : memref<128x32xf32, #tpu.memory_space<vmem>>) target(%dma_start3A_111 : memref<10240x32xf32, #tpu.memory_space<vmem_shared>>) offsets(%dma_start3A_108 : memref<128xi32, #tpu.memory_space<vmem>>) semaphore(%run_scoped3A : memref<!tpu.dma_semaphore, #tpu.memory_space<semaphore_mem>>) {add = true}
          %dma_wait3A_112 = arith.constant 0 : i32
          %dma_wait3A_113 = tpu.memref_slice %arg8[%add3A_99, %dma_wait3A_112] : memref<32x128xi32, #tpu.memory_space<vmem>> -> memref<1x128xi32, #tpu.memory_space<vmem>>
          %dma_wait3A_114 = tpu.memref_squeeze %dma_wait3A_113 : memref<1x128xi32, #tpu.memory_space<vmem>> -> memref<128xi32, #tpu.memory_space<vmem>>
          %dma_wait3A_115 = arith.constant 0 : i32
          %dma_wait3A_116 = arith.constant 0 : i32
          %dma_wait3A_117 = tpu.memref_slice %arg11[%dma_wait3A_115, %dma_wait3A_116] : memref<10240x32xf32, #tpu.memory_space<vmem_shared>> -> memref<10240x32xf32, #tpu.memory_space<vmem_shared>>
          tpu.wait_indirect_dma semaphore(%run_scoped3A : memref<!tpu.dma_semaphore, #tpu.memory_space<semaphore_mem>>) src(%arg10 : memref<128x32xf32, #tpu.memory_space<vmem>>) dst(%dma_wait3A_117 : memref<10240x32xf32, #tpu.memory_space<vmem_shared>>)
          tpu.yield
        }) : () -> ()
        %dma_start3A_100 = arith.constant 0 : i32
        %dma_start3A_101 = tpu.memref_slice %arg7[%min3A_77, %dma_start3A_100] : memref<32x128xi32, #tpu.memory_space<vmem>> -> memref<1x128xi32, #tpu.memory_space<vmem>>
        %dma_start3A_102 = tpu.memref_squeeze %dma_start3A_101 : memref<1x128xi32, #tpu.memory_space<vmem>> -> memref<128xi32, #tpu.memory_space<vmem>>
        %dma_start3A_103 = arith.constant 0 : i32
        %dma_start3A_104 = arith.constant 0 : i32
        %dma_start3A_105 = tpu.memref_slice %arg2[%dma_start3A_103, %dma_start3A_104] : memref<20480x32xf32, #tpu.memory_space<hbm>> -> memref<20480x32xf32, #tpu.memory_space<hbm>>
        tpu.enqueue_indirect_dma source(%dma_start3A_105 : memref<20480x32xf32, #tpu.memory_space<hbm>>) target(%arg10 : memref<128x32xf32, #tpu.memory_space<vmem>>) offsets(%dma_start3A_102 : memref<128xi32, #tpu.memory_space<vmem>>) semaphore(%arg13 : memref<!tpu.dma_semaphore, #tpu.memory_space<semaphore_mem>>)
      }
      %scan3A_54 = arith.constant 16 : i32
      %dma_wait3A = arith.constant 0 : i32
      %dma_wait3A_55 = arith.constant 0 : i32
      %dma_wait3A_56 = tpu.memref_slice %arg7[%dma_wait3A, %dma_wait3A_55] : memref<32x128xi32, #tpu.memory_space<vmem>> -> memref<1x128xi32, #tpu.memory_space<vmem>>
      %dma_wait3A_57 = tpu.memref_squeeze %dma_wait3A_56 : memref<1x128xi32, #tpu.memory_space<vmem>> -> memref<128xi32, #tpu.memory_space<vmem>>
      %dma_wait3A_58 = arith.constant 0 : i32
      %dma_wait3A_59 = arith.constant 0 : i32
      %dma_wait3A_60 = tpu.memref_slice %arg2[%dma_wait3A_58, %dma_wait3A_59] : memref<20480x32xf32, #tpu.memory_space<hbm>> -> memref<20480x32xf32, #tpu.memory_space<hbm>>
      tpu.wait_indirect_dma semaphore(%arg12 : memref<!tpu.dma_semaphore, #tpu.memory_space<semaphore_mem>>) src(%dma_wait3A_60 : memref<20480x32xf32, #tpu.memory_space<hbm>>) dst(%arg9 : memref<128x32xf32, #tpu.memory_space<vmem>>)
      %dma_wait3A_61 = arith.constant 0 : i32
      %dma_wait3A_62 = arith.constant 0 : i32
      %dma_wait3A_63 = tpu.memref_slice %arg7[%dma_wait3A_61, %dma_wait3A_62] : memref<32x128xi32, #tpu.memory_space<vmem>> -> memref<1x128xi32, #tpu.memory_space<vmem>>
      %dma_wait3A_64 = tpu.memref_squeeze %dma_wait3A_63 : memref<1x128xi32, #tpu.memory_space<vmem>> -> memref<128xi32, #tpu.memory_space<vmem>>
      %dma_wait3A_65 = arith.constant 0 : i32
      %dma_wait3A_66 = arith.constant 0 : i32
      %dma_wait3A_67 = tpu.memref_slice %arg2[%dma_wait3A_65, %dma_wait3A_66] : memref<20480x32xf32, #tpu.memory_space<hbm>> -> memref<20480x32xf32, #tpu.memory_space<hbm>>
      tpu.wait_indirect_dma semaphore(%arg13 : memref<!tpu.dma_semaphore, #tpu.memory_space<semaphore_mem>>) src(%dma_wait3A_67 : memref<20480x32xf32, #tpu.memory_space<hbm>>) dst(%arg10 : memref<128x32xf32, #tpu.memory_space<vmem>>)
    }
    %scan3A_22 = arith.constant 5 : i32
    %barrier3A_23 = arith.constant 0 : index
    tpu.barrier barrier_id(%barrier3A_23)
    %mul3A_24 = arith.constant 640 : i32
    %mul3A_25 = arith.muli %arg1, %mul3A_24 : i32
    %mul3A_26 = arith.constant 10240 : i32
    %mul3A_27 = arith.muli %arg0, %mul3A_26 : i32
    %mul3A_28 = arith.constant 640 : i32
    %mul3A_29 = arith.muli %arg1, %mul3A_28 : i32
    %add3A_30 = arith.addi %mul3A_27, %mul3A_29 : i32
    "tpu.region"() ({
      %run_scoped3A = tpu.sem_alloc : memref<!tpu.dma_semaphore, #tpu.memory_space<semaphore_mem>>
      %dma_start3A = arith.constant 0 : i32
      %dma_start3A_31 = tpu.memref_slice %arg6[%add3A_30, %dma_start3A] : memref<20480x32xf32, #tpu.memory_space<hbm>> -> memref<640x32xf32, #tpu.memory_space<hbm>>
      %dma_start3A_32 = arith.constant 0 : i32
      %dma_start3A_33 = tpu.memref_slice %arg11[%mul3A_25, %dma_start3A_32] : memref<10240x32xf32, #tpu.memory_space<vmem_shared>> -> memref<640x32xf32, #tpu.memory_space<vmem_shared>>
      tpu.enqueue_dma source(%dma_start3A_33 : memref<640x32xf32, #tpu.memory_space<vmem_shared>>) target(%dma_start3A_31 : memref<640x32xf32, #tpu.memory_space<hbm>>) target_semaphore(%run_scoped3A : memref<!tpu.dma_semaphore, #tpu.memory_space<semaphore_mem>>)
      %dma_wait3A = arith.constant 0 : i32
      %dma_wait3A_34 = tpu.memref_slice %arg6[%add3A_30, %dma_wait3A] : memref<20480x32xf32, #tpu.memory_space<hbm>> -> memref<640x32xf32, #tpu.memory_space<hbm>>
      %dma_wait3A_35 = arith.constant 0 : i32
      %dma_wait3A_36 = tpu.memref_slice %arg11[%mul3A_25, %dma_wait3A_35] : memref<10240x32xf32, #tpu.memory_space<vmem_shared>> -> memref<640x32xf32, #tpu.memory_space<vmem_shared>>
      tpu.wait_dma2 semaphore(%run_scoped3A : memref<!tpu.dma_semaphore, #tpu.memory_space<semaphore_mem>>) src(%dma_wait3A_36 : memref<640x32xf32, #tpu.memory_space<vmem_shared>>) dst(%dma_wait3A_34 : memref<640x32xf32, #tpu.memory_space<hbm>>)
      tpu.yield
    }) : () -> ()
    return
  }
}

#map = affine_map<(d0, d1) -> (0, 0, 0, 0)>
#map1 = affine_map<(d0, d1) -> (0, 0)>
module attributes {stable_mosaic.version = 14 : i64} {
  func.func @_deg_body(%arg0: i32, %arg1: i32, %arg2: memref<2x16x160x128xi32, #tpu.memory_space<hbm>>, %arg3: memref<256x16xf32, #tpu.memory_space<hbm>>, %arg4: memref<20480x16xf32, #tpu.memory_space<hbm>>, %arg5: memref<128x16xf32, #tpu.memory_space<vmem>>, %arg6: memref<160x128xi32, #tpu.memory_space<vmem>>, %arg7: memref<10240x16xf32, #tpu.memory_space<vmem_shared>>, %arg8: memref<!tpu.dma_semaphore, #tpu.memory_space<semaphore_mem>>) attributes {dimension_semantics = [#tpu.dimension_semantics<core_parallel>, #tpu.dimension_semantics<subcore_parallel>], iteration_bounds = array<i64: 2, 16>, scalar_prefetch = 0 : i64, scratch_operands = 4 : i64, tpu.core_type = #tpu.core_type<sc_vector_subcore>, window_params = [{transform_indices = #map}, {transform_indices = #map1}, {transform_indices = #map1}]} {
    "tpu.region"() ({
      %run_scoped3A = tpu.sem_alloc : memref<!tpu.dma_semaphore, #tpu.memory_space<semaphore_mem>>
      %dma_start3A = arith.constant 0 : i32
      %dma_start3A_31 = arith.constant 0 : i32
      %dma_start3A_32 = tpu.memref_slice %arg3[%dma_start3A, %dma_start3A_31] : memref<256x16xf32, #tpu.memory_space<hbm>> -> memref<128x16xf32, #tpu.memory_space<hbm>>
      %dma_start3A_33 = arith.constant 0 : i32
      %dma_start3A_34 = arith.constant 0 : i32
      %dma_start3A_35 = tpu.memref_slice %arg3[%dma_start3A_33, %dma_start3A_34] : memref<256x16xf32, #tpu.memory_space<hbm>> -> memref<128x16xf32, #tpu.memory_space<hbm>>
      tpu.enqueue_dma source(%dma_start3A_35 : memref<128x16xf32, #tpu.memory_space<hbm>>) target(%arg5 : memref<128x16xf32, #tpu.memory_space<vmem>>) target_semaphore(%run_scoped3A : memref<!tpu.dma_semaphore, #tpu.memory_space<semaphore_mem>>)
      %dma_wait3A = arith.constant 0 : i32
      %dma_wait3A_36 = arith.constant 0 : i32
      %dma_wait3A_37 = tpu.memref_slice %arg3[%dma_wait3A, %dma_wait3A_36] : memref<256x16xf32, #tpu.memory_space<hbm>> -> memref<128x16xf32, #tpu.memory_space<hbm>>
      %dma_wait3A_38 = arith.constant 0 : i32
      %dma_wait3A_39 = arith.constant 0 : i32
      %dma_wait3A_40 = tpu.memref_slice %arg3[%dma_wait3A_38, %dma_wait3A_39] : memref<256x16xf32, #tpu.memory_space<hbm>> -> memref<128x16xf32, #tpu.memory_space<hbm>>
      tpu.wait_dma2 semaphore(%run_scoped3A : memref<!tpu.dma_semaphore, #tpu.memory_space<semaphore_mem>>) src(%dma_wait3A_40 : memref<128x16xf32, #tpu.memory_space<hbm>>) dst(%arg5 : memref<128x16xf32, #tpu.memory_space<vmem>>)
      tpu.yield
    }) : () -> ()
    %mul3A = arith.constant 640 : i32
    %mul3A_0 = arith.muli %arg1, %mul3A : i32
    %add3A = arith.constant 0 : i32
    %add3A_1 = arith.addi %mul3A_0, %add3A : i32
    "tpu.region"() ({
      %run_scoped3A = tpu.sem_alloc : memref<!tpu.dma_semaphore, #tpu.memory_space<semaphore_mem>>
      %dma_start3A = arith.constant 0 : i32
      %dma_start3A_31 = tpu.memref_slice %arg7[%add3A_1, %dma_start3A] : memref<10240x16xf32, #tpu.memory_space<vmem_shared>> -> memref<128x16xf32, #tpu.memory_space<vmem_shared>>
      %dma_start3A_32 = arith.constant 0 : i32
      %dma_start3A_33 = tpu.memref_slice %arg7[%add3A_1, %dma_start3A_32] : memref<10240x16xf32, #tpu.memory_space<vmem_shared>> -> memref<128x16xf32, #tpu.memory_space<vmem_shared>>
      tpu.enqueue_dma source(%arg5 : memref<128x16xf32, #tpu.memory_space<vmem>>) target(%dma_start3A_33 : memref<128x16xf32, #tpu.memory_space<vmem_shared>>) target_semaphore(%run_scoped3A : memref<!tpu.dma_semaphore, #tpu.memory_space<semaphore_mem>>)
      %dma_wait3A = arith.constant 0 : i32
      %dma_wait3A_34 = tpu.memref_slice %arg7[%add3A_1, %dma_wait3A] : memref<10240x16xf32, #tpu.memory_space<vmem_shared>> -> memref<128x16xf32, #tpu.memory_space<vmem_shared>>
      %dma_wait3A_35 = arith.constant 0 : i32
      %dma_wait3A_36 = tpu.memref_slice %arg7[%add3A_1, %dma_wait3A_35] : memref<10240x16xf32, #tpu.memory_space<vmem_shared>> -> memref<128x16xf32, #tpu.memory_space<vmem_shared>>
      tpu.wait_dma2 semaphore(%run_scoped3A : memref<!tpu.dma_semaphore, #tpu.memory_space<semaphore_mem>>) src(%arg5 : memref<128x16xf32, #tpu.memory_space<vmem>>) dst(%dma_wait3A_36 : memref<128x16xf32, #tpu.memory_space<vmem_shared>>)
      tpu.yield
    }) : () -> ()
    %mul3A_2 = arith.constant 640 : i32
    %mul3A_3 = arith.muli %arg1, %mul3A_2 : i32
    %add3A_4 = arith.constant 128 : i32
    %add3A_5 = arith.addi %mul3A_3, %add3A_4 : i32
    "tpu.region"() ({
      %run_scoped3A = tpu.sem_alloc : memref<!tpu.dma_semaphore, #tpu.memory_space<semaphore_mem>>
      %dma_start3A = arith.constant 0 : i32
      %dma_start3A_31 = tpu.memref_slice %arg7[%add3A_5, %dma_start3A] : memref<10240x16xf32, #tpu.memory_space<vmem_shared>> -> memref<128x16xf32, #tpu.memory_space<vmem_shared>>
      %dma_start3A_32 = arith.constant 0 : i32
      %dma_start3A_33 = tpu.memref_slice %arg7[%add3A_5, %dma_start3A_32] : memref<10240x16xf32, #tpu.memory_space<vmem_shared>> -> memref<128x16xf32, #tpu.memory_space<vmem_shared>>
      tpu.enqueue_dma source(%arg5 : memref<128x16xf32, #tpu.memory_space<vmem>>) target(%dma_start3A_33 : memref<128x16xf32, #tpu.memory_space<vmem_shared>>) target_semaphore(%run_scoped3A : memref<!tpu.dma_semaphore, #tpu.memory_space<semaphore_mem>>)
      %dma_wait3A = arith.constant 0 : i32
      %dma_wait3A_34 = tpu.memref_slice %arg7[%add3A_5, %dma_wait3A] : memref<10240x16xf32, #tpu.memory_space<vmem_shared>> -> memref<128x16xf32, #tpu.memory_space<vmem_shared>>
      %dma_wait3A_35 = arith.constant 0 : i32
      %dma_wait3A_36 = tpu.memref_slice %arg7[%add3A_5, %dma_wait3A_35] : memref<10240x16xf32, #tpu.memory_space<vmem_shared>> -> memref<128x16xf32, #tpu.memory_space<vmem_shared>>
      tpu.wait_dma2 semaphore(%run_scoped3A : memref<!tpu.dma_semaphore, #tpu.memory_space<semaphore_mem>>) src(%arg5 : memref<128x16xf32, #tpu.memory_space<vmem>>) dst(%dma_wait3A_36 : memref<128x16xf32, #tpu.memory_space<vmem_shared>>)
      tpu.yield
    }) : () -> ()
    %mul3A_6 = arith.constant 640 : i32
    %mul3A_7 = arith.muli %arg1, %mul3A_6 : i32
    %add3A_8 = arith.constant 256 : i32
    %add3A_9 = arith.addi %mul3A_7, %add3A_8 : i32
    "tpu.region"() ({
      %run_scoped3A = tpu.sem_alloc : memref<!tpu.dma_semaphore, #tpu.memory_space<semaphore_mem>>
      %dma_start3A = arith.constant 0 : i32
      %dma_start3A_31 = tpu.memref_slice %arg7[%add3A_9, %dma_start3A] : memref<10240x16xf32, #tpu.memory_space<vmem_shared>> -> memref<128x16xf32, #tpu.memory_space<vmem_shared>>
      %dma_start3A_32 = arith.constant 0 : i32
      %dma_start3A_33 = tpu.memref_slice %arg7[%add3A_9, %dma_start3A_32] : memref<10240x16xf32, #tpu.memory_space<vmem_shared>> -> memref<128x16xf32, #tpu.memory_space<vmem_shared>>
      tpu.enqueue_dma source(%arg5 : memref<128x16xf32, #tpu.memory_space<vmem>>) target(%dma_start3A_33 : memref<128x16xf32, #tpu.memory_space<vmem_shared>>) target_semaphore(%run_scoped3A : memref<!tpu.dma_semaphore, #tpu.memory_space<semaphore_mem>>)
      %dma_wait3A = arith.constant 0 : i32
      %dma_wait3A_34 = tpu.memref_slice %arg7[%add3A_9, %dma_wait3A] : memref<10240x16xf32, #tpu.memory_space<vmem_shared>> -> memref<128x16xf32, #tpu.memory_space<vmem_shared>>
      %dma_wait3A_35 = arith.constant 0 : i32
      %dma_wait3A_36 = tpu.memref_slice %arg7[%add3A_9, %dma_wait3A_35] : memref<10240x16xf32, #tpu.memory_space<vmem_shared>> -> memref<128x16xf32, #tpu.memory_space<vmem_shared>>
      tpu.wait_dma2 semaphore(%run_scoped3A : memref<!tpu.dma_semaphore, #tpu.memory_space<semaphore_mem>>) src(%arg5 : memref<128x16xf32, #tpu.memory_space<vmem>>) dst(%dma_wait3A_36 : memref<128x16xf32, #tpu.memory_space<vmem_shared>>)
      tpu.yield
    }) : () -> ()
    %mul3A_10 = arith.constant 640 : i32
    %mul3A_11 = arith.muli %arg1, %mul3A_10 : i32
    %add3A_12 = arith.constant 384 : i32
    %add3A_13 = arith.addi %mul3A_11, %add3A_12 : i32
    "tpu.region"() ({
      %run_scoped3A = tpu.sem_alloc : memref<!tpu.dma_semaphore, #tpu.memory_space<semaphore_mem>>
      %dma_start3A = arith.constant 0 : i32
      %dma_start3A_31 = tpu.memref_slice %arg7[%add3A_13, %dma_start3A] : memref<10240x16xf32, #tpu.memory_space<vmem_shared>> -> memref<128x16xf32, #tpu.memory_space<vmem_shared>>
      %dma_start3A_32 = arith.constant 0 : i32
      %dma_start3A_33 = tpu.memref_slice %arg7[%add3A_13, %dma_start3A_32] : memref<10240x16xf32, #tpu.memory_space<vmem_shared>> -> memref<128x16xf32, #tpu.memory_space<vmem_shared>>
      tpu.enqueue_dma source(%arg5 : memref<128x16xf32, #tpu.memory_space<vmem>>) target(%dma_start3A_33 : memref<128x16xf32, #tpu.memory_space<vmem_shared>>) target_semaphore(%run_scoped3A : memref<!tpu.dma_semaphore, #tpu.memory_space<semaphore_mem>>)
      %dma_wait3A = arith.constant 0 : i32
      %dma_wait3A_34 = tpu.memref_slice %arg7[%add3A_13, %dma_wait3A] : memref<10240x16xf32, #tpu.memory_space<vmem_shared>> -> memref<128x16xf32, #tpu.memory_space<vmem_shared>>
      %dma_wait3A_35 = arith.constant 0 : i32
      %dma_wait3A_36 = tpu.memref_slice %arg7[%add3A_13, %dma_wait3A_35] : memref<10240x16xf32, #tpu.memory_space<vmem_shared>> -> memref<128x16xf32, #tpu.memory_space<vmem_shared>>
      tpu.wait_dma2 semaphore(%run_scoped3A : memref<!tpu.dma_semaphore, #tpu.memory_space<semaphore_mem>>) src(%arg5 : memref<128x16xf32, #tpu.memory_space<vmem>>) dst(%dma_wait3A_36 : memref<128x16xf32, #tpu.memory_space<vmem_shared>>)
      tpu.yield
    }) : () -> ()
    %mul3A_14 = arith.constant 640 : i32
    %mul3A_15 = arith.muli %arg1, %mul3A_14 : i32
    %add3A_16 = arith.constant 512 : i32
    %add3A_17 = arith.addi %mul3A_15, %add3A_16 : i32
    "tpu.region"() ({
      %run_scoped3A = tpu.sem_alloc : memref<!tpu.dma_semaphore, #tpu.memory_space<semaphore_mem>>
      %dma_start3A = arith.constant 0 : i32
      %dma_start3A_31 = tpu.memref_slice %arg7[%add3A_17, %dma_start3A] : memref<10240x16xf32, #tpu.memory_space<vmem_shared>> -> memref<128x16xf32, #tpu.memory_space<vmem_shared>>
      %dma_start3A_32 = arith.constant 0 : i32
      %dma_start3A_33 = tpu.memref_slice %arg7[%add3A_17, %dma_start3A_32] : memref<10240x16xf32, #tpu.memory_space<vmem_shared>> -> memref<128x16xf32, #tpu.memory_space<vmem_shared>>
      tpu.enqueue_dma source(%arg5 : memref<128x16xf32, #tpu.memory_space<vmem>>) target(%dma_start3A_33 : memref<128x16xf32, #tpu.memory_space<vmem_shared>>) target_semaphore(%run_scoped3A : memref<!tpu.dma_semaphore, #tpu.memory_space<semaphore_mem>>)
      %dma_wait3A = arith.constant 0 : i32
      %dma_wait3A_34 = tpu.memref_slice %arg7[%add3A_17, %dma_wait3A] : memref<10240x16xf32, #tpu.memory_space<vmem_shared>> -> memref<128x16xf32, #tpu.memory_space<vmem_shared>>
      %dma_wait3A_35 = arith.constant 0 : i32
      %dma_wait3A_36 = tpu.memref_slice %arg7[%add3A_17, %dma_wait3A_35] : memref<10240x16xf32, #tpu.memory_space<vmem_shared>> -> memref<128x16xf32, #tpu.memory_space<vmem_shared>>
      tpu.wait_dma2 semaphore(%run_scoped3A : memref<!tpu.dma_semaphore, #tpu.memory_space<semaphore_mem>>) src(%arg5 : memref<128x16xf32, #tpu.memory_space<vmem>>) dst(%dma_wait3A_36 : memref<128x16xf32, #tpu.memory_space<vmem_shared>>)
      tpu.yield
    }) : () -> ()
    %barrier3A = arith.constant 0 : index
    tpu.barrier barrier_id(%barrier3A)
    "tpu.region"() ({
      %run_scoped3A = tpu.sem_alloc : memref<!tpu.dma_semaphore, #tpu.memory_space<semaphore_mem>>
      %dma_start3A = arith.constant 128 : i32
      %dma_start3A_31 = arith.constant 0 : i32
      %dma_start3A_32 = tpu.memref_slice %arg3[%dma_start3A, %dma_start3A_31] : memref<256x16xf32, #tpu.memory_space<hbm>> -> memref<128x16xf32, #tpu.memory_space<hbm>>
      %dma_start3A_33 = arith.constant 128 : i32
      %dma_start3A_34 = arith.constant 0 : i32
      %dma_start3A_35 = tpu.memref_slice %arg3[%dma_start3A_33, %dma_start3A_34] : memref<256x16xf32, #tpu.memory_space<hbm>> -> memref<128x16xf32, #tpu.memory_space<hbm>>
      tpu.enqueue_dma source(%dma_start3A_35 : memref<128x16xf32, #tpu.memory_space<hbm>>) target(%arg5 : memref<128x16xf32, #tpu.memory_space<vmem>>) target_semaphore(%run_scoped3A : memref<!tpu.dma_semaphore, #tpu.memory_space<semaphore_mem>>)
      %dma_wait3A = arith.constant 128 : i32
      %dma_wait3A_36 = arith.constant 0 : i32
      %dma_wait3A_37 = tpu.memref_slice %arg3[%dma_wait3A, %dma_wait3A_36] : memref<256x16xf32, #tpu.memory_space<hbm>> -> memref<128x16xf32, #tpu.memory_space<hbm>>
      %dma_wait3A_38 = arith.constant 128 : i32
      %dma_wait3A_39 = arith.constant 0 : i32
      %dma_wait3A_40 = tpu.memref_slice %arg3[%dma_wait3A_38, %dma_wait3A_39] : memref<256x16xf32, #tpu.memory_space<hbm>> -> memref<128x16xf32, #tpu.memory_space<hbm>>
      tpu.wait_dma2 semaphore(%run_scoped3A : memref<!tpu.dma_semaphore, #tpu.memory_space<semaphore_mem>>) src(%dma_wait3A_40 : memref<128x16xf32, #tpu.memory_space<hbm>>) dst(%arg5 : memref<128x16xf32, #tpu.memory_space<vmem>>)
      tpu.yield
    }) : () -> ()
    "tpu.region"() ({
      %run_scoped3A = tpu.sem_alloc : memref<!tpu.dma_semaphore, #tpu.memory_space<semaphore_mem>>
      %dma_start3A = arith.constant 0 : i32
      %dma_start3A_31 = arith.constant 0 : i32
      %dma_start3A_32 = tpu.memref_slice %arg2[%arg0, %arg1, %dma_start3A, %dma_start3A_31] : memref<2x16x160x128xi32, #tpu.memory_space<hbm>> -> memref<1x1x160x128xi32, #tpu.memory_space<hbm>>
      %dma_start3A_33 = tpu.memref_squeeze %dma_start3A_32 : memref<1x1x160x128xi32, #tpu.memory_space<hbm>> -> memref<160x128xi32, #tpu.memory_space<hbm>>
      %dma_start3A_34 = arith.constant 0 : i32
      %dma_start3A_35 = arith.constant 0 : i32
      %dma_start3A_36 = tpu.memref_slice %arg2[%arg0, %arg1, %dma_start3A_34, %dma_start3A_35] : memref<2x16x160x128xi32, #tpu.memory_space<hbm>> -> memref<1x1x160x128xi32, #tpu.memory_space<hbm>>
      %dma_start3A_37 = tpu.memref_squeeze %dma_start3A_36 : memref<1x1x160x128xi32, #tpu.memory_space<hbm>> -> memref<160x128xi32, #tpu.memory_space<hbm>>
      tpu.enqueue_dma source(%dma_start3A_37 : memref<160x128xi32, #tpu.memory_space<hbm>>) target(%arg6 : memref<160x128xi32, #tpu.memory_space<vmem>>) target_semaphore(%run_scoped3A : memref<!tpu.dma_semaphore, #tpu.memory_space<semaphore_mem>>)
      %dma_wait3A = arith.constant 0 : i32
      %dma_wait3A_38 = arith.constant 0 : i32
      %dma_wait3A_39 = tpu.memref_slice %arg2[%arg0, %arg1, %dma_wait3A, %dma_wait3A_38] : memref<2x16x160x128xi32, #tpu.memory_space<hbm>> -> memref<1x1x160x128xi32, #tpu.memory_space<hbm>>
      %dma_wait3A_40 = tpu.memref_squeeze %dma_wait3A_39 : memref<1x1x160x128xi32, #tpu.memory_space<hbm>> -> memref<160x128xi32, #tpu.memory_space<hbm>>
      %dma_wait3A_41 = arith.constant 0 : i32
      %dma_wait3A_42 = arith.constant 0 : i32
      %dma_wait3A_43 = tpu.memref_slice %arg2[%arg0, %arg1, %dma_wait3A_41, %dma_wait3A_42] : memref<2x16x160x128xi32, #tpu.memory_space<hbm>> -> memref<1x1x160x128xi32, #tpu.memory_space<hbm>>
      %dma_wait3A_44 = tpu.memref_squeeze %dma_wait3A_43 : memref<1x1x160x128xi32, #tpu.memory_space<hbm>> -> memref<160x128xi32, #tpu.memory_space<hbm>>
      tpu.wait_dma2 semaphore(%run_scoped3A : memref<!tpu.dma_semaphore, #tpu.memory_space<semaphore_mem>>) src(%dma_wait3A_44 : memref<160x128xi32, #tpu.memory_space<hbm>>) dst(%arg6 : memref<160x128xi32, #tpu.memory_space<vmem>>)
      tpu.yield
    }) : () -> ()
    %scan3A = arith.constant 0 : i32
    %scan3A_18 = arith.constant 0 : i32
    %scan3A_19 = arith.constant 160 : i32
    %scan3A_20 = arith.addi %scan3A_18, %scan3A_19 : i32
    %scan3A_21 = arith.constant 1 : i32
    scf.for %scan3A_31 = %scan3A_18 to %scan3A_20 step %scan3A_21  : i32 {
      "tpu.region"() ({
        %run_scoped3A = tpu.sem_alloc : memref<!tpu.dma_semaphore, #tpu.memory_space<semaphore_mem>>
        %dma_start3A = arith.constant 0 : i32
        %dma_start3A_32 = tpu.memref_slice %arg6[%scan3A_31, %dma_start3A] : memref<160x128xi32, #tpu.memory_space<vmem>> -> memref<1x128xi32, #tpu.memory_space<vmem>>
        %dma_start3A_33 = tpu.memref_squeeze %dma_start3A_32 : memref<1x128xi32, #tpu.memory_space<vmem>> -> memref<128xi32, #tpu.memory_space<vmem>>
        %dma_start3A_34 = arith.constant 0 : i32
        %dma_start3A_35 = arith.constant 0 : i32
        %dma_start3A_36 = tpu.memref_slice %arg7[%dma_start3A_34, %dma_start3A_35] : memref<10240x16xf32, #tpu.memory_space<vmem_shared>> -> memref<10240x16xf32, #tpu.memory_space<vmem_shared>>
        tpu.enqueue_indirect_dma source(%arg5 : memref<128x16xf32, #tpu.memory_space<vmem>>) target(%dma_start3A_36 : memref<10240x16xf32, #tpu.memory_space<vmem_shared>>) offsets(%dma_start3A_33 : memref<128xi32, #tpu.memory_space<vmem>>) semaphore(%run_scoped3A : memref<!tpu.dma_semaphore, #tpu.memory_space<semaphore_mem>>) {add = true}
        %dma_wait3A = arith.constant 0 : i32
        %dma_wait3A_37 = tpu.memref_slice %arg6[%scan3A_31, %dma_wait3A] : memref<160x128xi32, #tpu.memory_space<vmem>> -> memref<1x128xi32, #tpu.memory_space<vmem>>
        %dma_wait3A_38 = tpu.memref_squeeze %dma_wait3A_37 : memref<1x128xi32, #tpu.memory_space<vmem>> -> memref<128xi32, #tpu.memory_space<vmem>>
        %dma_wait3A_39 = arith.constant 0 : i32
        %dma_wait3A_40 = arith.constant 0 : i32
        %dma_wait3A_41 = tpu.memref_slice %arg7[%dma_wait3A_39, %dma_wait3A_40] : memref<10240x16xf32, #tpu.memory_space<vmem_shared>> -> memref<10240x16xf32, #tpu.memory_space<vmem_shared>>
        tpu.wait_indirect_dma semaphore(%run_scoped3A : memref<!tpu.dma_semaphore, #tpu.memory_space<semaphore_mem>>) src(%arg5 : memref<128x16xf32, #tpu.memory_space<vmem>>) dst(%dma_wait3A_41 : memref<10240x16xf32, #tpu.memory_space<vmem_shared>>)
        tpu.yield
      }) : () -> ()
    }
    %scan3A_22 = arith.constant 160 : i32
    %barrier3A_23 = arith.constant 0 : index
    tpu.barrier barrier_id(%barrier3A_23)
    %mul3A_24 = arith.constant 640 : i32
    %mul3A_25 = arith.muli %arg1, %mul3A_24 : i32
    %mul3A_26 = arith.constant 10240 : i32
    %mul3A_27 = arith.muli %arg0, %mul3A_26 : i32
    %mul3A_28 = arith.constant 640 : i32
    %mul3A_29 = arith.muli %arg1, %mul3A_28 : i32
    %add3A_30 = arith.addi %mul3A_27, %mul3A_29 : i32
    "tpu.region"() ({
      %run_scoped3A = tpu.sem_alloc : memref<!tpu.dma_semaphore, #tpu.memory_space<semaphore_mem>>
      %dma_start3A = arith.constant 0 : i32
      %dma_start3A_31 = tpu.memref_slice %arg4[%add3A_30, %dma_start3A] : memref<20480x16xf32, #tpu.memory_space<hbm>> -> memref<640x16xf32, #tpu.memory_space<hbm>>
      %dma_start3A_32 = arith.constant 0 : i32
      %dma_start3A_33 = tpu.memref_slice %arg7[%mul3A_25, %dma_start3A_32] : memref<10240x16xf32, #tpu.memory_space<vmem_shared>> -> memref<640x16xf32, #tpu.memory_space<vmem_shared>>
      tpu.enqueue_dma source(%dma_start3A_33 : memref<640x16xf32, #tpu.memory_space<vmem_shared>>) target(%dma_start3A_31 : memref<640x16xf32, #tpu.memory_space<hbm>>) target_semaphore(%run_scoped3A : memref<!tpu.dma_semaphore, #tpu.memory_space<semaphore_mem>>)
      %dma_wait3A = arith.constant 0 : i32
      %dma_wait3A_34 = tpu.memref_slice %arg4[%add3A_30, %dma_wait3A] : memref<20480x16xf32, #tpu.memory_space<hbm>> -> memref<640x16xf32, #tpu.memory_space<hbm>>
      %dma_wait3A_35 = arith.constant 0 : i32
      %dma_wait3A_36 = tpu.memref_slice %arg7[%mul3A_25, %dma_wait3A_35] : memref<10240x16xf32, #tpu.memory_space<vmem_shared>> -> memref<640x16xf32, #tpu.memory_space<vmem_shared>>
      tpu.wait_dma2 semaphore(%run_scoped3A : memref<!tpu.dma_semaphore, #tpu.memory_space<semaphore_mem>>) src(%dma_wait3A_36 : memref<640x16xf32, #tpu.memory_space<vmem_shared>>) dst(%dma_wait3A_34 : memref<640x16xf32, #tpu.memory_space<hbm>>)
      tpu.yield
    }) : () -> ()
    return
  }
}

#map = affine_map<(d0, d1) -> (0, 0)>
#map1 = affine_map<(d0, d1) -> (0, 0, 0, 0)>
module attributes {stable_mosaic.version = 14 : i64} {
  func.func @_agg_body(%arg0: i32, %arg1: i32, %arg2: memref<20480x128xf32, #tpu.memory_space<hbm>>, %arg3: memref<2x16x160x128xi32, #tpu.memory_space<hbm>>, %arg4: memref<2x16x160x128xi32, #tpu.memory_space<hbm>>, %arg5: memref<128x128xf32, #tpu.memory_space<hbm>>, %arg6: memref<20480x128xf32, #tpu.memory_space<hbm>>, %arg7: memref<32x128xi32, #tpu.memory_space<vmem>>, %arg8: memref<32x128xi32, #tpu.memory_space<vmem>>, %arg9: memref<128x128xf32, #tpu.memory_space<vmem>>, %arg10: memref<128x128xf32, #tpu.memory_space<vmem>>, %arg11: memref<10240x128xf32, #tpu.memory_space<vmem_shared>>, %arg12: memref<!tpu.dma_semaphore, #tpu.memory_space<semaphore_mem>>, %arg13: memref<!tpu.dma_semaphore, #tpu.memory_space<semaphore_mem>>) attributes {dimension_semantics = [#tpu.dimension_semantics<core_parallel>, #tpu.dimension_semantics<subcore_parallel>], iteration_bounds = array<i64: 2, 16>, scalar_prefetch = 0 : i64, scratch_operands = 7 : i64, tpu.core_type = #tpu.core_type<sc_vector_subcore>, window_params = [{transform_indices = #map}, {transform_indices = #map1}, {transform_indices = #map1}, {transform_indices = #map}, {transform_indices = #map}]} {
    "tpu.region"() ({
      %run_scoped3A = tpu.sem_alloc : memref<!tpu.dma_semaphore, #tpu.memory_space<semaphore_mem>>
      tpu.enqueue_dma source(%arg5 : memref<128x128xf32, #tpu.memory_space<hbm>>) target(%arg9 : memref<128x128xf32, #tpu.memory_space<vmem>>) target_semaphore(%run_scoped3A : memref<!tpu.dma_semaphore, #tpu.memory_space<semaphore_mem>>)
      tpu.wait_dma2 semaphore(%run_scoped3A : memref<!tpu.dma_semaphore, #tpu.memory_space<semaphore_mem>>) src(%arg5 : memref<128x128xf32, #tpu.memory_space<hbm>>) dst(%arg9 : memref<128x128xf32, #tpu.memory_space<vmem>>)
      tpu.yield
    }) : () -> ()
    %mul3A = arith.constant 640 : i32
    %mul3A_0 = arith.muli %arg1, %mul3A : i32
    %add3A = arith.constant 0 : i32
    %add3A_1 = arith.addi %mul3A_0, %add3A : i32
    "tpu.region"() ({
      %run_scoped3A = tpu.sem_alloc : memref<!tpu.dma_semaphore, #tpu.memory_space<semaphore_mem>>
      %dma_start3A = arith.constant 0 : i32
      %dma_start3A_31 = tpu.memref_slice %arg11[%add3A_1, %dma_start3A] : memref<10240x128xf32, #tpu.memory_space<vmem_shared>> -> memref<128x128xf32, #tpu.memory_space<vmem_shared>>
      %dma_start3A_32 = arith.constant 0 : i32
      %dma_start3A_33 = tpu.memref_slice %arg11[%add3A_1, %dma_start3A_32] : memref<10240x128xf32, #tpu.memory_space<vmem_shared>> -> memref<128x128xf32, #tpu.memory_space<vmem_shared>>
      tpu.enqueue_dma source(%arg9 : memref<128x128xf32, #tpu.memory_space<vmem>>) target(%dma_start3A_33 : memref<128x128xf32, #tpu.memory_space<vmem_shared>>) target_semaphore(%run_scoped3A : memref<!tpu.dma_semaphore, #tpu.memory_space<semaphore_mem>>)
      %dma_wait3A = arith.constant 0 : i32
      %dma_wait3A_34 = tpu.memref_slice %arg11[%add3A_1, %dma_wait3A] : memref<10240x128xf32, #tpu.memory_space<vmem_shared>> -> memref<128x128xf32, #tpu.memory_space<vmem_shared>>
      %dma_wait3A_35 = arith.constant 0 : i32
      %dma_wait3A_36 = tpu.memref_slice %arg11[%add3A_1, %dma_wait3A_35] : memref<10240x128xf32, #tpu.memory_space<vmem_shared>> -> memref<128x128xf32, #tpu.memory_space<vmem_shared>>
      tpu.wait_dma2 semaphore(%run_scoped3A : memref<!tpu.dma_semaphore, #tpu.memory_space<semaphore_mem>>) src(%arg9 : memref<128x128xf32, #tpu.memory_space<vmem>>) dst(%dma_wait3A_36 : memref<128x128xf32, #tpu.memory_space<vmem_shared>>)
      tpu.yield
    }) : () -> ()
    %mul3A_2 = arith.constant 640 : i32
    %mul3A_3 = arith.muli %arg1, %mul3A_2 : i32
    %add3A_4 = arith.constant 128 : i32
    %add3A_5 = arith.addi %mul3A_3, %add3A_4 : i32
    "tpu.region"() ({
      %run_scoped3A = tpu.sem_alloc : memref<!tpu.dma_semaphore, #tpu.memory_space<semaphore_mem>>
      %dma_start3A = arith.constant 0 : i32
      %dma_start3A_31 = tpu.memref_slice %arg11[%add3A_5, %dma_start3A] : memref<10240x128xf32, #tpu.memory_space<vmem_shared>> -> memref<128x128xf32, #tpu.memory_space<vmem_shared>>
      %dma_start3A_32 = arith.constant 0 : i32
      %dma_start3A_33 = tpu.memref_slice %arg11[%add3A_5, %dma_start3A_32] : memref<10240x128xf32, #tpu.memory_space<vmem_shared>> -> memref<128x128xf32, #tpu.memory_space<vmem_shared>>
      tpu.enqueue_dma source(%arg9 : memref<128x128xf32, #tpu.memory_space<vmem>>) target(%dma_start3A_33 : memref<128x128xf32, #tpu.memory_space<vmem_shared>>) target_semaphore(%run_scoped3A : memref<!tpu.dma_semaphore, #tpu.memory_space<semaphore_mem>>)
      %dma_wait3A = arith.constant 0 : i32
      %dma_wait3A_34 = tpu.memref_slice %arg11[%add3A_5, %dma_wait3A] : memref<10240x128xf32, #tpu.memory_space<vmem_shared>> -> memref<128x128xf32, #tpu.memory_space<vmem_shared>>
      %dma_wait3A_35 = arith.constant 0 : i32
      %dma_wait3A_36 = tpu.memref_slice %arg11[%add3A_5, %dma_wait3A_35] : memref<10240x128xf32, #tpu.memory_space<vmem_shared>> -> memref<128x128xf32, #tpu.memory_space<vmem_shared>>
      tpu.wait_dma2 semaphore(%run_scoped3A : memref<!tpu.dma_semaphore, #tpu.memory_space<semaphore_mem>>) src(%arg9 : memref<128x128xf32, #tpu.memory_space<vmem>>) dst(%dma_wait3A_36 : memref<128x128xf32, #tpu.memory_space<vmem_shared>>)
      tpu.yield
    }) : () -> ()
    %mul3A_6 = arith.constant 640 : i32
    %mul3A_7 = arith.muli %arg1, %mul3A_6 : i32
    %add3A_8 = arith.constant 256 : i32
    %add3A_9 = arith.addi %mul3A_7, %add3A_8 : i32
    "tpu.region"() ({
      %run_scoped3A = tpu.sem_alloc : memref<!tpu.dma_semaphore, #tpu.memory_space<semaphore_mem>>
      %dma_start3A = arith.constant 0 : i32
      %dma_start3A_31 = tpu.memref_slice %arg11[%add3A_9, %dma_start3A] : memref<10240x128xf32, #tpu.memory_space<vmem_shared>> -> memref<128x128xf32, #tpu.memory_space<vmem_shared>>
      %dma_start3A_32 = arith.constant 0 : i32
      %dma_start3A_33 = tpu.memref_slice %arg11[%add3A_9, %dma_start3A_32] : memref<10240x128xf32, #tpu.memory_space<vmem_shared>> -> memref<128x128xf32, #tpu.memory_space<vmem_shared>>
      tpu.enqueue_dma source(%arg9 : memref<128x128xf32, #tpu.memory_space<vmem>>) target(%dma_start3A_33 : memref<128x128xf32, #tpu.memory_space<vmem_shared>>) target_semaphore(%run_scoped3A : memref<!tpu.dma_semaphore, #tpu.memory_space<semaphore_mem>>)
      %dma_wait3A = arith.constant 0 : i32
      %dma_wait3A_34 = tpu.memref_slice %arg11[%add3A_9, %dma_wait3A] : memref<10240x128xf32, #tpu.memory_space<vmem_shared>> -> memref<128x128xf32, #tpu.memory_space<vmem_shared>>
      %dma_wait3A_35 = arith.constant 0 : i32
      %dma_wait3A_36 = tpu.memref_slice %arg11[%add3A_9, %dma_wait3A_35] : memref<10240x128xf32, #tpu.memory_space<vmem_shared>> -> memref<128x128xf32, #tpu.memory_space<vmem_shared>>
      tpu.wait_dma2 semaphore(%run_scoped3A : memref<!tpu.dma_semaphore, #tpu.memory_space<semaphore_mem>>) src(%arg9 : memref<128x128xf32, #tpu.memory_space<vmem>>) dst(%dma_wait3A_36 : memref<128x128xf32, #tpu.memory_space<vmem_shared>>)
      tpu.yield
    }) : () -> ()
    %mul3A_10 = arith.constant 640 : i32
    %mul3A_11 = arith.muli %arg1, %mul3A_10 : i32
    %add3A_12 = arith.constant 384 : i32
    %add3A_13 = arith.addi %mul3A_11, %add3A_12 : i32
    "tpu.region"() ({
      %run_scoped3A = tpu.sem_alloc : memref<!tpu.dma_semaphore, #tpu.memory_space<semaphore_mem>>
      %dma_start3A = arith.constant 0 : i32
      %dma_start3A_31 = tpu.memref_slice %arg11[%add3A_13, %dma_start3A] : memref<10240x128xf32, #tpu.memory_space<vmem_shared>> -> memref<128x128xf32, #tpu.memory_space<vmem_shared>>
      %dma_start3A_32 = arith.constant 0 : i32
      %dma_start3A_33 = tpu.memref_slice %arg11[%add3A_13, %dma_start3A_32] : memref<10240x128xf32, #tpu.memory_space<vmem_shared>> -> memref<128x128xf32, #tpu.memory_space<vmem_shared>>
      tpu.enqueue_dma source(%arg9 : memref<128x128xf32, #tpu.memory_space<vmem>>) target(%dma_start3A_33 : memref<128x128xf32, #tpu.memory_space<vmem_shared>>) target_semaphore(%run_scoped3A : memref<!tpu.dma_semaphore, #tpu.memory_space<semaphore_mem>>)
      %dma_wait3A = arith.constant 0 : i32
      %dma_wait3A_34 = tpu.memref_slice %arg11[%add3A_13, %dma_wait3A] : memref<10240x128xf32, #tpu.memory_space<vmem_shared>> -> memref<128x128xf32, #tpu.memory_space<vmem_shared>>
      %dma_wait3A_35 = arith.constant 0 : i32
      %dma_wait3A_36 = tpu.memref_slice %arg11[%add3A_13, %dma_wait3A_35] : memref<10240x128xf32, #tpu.memory_space<vmem_shared>> -> memref<128x128xf32, #tpu.memory_space<vmem_shared>>
      tpu.wait_dma2 semaphore(%run_scoped3A : memref<!tpu.dma_semaphore, #tpu.memory_space<semaphore_mem>>) src(%arg9 : memref<128x128xf32, #tpu.memory_space<vmem>>) dst(%dma_wait3A_36 : memref<128x128xf32, #tpu.memory_space<vmem_shared>>)
      tpu.yield
    }) : () -> ()
    %mul3A_14 = arith.constant 640 : i32
    %mul3A_15 = arith.muli %arg1, %mul3A_14 : i32
    %add3A_16 = arith.constant 512 : i32
    %add3A_17 = arith.addi %mul3A_15, %add3A_16 : i32
    "tpu.region"() ({
      %run_scoped3A = tpu.sem_alloc : memref<!tpu.dma_semaphore, #tpu.memory_space<semaphore_mem>>
      %dma_start3A = arith.constant 0 : i32
      %dma_start3A_31 = tpu.memref_slice %arg11[%add3A_17, %dma_start3A] : memref<10240x128xf32, #tpu.memory_space<vmem_shared>> -> memref<128x128xf32, #tpu.memory_space<vmem_shared>>
      %dma_start3A_32 = arith.constant 0 : i32
      %dma_start3A_33 = tpu.memref_slice %arg11[%add3A_17, %dma_start3A_32] : memref<10240x128xf32, #tpu.memory_space<vmem_shared>> -> memref<128x128xf32, #tpu.memory_space<vmem_shared>>
      tpu.enqueue_dma source(%arg9 : memref<128x128xf32, #tpu.memory_space<vmem>>) target(%dma_start3A_33 : memref<128x128xf32, #tpu.memory_space<vmem_shared>>) target_semaphore(%run_scoped3A : memref<!tpu.dma_semaphore, #tpu.memory_space<semaphore_mem>>)
      %dma_wait3A = arith.constant 0 : i32
      %dma_wait3A_34 = tpu.memref_slice %arg11[%add3A_17, %dma_wait3A] : memref<10240x128xf32, #tpu.memory_space<vmem_shared>> -> memref<128x128xf32, #tpu.memory_space<vmem_shared>>
      %dma_wait3A_35 = arith.constant 0 : i32
      %dma_wait3A_36 = tpu.memref_slice %arg11[%add3A_17, %dma_wait3A_35] : memref<10240x128xf32, #tpu.memory_space<vmem_shared>> -> memref<128x128xf32, #tpu.memory_space<vmem_shared>>
      tpu.wait_dma2 semaphore(%run_scoped3A : memref<!tpu.dma_semaphore, #tpu.memory_space<semaphore_mem>>) src(%arg9 : memref<128x128xf32, #tpu.memory_space<vmem>>) dst(%dma_wait3A_36 : memref<128x128xf32, #tpu.memory_space<vmem_shared>>)
      tpu.yield
    }) : () -> ()
    %barrier3A = arith.constant 0 : index
    tpu.barrier barrier_id(%barrier3A)
    %scan3A = arith.constant 0 : i32
    %scan3A_18 = arith.constant 0 : i32
    %scan3A_19 = arith.constant 5 : i32
    %scan3A_20 = arith.addi %scan3A_18, %scan3A_19 : i32
    %scan3A_21 = arith.constant 1 : i32
    scf.for %scan3A_31 = %scan3A_18 to %scan3A_20 step %scan3A_21  : i32 {
      %mul3A_32 = arith.constant 32 : i32
      %mul3A_33 = arith.muli %scan3A_31, %mul3A_32 : i32
      "tpu.region"() ({
        %run_scoped3A = tpu.sem_alloc : memref<!tpu.dma_semaphore, #tpu.memory_space<semaphore_mem>>
        %dma_start3A_68 = arith.constant 0 : i32
        %dma_start3A_69 = tpu.memref_slice %arg3[%arg0, %arg1, %mul3A_33, %dma_start3A_68] : memref<2x16x160x128xi32, #tpu.memory_space<hbm>> -> memref<1x1x32x128xi32, #tpu.memory_space<hbm>>
        %dma_start3A_70 = tpu.memref_squeeze %dma_start3A_69 : memref<1x1x32x128xi32, #tpu.memory_space<hbm>> -> memref<32x128xi32, #tpu.memory_space<hbm>>
        %dma_start3A_71 = arith.constant 0 : i32
        %dma_start3A_72 = tpu.memref_slice %arg3[%arg0, %arg1, %mul3A_33, %dma_start3A_71] : memref<2x16x160x128xi32, #tpu.memory_space<hbm>> -> memref<1x1x32x128xi32, #tpu.memory_space<hbm>>
        %dma_start3A_73 = tpu.memref_squeeze %dma_start3A_72 : memref<1x1x32x128xi32, #tpu.memory_space<hbm>> -> memref<32x128xi32, #tpu.memory_space<hbm>>
        tpu.enqueue_dma source(%dma_start3A_73 : memref<32x128xi32, #tpu.memory_space<hbm>>) target(%arg7 : memref<32x128xi32, #tpu.memory_space<vmem>>) target_semaphore(%run_scoped3A : memref<!tpu.dma_semaphore, #tpu.memory_space<semaphore_mem>>)
        %dma_wait3A_74 = arith.constant 0 : i32
        %dma_wait3A_75 = tpu.memref_slice %arg3[%arg0, %arg1, %mul3A_33, %dma_wait3A_74] : memref<2x16x160x128xi32, #tpu.memory_space<hbm>> -> memref<1x1x32x128xi32, #tpu.memory_space<hbm>>
        %dma_wait3A_76 = tpu.memref_squeeze %dma_wait3A_75 : memref<1x1x32x128xi32, #tpu.memory_space<hbm>> -> memref<32x128xi32, #tpu.memory_space<hbm>>
        %dma_wait3A_77 = arith.constant 0 : i32
        %dma_wait3A_78 = tpu.memref_slice %arg3[%arg0, %arg1, %mul3A_33, %dma_wait3A_77] : memref<2x16x160x128xi32, #tpu.memory_space<hbm>> -> memref<1x1x32x128xi32, #tpu.memory_space<hbm>>
        %dma_wait3A_79 = tpu.memref_squeeze %dma_wait3A_78 : memref<1x1x32x128xi32, #tpu.memory_space<hbm>> -> memref<32x128xi32, #tpu.memory_space<hbm>>
        tpu.wait_dma2 semaphore(%run_scoped3A : memref<!tpu.dma_semaphore, #tpu.memory_space<semaphore_mem>>) src(%dma_wait3A_79 : memref<32x128xi32, #tpu.memory_space<hbm>>) dst(%arg7 : memref<32x128xi32, #tpu.memory_space<vmem>>)
        tpu.yield
      }) : () -> ()
      %mul3A_34 = arith.constant 32 : i32
      %mul3A_35 = arith.muli %scan3A_31, %mul3A_34 : i32
      "tpu.region"() ({
        %run_scoped3A = tpu.sem_alloc : memref<!tpu.dma_semaphore, #tpu.memory_space<semaphore_mem>>
        %dma_start3A_68 = arith.constant 0 : i32
        %dma_start3A_69 = tpu.memref_slice %arg4[%arg0, %arg1, %mul3A_35, %dma_start3A_68] : memref<2x16x160x128xi32, #tpu.memory_space<hbm>> -> memref<1x1x32x128xi32, #tpu.memory_space<hbm>>
        %dma_start3A_70 = tpu.memref_squeeze %dma_start3A_69 : memref<1x1x32x128xi32, #tpu.memory_space<hbm>> -> memref<32x128xi32, #tpu.memory_space<hbm>>
        %dma_start3A_71 = arith.constant 0 : i32
        %dma_start3A_72 = tpu.memref_slice %arg4[%arg0, %arg1, %mul3A_35, %dma_start3A_71] : memref<2x16x160x128xi32, #tpu.memory_space<hbm>> -> memref<1x1x32x128xi32, #tpu.memory_space<hbm>>
        %dma_start3A_73 = tpu.memref_squeeze %dma_start3A_72 : memref<1x1x32x128xi32, #tpu.memory_space<hbm>> -> memref<32x128xi32, #tpu.memory_space<hbm>>
        tpu.enqueue_dma source(%dma_start3A_73 : memref<32x128xi32, #tpu.memory_space<hbm>>) target(%arg8 : memref<32x128xi32, #tpu.memory_space<vmem>>) target_semaphore(%run_scoped3A : memref<!tpu.dma_semaphore, #tpu.memory_space<semaphore_mem>>)
        %dma_wait3A_74 = arith.constant 0 : i32
        %dma_wait3A_75 = tpu.memref_slice %arg4[%arg0, %arg1, %mul3A_35, %dma_wait3A_74] : memref<2x16x160x128xi32, #tpu.memory_space<hbm>> -> memref<1x1x32x128xi32, #tpu.memory_space<hbm>>
        %dma_wait3A_76 = tpu.memref_squeeze %dma_wait3A_75 : memref<1x1x32x128xi32, #tpu.memory_space<hbm>> -> memref<32x128xi32, #tpu.memory_space<hbm>>
        %dma_wait3A_77 = arith.constant 0 : i32
        %dma_wait3A_78 = tpu.memref_slice %arg4[%arg0, %arg1, %mul3A_35, %dma_wait3A_77] : memref<2x16x160x128xi32, #tpu.memory_space<hbm>> -> memref<1x1x32x128xi32, #tpu.memory_space<hbm>>
        %dma_wait3A_79 = tpu.memref_squeeze %dma_wait3A_78 : memref<1x1x32x128xi32, #tpu.memory_space<hbm>> -> memref<32x128xi32, #tpu.memory_space<hbm>>
        tpu.wait_dma2 semaphore(%run_scoped3A : memref<!tpu.dma_semaphore, #tpu.memory_space<semaphore_mem>>) src(%dma_wait3A_79 : memref<32x128xi32, #tpu.memory_space<hbm>>) dst(%arg8 : memref<32x128xi32, #tpu.memory_space<vmem>>)
        tpu.yield
      }) : () -> ()
      %dma_start3A = arith.constant 0 : i32
      %dma_start3A_36 = arith.constant 0 : i32
      %dma_start3A_37 = tpu.memref_slice %arg7[%dma_start3A, %dma_start3A_36] : memref<32x128xi32, #tpu.memory_space<vmem>> -> memref<1x128xi32, #tpu.memory_space<vmem>>
      %dma_start3A_38 = tpu.memref_squeeze %dma_start3A_37 : memref<1x128xi32, #tpu.memory_space<vmem>> -> memref<128xi32, #tpu.memory_space<vmem>>
      %dma_start3A_39 = arith.constant 0 : i32
      %dma_start3A_40 = arith.constant 0 : i32
      %dma_start3A_41 = tpu.memref_slice %arg2[%dma_start3A_39, %dma_start3A_40] : memref<20480x128xf32, #tpu.memory_space<hbm>> -> memref<20480x128xf32, #tpu.memory_space<hbm>>
      tpu.enqueue_indirect_dma source(%dma_start3A_41 : memref<20480x128xf32, #tpu.memory_space<hbm>>) target(%arg9 : memref<128x128xf32, #tpu.memory_space<vmem>>) offsets(%dma_start3A_38 : memref<128xi32, #tpu.memory_space<vmem>>) semaphore(%arg12 : memref<!tpu.dma_semaphore, #tpu.memory_space<semaphore_mem>>)
      %dma_start3A_42 = arith.constant 1 : i32
      %dma_start3A_43 = arith.constant 0 : i32
      %dma_start3A_44 = tpu.memref_slice %arg7[%dma_start3A_42, %dma_start3A_43] : memref<32x128xi32, #tpu.memory_space<vmem>> -> memref<1x128xi32, #tpu.memory_space<vmem>>
      %dma_start3A_45 = tpu.memref_squeeze %dma_start3A_44 : memref<1x128xi32, #tpu.memory_space<vmem>> -> memref<128xi32, #tpu.memory_space<vmem>>
      %dma_start3A_46 = arith.constant 0 : i32
      %dma_start3A_47 = arith.constant 0 : i32
      %dma_start3A_48 = tpu.memref_slice %arg2[%dma_start3A_46, %dma_start3A_47] : memref<20480x128xf32, #tpu.memory_space<hbm>> -> memref<20480x128xf32, #tpu.memory_space<hbm>>
      tpu.enqueue_indirect_dma source(%dma_start3A_48 : memref<20480x128xf32, #tpu.memory_space<hbm>>) target(%arg10 : memref<128x128xf32, #tpu.memory_space<vmem>>) offsets(%dma_start3A_45 : memref<128xi32, #tpu.memory_space<vmem>>) semaphore(%arg13 : memref<!tpu.dma_semaphore, #tpu.memory_space<semaphore_mem>>)
      %scan3A_49 = arith.constant 0 : i32
      %scan3A_50 = arith.constant 0 : i32
      %scan3A_51 = arith.constant 16 : i32
      %scan3A_52 = arith.addi %scan3A_50, %scan3A_51 : i32
      %scan3A_53 = arith.constant 1 : i32
      scf.for %scan3A_68 = %scan3A_50 to %scan3A_52 step %scan3A_53  : i32 {
        %mul3A_69 = arith.constant 2 : i32
        %mul3A_70 = arith.muli %mul3A_69, %scan3A_68 : i32
        %add3A_71 = arith.constant 2 : i32
        %add3A_72 = arith.addi %mul3A_70, %add3A_71 : i32
        %min3A = arith.constant 31 : i32
        %min3A_73 = arith.minsi %add3A_72, %min3A : i32
        %add3A_74 = arith.constant 3 : i32
        %add3A_75 = arith.addi %mul3A_70, %add3A_74 : i32
        %min3A_76 = arith.constant 31 : i32
        %min3A_77 = arith.minsi %add3A_75, %min3A_76 : i32
        %dma_wait3A_78 = arith.constant 0 : i32
        %dma_wait3A_79 = arith.constant 0 : i32
        %dma_wait3A_80 = tpu.memref_slice %arg7[%dma_wait3A_78, %dma_wait3A_79] : memref<32x128xi32, #tpu.memory_space<vmem>> -> memref<1x128xi32, #tpu.memory_space<vmem>>
        %dma_wait3A_81 = tpu.memref_squeeze %dma_wait3A_80 : memref<1x128xi32, #tpu.memory_space<vmem>> -> memref<128xi32, #tpu.memory_space<vmem>>
        %dma_wait3A_82 = arith.constant 0 : i32
        %dma_wait3A_83 = arith.constant 0 : i32
        %dma_wait3A_84 = tpu.memref_slice %arg2[%dma_wait3A_82, %dma_wait3A_83] : memref<20480x128xf32, #tpu.memory_space<hbm>> -> memref<20480x128xf32, #tpu.memory_space<hbm>>
        tpu.wait_indirect_dma semaphore(%arg12 : memref<!tpu.dma_semaphore, #tpu.memory_space<semaphore_mem>>) src(%dma_wait3A_84 : memref<20480x128xf32, #tpu.memory_space<hbm>>) dst(%arg9 : memref<128x128xf32, #tpu.memory_space<vmem>>)
        "tpu.region"() ({
          %run_scoped3A = tpu.sem_alloc : memref<!tpu.dma_semaphore, #tpu.memory_space<semaphore_mem>>
          %dma_start3A_106 = arith.constant 0 : i32
          %dma_start3A_107 = tpu.memref_slice %arg8[%mul3A_70, %dma_start3A_106] : memref<32x128xi32, #tpu.memory_space<vmem>> -> memref<1x128xi32, #tpu.memory_space<vmem>>
          %dma_start3A_108 = tpu.memref_squeeze %dma_start3A_107 : memref<1x128xi32, #tpu.memory_space<vmem>> -> memref<128xi32, #tpu.memory_space<vmem>>
          %dma_start3A_109 = arith.constant 0 : i32
          %dma_start3A_110 = arith.constant 0 : i32
          %dma_start3A_111 = tpu.memref_slice %arg11[%dma_start3A_109, %dma_start3A_110] : memref<10240x128xf32, #tpu.memory_space<vmem_shared>> -> memref<10240x128xf32, #tpu.memory_space<vmem_shared>>
          tpu.enqueue_indirect_dma source(%arg9 : memref<128x128xf32, #tpu.memory_space<vmem>>) target(%dma_start3A_111 : memref<10240x128xf32, #tpu.memory_space<vmem_shared>>) offsets(%dma_start3A_108 : memref<128xi32, #tpu.memory_space<vmem>>) semaphore(%run_scoped3A : memref<!tpu.dma_semaphore, #tpu.memory_space<semaphore_mem>>) {add = true}
          %dma_wait3A_112 = arith.constant 0 : i32
          %dma_wait3A_113 = tpu.memref_slice %arg8[%mul3A_70, %dma_wait3A_112] : memref<32x128xi32, #tpu.memory_space<vmem>> -> memref<1x128xi32, #tpu.memory_space<vmem>>
          %dma_wait3A_114 = tpu.memref_squeeze %dma_wait3A_113 : memref<1x128xi32, #tpu.memory_space<vmem>> -> memref<128xi32, #tpu.memory_space<vmem>>
          %dma_wait3A_115 = arith.constant 0 : i32
          %dma_wait3A_116 = arith.constant 0 : i32
          %dma_wait3A_117 = tpu.memref_slice %arg11[%dma_wait3A_115, %dma_wait3A_116] : memref<10240x128xf32, #tpu.memory_space<vmem_shared>> -> memref<10240x128xf32, #tpu.memory_space<vmem_shared>>
          tpu.wait_indirect_dma semaphore(%run_scoped3A : memref<!tpu.dma_semaphore, #tpu.memory_space<semaphore_mem>>) src(%arg9 : memref<128x128xf32, #tpu.memory_space<vmem>>) dst(%dma_wait3A_117 : memref<10240x128xf32, #tpu.memory_space<vmem_shared>>)
          tpu.yield
        }) : () -> ()
        %dma_start3A_85 = arith.constant 0 : i32
        %dma_start3A_86 = tpu.memref_slice %arg7[%min3A_73, %dma_start3A_85] : memref<32x128xi32, #tpu.memory_space<vmem>> -> memref<1x128xi32, #tpu.memory_space<vmem>>
        %dma_start3A_87 = tpu.memref_squeeze %dma_start3A_86 : memref<1x128xi32, #tpu.memory_space<vmem>> -> memref<128xi32, #tpu.memory_space<vmem>>
        %dma_start3A_88 = arith.constant 0 : i32
        %dma_start3A_89 = arith.constant 0 : i32
        %dma_start3A_90 = tpu.memref_slice %arg2[%dma_start3A_88, %dma_start3A_89] : memref<20480x128xf32, #tpu.memory_space<hbm>> -> memref<20480x128xf32, #tpu.memory_space<hbm>>
        tpu.enqueue_indirect_dma source(%dma_start3A_90 : memref<20480x128xf32, #tpu.memory_space<hbm>>) target(%arg9 : memref<128x128xf32, #tpu.memory_space<vmem>>) offsets(%dma_start3A_87 : memref<128xi32, #tpu.memory_space<vmem>>) semaphore(%arg12 : memref<!tpu.dma_semaphore, #tpu.memory_space<semaphore_mem>>)
        %dma_wait3A_91 = arith.constant 0 : i32
        %dma_wait3A_92 = arith.constant 0 : i32
        %dma_wait3A_93 = tpu.memref_slice %arg7[%dma_wait3A_91, %dma_wait3A_92] : memref<32x128xi32, #tpu.memory_space<vmem>> -> memref<1x128xi32, #tpu.memory_space<vmem>>
        %dma_wait3A_94 = tpu.memref_squeeze %dma_wait3A_93 : memref<1x128xi32, #tpu.memory_space<vmem>> -> memref<128xi32, #tpu.memory_space<vmem>>
        %dma_wait3A_95 = arith.constant 0 : i32
        %dma_wait3A_96 = arith.constant 0 : i32
        %dma_wait3A_97 = tpu.memref_slice %arg2[%dma_wait3A_95, %dma_wait3A_96] : memref<20480x128xf32, #tpu.memory_space<hbm>> -> memref<20480x128xf32, #tpu.memory_space<hbm>>
        tpu.wait_indirect_dma semaphore(%arg13 : memref<!tpu.dma_semaphore, #tpu.memory_space<semaphore_mem>>) src(%dma_wait3A_97 : memref<20480x128xf32, #tpu.memory_space<hbm>>) dst(%arg10 : memref<128x128xf32, #tpu.memory_space<vmem>>)
        %add3A_98 = arith.constant 1 : i32
        %add3A_99 = arith.addi %mul3A_70, %add3A_98 : i32
        "tpu.region"() ({
          %run_scoped3A = tpu.sem_alloc : memref<!tpu.dma_semaphore, #tpu.memory_space<semaphore_mem>>
          %dma_start3A_106 = arith.constant 0 : i32
          %dma_start3A_107 = tpu.memref_slice %arg8[%add3A_99, %dma_start3A_106] : memref<32x128xi32, #tpu.memory_space<vmem>> -> memref<1x128xi32, #tpu.memory_space<vmem>>
          %dma_start3A_108 = tpu.memref_squeeze %dma_start3A_107 : memref<1x128xi32, #tpu.memory_space<vmem>> -> memref<128xi32, #tpu.memory_space<vmem>>
          %dma_start3A_109 = arith.constant 0 : i32
          %dma_start3A_110 = arith.constant 0 : i32
          %dma_start3A_111 = tpu.memref_slice %arg11[%dma_start3A_109, %dma_start3A_110] : memref<10240x128xf32, #tpu.memory_space<vmem_shared>> -> memref<10240x128xf32, #tpu.memory_space<vmem_shared>>
          tpu.enqueue_indirect_dma source(%arg10 : memref<128x128xf32, #tpu.memory_space<vmem>>) target(%dma_start3A_111 : memref<10240x128xf32, #tpu.memory_space<vmem_shared>>) offsets(%dma_start3A_108 : memref<128xi32, #tpu.memory_space<vmem>>) semaphore(%run_scoped3A : memref<!tpu.dma_semaphore, #tpu.memory_space<semaphore_mem>>) {add = true}
          %dma_wait3A_112 = arith.constant 0 : i32
          %dma_wait3A_113 = tpu.memref_slice %arg8[%add3A_99, %dma_wait3A_112] : memref<32x128xi32, #tpu.memory_space<vmem>> -> memref<1x128xi32, #tpu.memory_space<vmem>>
          %dma_wait3A_114 = tpu.memref_squeeze %dma_wait3A_113 : memref<1x128xi32, #tpu.memory_space<vmem>> -> memref<128xi32, #tpu.memory_space<vmem>>
          %dma_wait3A_115 = arith.constant 0 : i32
          %dma_wait3A_116 = arith.constant 0 : i32
          %dma_wait3A_117 = tpu.memref_slice %arg11[%dma_wait3A_115, %dma_wait3A_116] : memref<10240x128xf32, #tpu.memory_space<vmem_shared>> -> memref<10240x128xf32, #tpu.memory_space<vmem_shared>>
          tpu.wait_indirect_dma semaphore(%run_scoped3A : memref<!tpu.dma_semaphore, #tpu.memory_space<semaphore_mem>>) src(%arg10 : memref<128x128xf32, #tpu.memory_space<vmem>>) dst(%dma_wait3A_117 : memref<10240x128xf32, #tpu.memory_space<vmem_shared>>)
          tpu.yield
        }) : () -> ()
        %dma_start3A_100 = arith.constant 0 : i32
        %dma_start3A_101 = tpu.memref_slice %arg7[%min3A_77, %dma_start3A_100] : memref<32x128xi32, #tpu.memory_space<vmem>> -> memref<1x128xi32, #tpu.memory_space<vmem>>
        %dma_start3A_102 = tpu.memref_squeeze %dma_start3A_101 : memref<1x128xi32, #tpu.memory_space<vmem>> -> memref<128xi32, #tpu.memory_space<vmem>>
        %dma_start3A_103 = arith.constant 0 : i32
        %dma_start3A_104 = arith.constant 0 : i32
        %dma_start3A_105 = tpu.memref_slice %arg2[%dma_start3A_103, %dma_start3A_104] : memref<20480x128xf32, #tpu.memory_space<hbm>> -> memref<20480x128xf32, #tpu.memory_space<hbm>>
        tpu.enqueue_indirect_dma source(%dma_start3A_105 : memref<20480x128xf32, #tpu.memory_space<hbm>>) target(%arg10 : memref<128x128xf32, #tpu.memory_space<vmem>>) offsets(%dma_start3A_102 : memref<128xi32, #tpu.memory_space<vmem>>) semaphore(%arg13 : memref<!tpu.dma_semaphore, #tpu.memory_space<semaphore_mem>>)
      }
      %scan3A_54 = arith.constant 16 : i32
      %dma_wait3A = arith.constant 0 : i32
      %dma_wait3A_55 = arith.constant 0 : i32
      %dma_wait3A_56 = tpu.memref_slice %arg7[%dma_wait3A, %dma_wait3A_55] : memref<32x128xi32, #tpu.memory_space<vmem>> -> memref<1x128xi32, #tpu.memory_space<vmem>>
      %dma_wait3A_57 = tpu.memref_squeeze %dma_wait3A_56 : memref<1x128xi32, #tpu.memory_space<vmem>> -> memref<128xi32, #tpu.memory_space<vmem>>
      %dma_wait3A_58 = arith.constant 0 : i32
      %dma_wait3A_59 = arith.constant 0 : i32
      %dma_wait3A_60 = tpu.memref_slice %arg2[%dma_wait3A_58, %dma_wait3A_59] : memref<20480x128xf32, #tpu.memory_space<hbm>> -> memref<20480x128xf32, #tpu.memory_space<hbm>>
      tpu.wait_indirect_dma semaphore(%arg12 : memref<!tpu.dma_semaphore, #tpu.memory_space<semaphore_mem>>) src(%dma_wait3A_60 : memref<20480x128xf32, #tpu.memory_space<hbm>>) dst(%arg9 : memref<128x128xf32, #tpu.memory_space<vmem>>)
      %dma_wait3A_61 = arith.constant 0 : i32
      %dma_wait3A_62 = arith.constant 0 : i32
      %dma_wait3A_63 = tpu.memref_slice %arg7[%dma_wait3A_61, %dma_wait3A_62] : memref<32x128xi32, #tpu.memory_space<vmem>> -> memref<1x128xi32, #tpu.memory_space<vmem>>
      %dma_wait3A_64 = tpu.memref_squeeze %dma_wait3A_63 : memref<1x128xi32, #tpu.memory_space<vmem>> -> memref<128xi32, #tpu.memory_space<vmem>>
      %dma_wait3A_65 = arith.constant 0 : i32
      %dma_wait3A_66 = arith.constant 0 : i32
      %dma_wait3A_67 = tpu.memref_slice %arg2[%dma_wait3A_65, %dma_wait3A_66] : memref<20480x128xf32, #tpu.memory_space<hbm>> -> memref<20480x128xf32, #tpu.memory_space<hbm>>
      tpu.wait_indirect_dma semaphore(%arg13 : memref<!tpu.dma_semaphore, #tpu.memory_space<semaphore_mem>>) src(%dma_wait3A_67 : memref<20480x128xf32, #tpu.memory_space<hbm>>) dst(%arg10 : memref<128x128xf32, #tpu.memory_space<vmem>>)
    }
    %scan3A_22 = arith.constant 5 : i32
    %barrier3A_23 = arith.constant 0 : index
    tpu.barrier barrier_id(%barrier3A_23)
    %mul3A_24 = arith.constant 640 : i32
    %mul3A_25 = arith.muli %arg1, %mul3A_24 : i32
    %mul3A_26 = arith.constant 10240 : i32
    %mul3A_27 = arith.muli %arg0, %mul3A_26 : i32
    %mul3A_28 = arith.constant 640 : i32
    %mul3A_29 = arith.muli %arg1, %mul3A_28 : i32
    %add3A_30 = arith.addi %mul3A_27, %mul3A_29 : i32
    "tpu.region"() ({
      %run_scoped3A = tpu.sem_alloc : memref<!tpu.dma_semaphore, #tpu.memory_space<semaphore_mem>>
      %dma_start3A = arith.constant 0 : i32
      %dma_start3A_31 = tpu.memref_slice %arg6[%add3A_30, %dma_start3A] : memref<20480x128xf32, #tpu.memory_space<hbm>> -> memref<640x128xf32, #tpu.memory_space<hbm>>
      %dma_start3A_32 = arith.constant 0 : i32
      %dma_start3A_33 = tpu.memref_slice %arg11[%mul3A_25, %dma_start3A_32] : memref<10240x128xf32, #tpu.memory_space<vmem_shared>> -> memref<640x128xf32, #tpu.memory_space<vmem_shared>>
      tpu.enqueue_dma source(%dma_start3A_33 : memref<640x128xf32, #tpu.memory_space<vmem_shared>>) target(%dma_start3A_31 : memref<640x128xf32, #tpu.memory_space<hbm>>) target_semaphore(%run_scoped3A : memref<!tpu.dma_semaphore, #tpu.memory_space<semaphore_mem>>)
      %dma_wait3A = arith.constant 0 : i32
      %dma_wait3A_34 = tpu.memref_slice %arg6[%add3A_30, %dma_wait3A] : memref<20480x128xf32, #tpu.memory_space<hbm>> -> memref<640x128xf32, #tpu.memory_space<hbm>>
      %dma_wait3A_35 = arith.constant 0 : i32
      %dma_wait3A_36 = tpu.memref_slice %arg11[%mul3A_25, %dma_wait3A_35] : memref<10240x128xf32, #tpu.memory_space<vmem_shared>> -> memref<640x128xf32, #tpu.memory_space<vmem_shared>>
      tpu.wait_dma2 semaphore(%run_scoped3A : memref<!tpu.dma_semaphore, #tpu.memory_space<semaphore_mem>>) src(%dma_wait3A_36 : memref<640x128xf32, #tpu.memory_space<vmem_shared>>) dst(%dma_wait3A_34 : memref<640x128xf32, #tpu.memory_space<hbm>>)
      tpu.yield
    }) : () -> ()
    return
  }
}

#map = affine_map<(d0, d1) -> (0, 0)>
#map1 = affine_map<(d0, d1) -> (0, 0, 0, 0)>
module attributes {stable_mosaic.version = 14 : i64} {
  func.func @_agg_narrow_body(%arg0: i32, %arg1: i32, %arg2: memref<20480x64xf32, #tpu.memory_space<hbm>>, %arg3: memref<2x16x160x128xi32, #tpu.memory_space<hbm>>, %arg4: memref<2x16x160x128xi32, #tpu.memory_space<hbm>>, %arg5: memref<128x64xf32, #tpu.memory_space<hbm>>, %arg6: memref<20480x64xf32, #tpu.memory_space<hbm>>, %arg7: memref<32x128xi32, #tpu.memory_space<vmem>>, %arg8: memref<32x128xi32, #tpu.memory_space<vmem>>, %arg9: memref<128x64xf32, #tpu.memory_space<vmem>>, %arg10: memref<128x64xf32, #tpu.memory_space<vmem>>, %arg11: memref<10240x64xf32, #tpu.memory_space<vmem_shared>>, %arg12: memref<!tpu.dma_semaphore, #tpu.memory_space<semaphore_mem>>, %arg13: memref<!tpu.dma_semaphore, #tpu.memory_space<semaphore_mem>>) attributes {dimension_semantics = [#tpu.dimension_semantics<core_parallel>, #tpu.dimension_semantics<subcore_parallel>], iteration_bounds = array<i64: 2, 16>, scalar_prefetch = 0 : i64, scratch_operands = 7 : i64, tpu.core_type = #tpu.core_type<sc_vector_subcore>, window_params = [{transform_indices = #map}, {transform_indices = #map1}, {transform_indices = #map1}, {transform_indices = #map}, {transform_indices = #map}]} {
    "tpu.region"() ({
      %run_scoped3A = tpu.sem_alloc : memref<!tpu.dma_semaphore, #tpu.memory_space<semaphore_mem>>
      tpu.enqueue_dma source(%arg5 : memref<128x64xf32, #tpu.memory_space<hbm>>) target(%arg9 : memref<128x64xf32, #tpu.memory_space<vmem>>) target_semaphore(%run_scoped3A : memref<!tpu.dma_semaphore, #tpu.memory_space<semaphore_mem>>)
      tpu.wait_dma2 semaphore(%run_scoped3A : memref<!tpu.dma_semaphore, #tpu.memory_space<semaphore_mem>>) src(%arg5 : memref<128x64xf32, #tpu.memory_space<hbm>>) dst(%arg9 : memref<128x64xf32, #tpu.memory_space<vmem>>)
      tpu.yield
    }) : () -> ()
    %mul3A = arith.constant 640 : i32
    %mul3A_0 = arith.muli %arg1, %mul3A : i32
    %add3A = arith.constant 0 : i32
    %add3A_1 = arith.addi %mul3A_0, %add3A : i32
    "tpu.region"() ({
      %run_scoped3A = tpu.sem_alloc : memref<!tpu.dma_semaphore, #tpu.memory_space<semaphore_mem>>
      %dma_start3A = arith.constant 0 : i32
      %dma_start3A_31 = tpu.memref_slice %arg11[%add3A_1, %dma_start3A] : memref<10240x64xf32, #tpu.memory_space<vmem_shared>> -> memref<128x64xf32, #tpu.memory_space<vmem_shared>>
      %dma_start3A_32 = arith.constant 0 : i32
      %dma_start3A_33 = tpu.memref_slice %arg11[%add3A_1, %dma_start3A_32] : memref<10240x64xf32, #tpu.memory_space<vmem_shared>> -> memref<128x64xf32, #tpu.memory_space<vmem_shared>>
      tpu.enqueue_dma source(%arg9 : memref<128x64xf32, #tpu.memory_space<vmem>>) target(%dma_start3A_33 : memref<128x64xf32, #tpu.memory_space<vmem_shared>>) target_semaphore(%run_scoped3A : memref<!tpu.dma_semaphore, #tpu.memory_space<semaphore_mem>>)
      %dma_wait3A = arith.constant 0 : i32
      %dma_wait3A_34 = tpu.memref_slice %arg11[%add3A_1, %dma_wait3A] : memref<10240x64xf32, #tpu.memory_space<vmem_shared>> -> memref<128x64xf32, #tpu.memory_space<vmem_shared>>
      %dma_wait3A_35 = arith.constant 0 : i32
      %dma_wait3A_36 = tpu.memref_slice %arg11[%add3A_1, %dma_wait3A_35] : memref<10240x64xf32, #tpu.memory_space<vmem_shared>> -> memref<128x64xf32, #tpu.memory_space<vmem_shared>>
      tpu.wait_dma2 semaphore(%run_scoped3A : memref<!tpu.dma_semaphore, #tpu.memory_space<semaphore_mem>>) src(%arg9 : memref<128x64xf32, #tpu.memory_space<vmem>>) dst(%dma_wait3A_36 : memref<128x64xf32, #tpu.memory_space<vmem_shared>>)
      tpu.yield
    }) : () -> ()
    %mul3A_2 = arith.constant 640 : i32
    %mul3A_3 = arith.muli %arg1, %mul3A_2 : i32
    %add3A_4 = arith.constant 128 : i32
    %add3A_5 = arith.addi %mul3A_3, %add3A_4 : i32
    "tpu.region"() ({
      %run_scoped3A = tpu.sem_alloc : memref<!tpu.dma_semaphore, #tpu.memory_space<semaphore_mem>>
      %dma_start3A = arith.constant 0 : i32
      %dma_start3A_31 = tpu.memref_slice %arg11[%add3A_5, %dma_start3A] : memref<10240x64xf32, #tpu.memory_space<vmem_shared>> -> memref<128x64xf32, #tpu.memory_space<vmem_shared>>
      %dma_start3A_32 = arith.constant 0 : i32
      %dma_start3A_33 = tpu.memref_slice %arg11[%add3A_5, %dma_start3A_32] : memref<10240x64xf32, #tpu.memory_space<vmem_shared>> -> memref<128x64xf32, #tpu.memory_space<vmem_shared>>
      tpu.enqueue_dma source(%arg9 : memref<128x64xf32, #tpu.memory_space<vmem>>) target(%dma_start3A_33 : memref<128x64xf32, #tpu.memory_space<vmem_shared>>) target_semaphore(%run_scoped3A : memref<!tpu.dma_semaphore, #tpu.memory_space<semaphore_mem>>)
      %dma_wait3A = arith.constant 0 : i32
      %dma_wait3A_34 = tpu.memref_slice %arg11[%add3A_5, %dma_wait3A] : memref<10240x64xf32, #tpu.memory_space<vmem_shared>> -> memref<128x64xf32, #tpu.memory_space<vmem_shared>>
      %dma_wait3A_35 = arith.constant 0 : i32
      %dma_wait3A_36 = tpu.memref_slice %arg11[%add3A_5, %dma_wait3A_35] : memref<10240x64xf32, #tpu.memory_space<vmem_shared>> -> memref<128x64xf32, #tpu.memory_space<vmem_shared>>
      tpu.wait_dma2 semaphore(%run_scoped3A : memref<!tpu.dma_semaphore, #tpu.memory_space<semaphore_mem>>) src(%arg9 : memref<128x64xf32, #tpu.memory_space<vmem>>) dst(%dma_wait3A_36 : memref<128x64xf32, #tpu.memory_space<vmem_shared>>)
      tpu.yield
    }) : () -> ()
    %mul3A_6 = arith.constant 640 : i32
    %mul3A_7 = arith.muli %arg1, %mul3A_6 : i32
    %add3A_8 = arith.constant 256 : i32
    %add3A_9 = arith.addi %mul3A_7, %add3A_8 : i32
    "tpu.region"() ({
      %run_scoped3A = tpu.sem_alloc : memref<!tpu.dma_semaphore, #tpu.memory_space<semaphore_mem>>
      %dma_start3A = arith.constant 0 : i32
      %dma_start3A_31 = tpu.memref_slice %arg11[%add3A_9, %dma_start3A] : memref<10240x64xf32, #tpu.memory_space<vmem_shared>> -> memref<128x64xf32, #tpu.memory_space<vmem_shared>>
      %dma_start3A_32 = arith.constant 0 : i32
      %dma_start3A_33 = tpu.memref_slice %arg11[%add3A_9, %dma_start3A_32] : memref<10240x64xf32, #tpu.memory_space<vmem_shared>> -> memref<128x64xf32, #tpu.memory_space<vmem_shared>>
      tpu.enqueue_dma source(%arg9 : memref<128x64xf32, #tpu.memory_space<vmem>>) target(%dma_start3A_33 : memref<128x64xf32, #tpu.memory_space<vmem_shared>>) target_semaphore(%run_scoped3A : memref<!tpu.dma_semaphore, #tpu.memory_space<semaphore_mem>>)
      %dma_wait3A = arith.constant 0 : i32
      %dma_wait3A_34 = tpu.memref_slice %arg11[%add3A_9, %dma_wait3A] : memref<10240x64xf32, #tpu.memory_space<vmem_shared>> -> memref<128x64xf32, #tpu.memory_space<vmem_shared>>
      %dma_wait3A_35 = arith.constant 0 : i32
      %dma_wait3A_36 = tpu.memref_slice %arg11[%add3A_9, %dma_wait3A_35] : memref<10240x64xf32, #tpu.memory_space<vmem_shared>> -> memref<128x64xf32, #tpu.memory_space<vmem_shared>>
      tpu.wait_dma2 semaphore(%run_scoped3A : memref<!tpu.dma_semaphore, #tpu.memory_space<semaphore_mem>>) src(%arg9 : memref<128x64xf32, #tpu.memory_space<vmem>>) dst(%dma_wait3A_36 : memref<128x64xf32, #tpu.memory_space<vmem_shared>>)
      tpu.yield
    }) : () -> ()
    %mul3A_10 = arith.constant 640 : i32
    %mul3A_11 = arith.muli %arg1, %mul3A_10 : i32
    %add3A_12 = arith.constant 384 : i32
    %add3A_13 = arith.addi %mul3A_11, %add3A_12 : i32
    "tpu.region"() ({
      %run_scoped3A = tpu.sem_alloc : memref<!tpu.dma_semaphore, #tpu.memory_space<semaphore_mem>>
      %dma_start3A = arith.constant 0 : i32
      %dma_start3A_31 = tpu.memref_slice %arg11[%add3A_13, %dma_start3A] : memref<10240x64xf32, #tpu.memory_space<vmem_shared>> -> memref<128x64xf32, #tpu.memory_space<vmem_shared>>
      %dma_start3A_32 = arith.constant 0 : i32
      %dma_start3A_33 = tpu.memref_slice %arg11[%add3A_13, %dma_start3A_32] : memref<10240x64xf32, #tpu.memory_space<vmem_shared>> -> memref<128x64xf32, #tpu.memory_space<vmem_shared>>
      tpu.enqueue_dma source(%arg9 : memref<128x64xf32, #tpu.memory_space<vmem>>) target(%dma_start3A_33 : memref<128x64xf32, #tpu.memory_space<vmem_shared>>) target_semaphore(%run_scoped3A : memref<!tpu.dma_semaphore, #tpu.memory_space<semaphore_mem>>)
      %dma_wait3A = arith.constant 0 : i32
      %dma_wait3A_34 = tpu.memref_slice %arg11[%add3A_13, %dma_wait3A] : memref<10240x64xf32, #tpu.memory_space<vmem_shared>> -> memref<128x64xf32, #tpu.memory_space<vmem_shared>>
      %dma_wait3A_35 = arith.constant 0 : i32
      %dma_wait3A_36 = tpu.memref_slice %arg11[%add3A_13, %dma_wait3A_35] : memref<10240x64xf32, #tpu.memory_space<vmem_shared>> -> memref<128x64xf32, #tpu.memory_space<vmem_shared>>
      tpu.wait_dma2 semaphore(%run_scoped3A : memref<!tpu.dma_semaphore, #tpu.memory_space<semaphore_mem>>) src(%arg9 : memref<128x64xf32, #tpu.memory_space<vmem>>) dst(%dma_wait3A_36 : memref<128x64xf32, #tpu.memory_space<vmem_shared>>)
      tpu.yield
    }) : () -> ()
    %mul3A_14 = arith.constant 640 : i32
    %mul3A_15 = arith.muli %arg1, %mul3A_14 : i32
    %add3A_16 = arith.constant 512 : i32
    %add3A_17 = arith.addi %mul3A_15, %add3A_16 : i32
    "tpu.region"() ({
      %run_scoped3A = tpu.sem_alloc : memref<!tpu.dma_semaphore, #tpu.memory_space<semaphore_mem>>
      %dma_start3A = arith.constant 0 : i32
      %dma_start3A_31 = tpu.memref_slice %arg11[%add3A_17, %dma_start3A] : memref<10240x64xf32, #tpu.memory_space<vmem_shared>> -> memref<128x64xf32, #tpu.memory_space<vmem_shared>>
      %dma_start3A_32 = arith.constant 0 : i32
      %dma_start3A_33 = tpu.memref_slice %arg11[%add3A_17, %dma_start3A_32] : memref<10240x64xf32, #tpu.memory_space<vmem_shared>> -> memref<128x64xf32, #tpu.memory_space<vmem_shared>>
      tpu.enqueue_dma source(%arg9 : memref<128x64xf32, #tpu.memory_space<vmem>>) target(%dma_start3A_33 : memref<128x64xf32, #tpu.memory_space<vmem_shared>>) target_semaphore(%run_scoped3A : memref<!tpu.dma_semaphore, #tpu.memory_space<semaphore_mem>>)
      %dma_wait3A = arith.constant 0 : i32
      %dma_wait3A_34 = tpu.memref_slice %arg11[%add3A_17, %dma_wait3A] : memref<10240x64xf32, #tpu.memory_space<vmem_shared>> -> memref<128x64xf32, #tpu.memory_space<vmem_shared>>
      %dma_wait3A_35 = arith.constant 0 : i32
      %dma_wait3A_36 = tpu.memref_slice %arg11[%add3A_17, %dma_wait3A_35] : memref<10240x64xf32, #tpu.memory_space<vmem_shared>> -> memref<128x64xf32, #tpu.memory_space<vmem_shared>>
      tpu.wait_dma2 semaphore(%run_scoped3A : memref<!tpu.dma_semaphore, #tpu.memory_space<semaphore_mem>>) src(%arg9 : memref<128x64xf32, #tpu.memory_space<vmem>>) dst(%dma_wait3A_36 : memref<128x64xf32, #tpu.memory_space<vmem_shared>>)
      tpu.yield
    }) : () -> ()
    %barrier3A = arith.constant 0 : index
    tpu.barrier barrier_id(%barrier3A)
    %scan3A = arith.constant 0 : i32
    %scan3A_18 = arith.constant 0 : i32
    %scan3A_19 = arith.constant 5 : i32
    %scan3A_20 = arith.addi %scan3A_18, %scan3A_19 : i32
    %scan3A_21 = arith.constant 1 : i32
    scf.for %scan3A_31 = %scan3A_18 to %scan3A_20 step %scan3A_21  : i32 {
      %mul3A_32 = arith.constant 32 : i32
      %mul3A_33 = arith.muli %scan3A_31, %mul3A_32 : i32
      "tpu.region"() ({
        %run_scoped3A = tpu.sem_alloc : memref<!tpu.dma_semaphore, #tpu.memory_space<semaphore_mem>>
        %dma_start3A_68 = arith.constant 0 : i32
        %dma_start3A_69 = tpu.memref_slice %arg3[%arg0, %arg1, %mul3A_33, %dma_start3A_68] : memref<2x16x160x128xi32, #tpu.memory_space<hbm>> -> memref<1x1x32x128xi32, #tpu.memory_space<hbm>>
        %dma_start3A_70 = tpu.memref_squeeze %dma_start3A_69 : memref<1x1x32x128xi32, #tpu.memory_space<hbm>> -> memref<32x128xi32, #tpu.memory_space<hbm>>
        %dma_start3A_71 = arith.constant 0 : i32
        %dma_start3A_72 = tpu.memref_slice %arg3[%arg0, %arg1, %mul3A_33, %dma_start3A_71] : memref<2x16x160x128xi32, #tpu.memory_space<hbm>> -> memref<1x1x32x128xi32, #tpu.memory_space<hbm>>
        %dma_start3A_73 = tpu.memref_squeeze %dma_start3A_72 : memref<1x1x32x128xi32, #tpu.memory_space<hbm>> -> memref<32x128xi32, #tpu.memory_space<hbm>>
        tpu.enqueue_dma source(%dma_start3A_73 : memref<32x128xi32, #tpu.memory_space<hbm>>) target(%arg7 : memref<32x128xi32, #tpu.memory_space<vmem>>) target_semaphore(%run_scoped3A : memref<!tpu.dma_semaphore, #tpu.memory_space<semaphore_mem>>)
        %dma_wait3A_74 = arith.constant 0 : i32
        %dma_wait3A_75 = tpu.memref_slice %arg3[%arg0, %arg1, %mul3A_33, %dma_wait3A_74] : memref<2x16x160x128xi32, #tpu.memory_space<hbm>> -> memref<1x1x32x128xi32, #tpu.memory_space<hbm>>
        %dma_wait3A_76 = tpu.memref_squeeze %dma_wait3A_75 : memref<1x1x32x128xi32, #tpu.memory_space<hbm>> -> memref<32x128xi32, #tpu.memory_space<hbm>>
        %dma_wait3A_77 = arith.constant 0 : i32
        %dma_wait3A_78 = tpu.memref_slice %arg3[%arg0, %arg1, %mul3A_33, %dma_wait3A_77] : memref<2x16x160x128xi32, #tpu.memory_space<hbm>> -> memref<1x1x32x128xi32, #tpu.memory_space<hbm>>
        %dma_wait3A_79 = tpu.memref_squeeze %dma_wait3A_78 : memref<1x1x32x128xi32, #tpu.memory_space<hbm>> -> memref<32x128xi32, #tpu.memory_space<hbm>>
        tpu.wait_dma2 semaphore(%run_scoped3A : memref<!tpu.dma_semaphore, #tpu.memory_space<semaphore_mem>>) src(%dma_wait3A_79 : memref<32x128xi32, #tpu.memory_space<hbm>>) dst(%arg7 : memref<32x128xi32, #tpu.memory_space<vmem>>)
        tpu.yield
      }) : () -> ()
      %mul3A_34 = arith.constant 32 : i32
      %mul3A_35 = arith.muli %scan3A_31, %mul3A_34 : i32
      "tpu.region"() ({
        %run_scoped3A = tpu.sem_alloc : memref<!tpu.dma_semaphore, #tpu.memory_space<semaphore_mem>>
        %dma_start3A_68 = arith.constant 0 : i32
        %dma_start3A_69 = tpu.memref_slice %arg4[%arg0, %arg1, %mul3A_35, %dma_start3A_68] : memref<2x16x160x128xi32, #tpu.memory_space<hbm>> -> memref<1x1x32x128xi32, #tpu.memory_space<hbm>>
        %dma_start3A_70 = tpu.memref_squeeze %dma_start3A_69 : memref<1x1x32x128xi32, #tpu.memory_space<hbm>> -> memref<32x128xi32, #tpu.memory_space<hbm>>
        %dma_start3A_71 = arith.constant 0 : i32
        %dma_start3A_72 = tpu.memref_slice %arg4[%arg0, %arg1, %mul3A_35, %dma_start3A_71] : memref<2x16x160x128xi32, #tpu.memory_space<hbm>> -> memref<1x1x32x128xi32, #tpu.memory_space<hbm>>
        %dma_start3A_73 = tpu.memref_squeeze %dma_start3A_72 : memref<1x1x32x128xi32, #tpu.memory_space<hbm>> -> memref<32x128xi32, #tpu.memory_space<hbm>>
        tpu.enqueue_dma source(%dma_start3A_73 : memref<32x128xi32, #tpu.memory_space<hbm>>) target(%arg8 : memref<32x128xi32, #tpu.memory_space<vmem>>) target_semaphore(%run_scoped3A : memref<!tpu.dma_semaphore, #tpu.memory_space<semaphore_mem>>)
        %dma_wait3A_74 = arith.constant 0 : i32
        %dma_wait3A_75 = tpu.memref_slice %arg4[%arg0, %arg1, %mul3A_35, %dma_wait3A_74] : memref<2x16x160x128xi32, #tpu.memory_space<hbm>> -> memref<1x1x32x128xi32, #tpu.memory_space<hbm>>
        %dma_wait3A_76 = tpu.memref_squeeze %dma_wait3A_75 : memref<1x1x32x128xi32, #tpu.memory_space<hbm>> -> memref<32x128xi32, #tpu.memory_space<hbm>>
        %dma_wait3A_77 = arith.constant 0 : i32
        %dma_wait3A_78 = tpu.memref_slice %arg4[%arg0, %arg1, %mul3A_35, %dma_wait3A_77] : memref<2x16x160x128xi32, #tpu.memory_space<hbm>> -> memref<1x1x32x128xi32, #tpu.memory_space<hbm>>
        %dma_wait3A_79 = tpu.memref_squeeze %dma_wait3A_78 : memref<1x1x32x128xi32, #tpu.memory_space<hbm>> -> memref<32x128xi32, #tpu.memory_space<hbm>>
        tpu.wait_dma2 semaphore(%run_scoped3A : memref<!tpu.dma_semaphore, #tpu.memory_space<semaphore_mem>>) src(%dma_wait3A_79 : memref<32x128xi32, #tpu.memory_space<hbm>>) dst(%arg8 : memref<32x128xi32, #tpu.memory_space<vmem>>)
        tpu.yield
      }) : () -> ()
      %dma_start3A = arith.constant 0 : i32
      %dma_start3A_36 = arith.constant 0 : i32
      %dma_start3A_37 = tpu.memref_slice %arg7[%dma_start3A, %dma_start3A_36] : memref<32x128xi32, #tpu.memory_space<vmem>> -> memref<1x128xi32, #tpu.memory_space<vmem>>
      %dma_start3A_38 = tpu.memref_squeeze %dma_start3A_37 : memref<1x128xi32, #tpu.memory_space<vmem>> -> memref<128xi32, #tpu.memory_space<vmem>>
      %dma_start3A_39 = arith.constant 0 : i32
      %dma_start3A_40 = arith.constant 0 : i32
      %dma_start3A_41 = tpu.memref_slice %arg2[%dma_start3A_39, %dma_start3A_40] : memref<20480x64xf32, #tpu.memory_space<hbm>> -> memref<20480x64xf32, #tpu.memory_space<hbm>>
      tpu.enqueue_indirect_dma source(%dma_start3A_41 : memref<20480x64xf32, #tpu.memory_space<hbm>>) target(%arg9 : memref<128x64xf32, #tpu.memory_space<vmem>>) offsets(%dma_start3A_38 : memref<128xi32, #tpu.memory_space<vmem>>) semaphore(%arg12 : memref<!tpu.dma_semaphore, #tpu.memory_space<semaphore_mem>>)
      %dma_start3A_42 = arith.constant 1 : i32
      %dma_start3A_43 = arith.constant 0 : i32
      %dma_start3A_44 = tpu.memref_slice %arg7[%dma_start3A_42, %dma_start3A_43] : memref<32x128xi32, #tpu.memory_space<vmem>> -> memref<1x128xi32, #tpu.memory_space<vmem>>
      %dma_start3A_45 = tpu.memref_squeeze %dma_start3A_44 : memref<1x128xi32, #tpu.memory_space<vmem>> -> memref<128xi32, #tpu.memory_space<vmem>>
      %dma_start3A_46 = arith.constant 0 : i32
      %dma_start3A_47 = arith.constant 0 : i32
      %dma_start3A_48 = tpu.memref_slice %arg2[%dma_start3A_46, %dma_start3A_47] : memref<20480x64xf32, #tpu.memory_space<hbm>> -> memref<20480x64xf32, #tpu.memory_space<hbm>>
      tpu.enqueue_indirect_dma source(%dma_start3A_48 : memref<20480x64xf32, #tpu.memory_space<hbm>>) target(%arg10 : memref<128x64xf32, #tpu.memory_space<vmem>>) offsets(%dma_start3A_45 : memref<128xi32, #tpu.memory_space<vmem>>) semaphore(%arg13 : memref<!tpu.dma_semaphore, #tpu.memory_space<semaphore_mem>>)
      %scan3A_49 = arith.constant 0 : i32
      %scan3A_50 = arith.constant 0 : i32
      %scan3A_51 = arith.constant 16 : i32
      %scan3A_52 = arith.addi %scan3A_50, %scan3A_51 : i32
      %scan3A_53 = arith.constant 1 : i32
      scf.for %scan3A_68 = %scan3A_50 to %scan3A_52 step %scan3A_53  : i32 {
        %mul3A_69 = arith.constant 2 : i32
        %mul3A_70 = arith.muli %mul3A_69, %scan3A_68 : i32
        %add3A_71 = arith.constant 2 : i32
        %add3A_72 = arith.addi %mul3A_70, %add3A_71 : i32
        %min3A = arith.constant 31 : i32
        %min3A_73 = arith.minsi %add3A_72, %min3A : i32
        %add3A_74 = arith.constant 3 : i32
        %add3A_75 = arith.addi %mul3A_70, %add3A_74 : i32
        %min3A_76 = arith.constant 31 : i32
        %min3A_77 = arith.minsi %add3A_75, %min3A_76 : i32
        %dma_wait3A_78 = arith.constant 0 : i32
        %dma_wait3A_79 = arith.constant 0 : i32
        %dma_wait3A_80 = tpu.memref_slice %arg7[%dma_wait3A_78, %dma_wait3A_79] : memref<32x128xi32, #tpu.memory_space<vmem>> -> memref<1x128xi32, #tpu.memory_space<vmem>>
        %dma_wait3A_81 = tpu.memref_squeeze %dma_wait3A_80 : memref<1x128xi32, #tpu.memory_space<vmem>> -> memref<128xi32, #tpu.memory_space<vmem>>
        %dma_wait3A_82 = arith.constant 0 : i32
        %dma_wait3A_83 = arith.constant 0 : i32
        %dma_wait3A_84 = tpu.memref_slice %arg2[%dma_wait3A_82, %dma_wait3A_83] : memref<20480x64xf32, #tpu.memory_space<hbm>> -> memref<20480x64xf32, #tpu.memory_space<hbm>>
        tpu.wait_indirect_dma semaphore(%arg12 : memref<!tpu.dma_semaphore, #tpu.memory_space<semaphore_mem>>) src(%dma_wait3A_84 : memref<20480x64xf32, #tpu.memory_space<hbm>>) dst(%arg9 : memref<128x64xf32, #tpu.memory_space<vmem>>)
        "tpu.region"() ({
          %run_scoped3A = tpu.sem_alloc : memref<!tpu.dma_semaphore, #tpu.memory_space<semaphore_mem>>
          %dma_start3A_106 = arith.constant 0 : i32
          %dma_start3A_107 = tpu.memref_slice %arg8[%mul3A_70, %dma_start3A_106] : memref<32x128xi32, #tpu.memory_space<vmem>> -> memref<1x128xi32, #tpu.memory_space<vmem>>
          %dma_start3A_108 = tpu.memref_squeeze %dma_start3A_107 : memref<1x128xi32, #tpu.memory_space<vmem>> -> memref<128xi32, #tpu.memory_space<vmem>>
          %dma_start3A_109 = arith.constant 0 : i32
          %dma_start3A_110 = arith.constant 0 : i32
          %dma_start3A_111 = tpu.memref_slice %arg11[%dma_start3A_109, %dma_start3A_110] : memref<10240x64xf32, #tpu.memory_space<vmem_shared>> -> memref<10240x64xf32, #tpu.memory_space<vmem_shared>>
          tpu.enqueue_indirect_dma source(%arg9 : memref<128x64xf32, #tpu.memory_space<vmem>>) target(%dma_start3A_111 : memref<10240x64xf32, #tpu.memory_space<vmem_shared>>) offsets(%dma_start3A_108 : memref<128xi32, #tpu.memory_space<vmem>>) semaphore(%run_scoped3A : memref<!tpu.dma_semaphore, #tpu.memory_space<semaphore_mem>>) {add = true}
          %dma_wait3A_112 = arith.constant 0 : i32
          %dma_wait3A_113 = tpu.memref_slice %arg8[%mul3A_70, %dma_wait3A_112] : memref<32x128xi32, #tpu.memory_space<vmem>> -> memref<1x128xi32, #tpu.memory_space<vmem>>
          %dma_wait3A_114 = tpu.memref_squeeze %dma_wait3A_113 : memref<1x128xi32, #tpu.memory_space<vmem>> -> memref<128xi32, #tpu.memory_space<vmem>>
          %dma_wait3A_115 = arith.constant 0 : i32
          %dma_wait3A_116 = arith.constant 0 : i32
          %dma_wait3A_117 = tpu.memref_slice %arg11[%dma_wait3A_115, %dma_wait3A_116] : memref<10240x64xf32, #tpu.memory_space<vmem_shared>> -> memref<10240x64xf32, #tpu.memory_space<vmem_shared>>
          tpu.wait_indirect_dma semaphore(%run_scoped3A : memref<!tpu.dma_semaphore, #tpu.memory_space<semaphore_mem>>) src(%arg9 : memref<128x64xf32, #tpu.memory_space<vmem>>) dst(%dma_wait3A_117 : memref<10240x64xf32, #tpu.memory_space<vmem_shared>>)
          tpu.yield
        }) : () -> ()
        %dma_start3A_85 = arith.constant 0 : i32
        %dma_start3A_86 = tpu.memref_slice %arg7[%min3A_73, %dma_start3A_85] : memref<32x128xi32, #tpu.memory_space<vmem>> -> memref<1x128xi32, #tpu.memory_space<vmem>>
        %dma_start3A_87 = tpu.memref_squeeze %dma_start3A_86 : memref<1x128xi32, #tpu.memory_space<vmem>> -> memref<128xi32, #tpu.memory_space<vmem>>
        %dma_start3A_88 = arith.constant 0 : i32
        %dma_start3A_89 = arith.constant 0 : i32
        %dma_start3A_90 = tpu.memref_slice %arg2[%dma_start3A_88, %dma_start3A_89] : memref<20480x64xf32, #tpu.memory_space<hbm>> -> memref<20480x64xf32, #tpu.memory_space<hbm>>
        tpu.enqueue_indirect_dma source(%dma_start3A_90 : memref<20480x64xf32, #tpu.memory_space<hbm>>) target(%arg9 : memref<128x64xf32, #tpu.memory_space<vmem>>) offsets(%dma_start3A_87 : memref<128xi32, #tpu.memory_space<vmem>>) semaphore(%arg12 : memref<!tpu.dma_semaphore, #tpu.memory_space<semaphore_mem>>)
        %dma_wait3A_91 = arith.constant 0 : i32
        %dma_wait3A_92 = arith.constant 0 : i32
        %dma_wait3A_93 = tpu.memref_slice %arg7[%dma_wait3A_91, %dma_wait3A_92] : memref<32x128xi32, #tpu.memory_space<vmem>> -> memref<1x128xi32, #tpu.memory_space<vmem>>
        %dma_wait3A_94 = tpu.memref_squeeze %dma_wait3A_93 : memref<1x128xi32, #tpu.memory_space<vmem>> -> memref<128xi32, #tpu.memory_space<vmem>>
        %dma_wait3A_95 = arith.constant 0 : i32
        %dma_wait3A_96 = arith.constant 0 : i32
        %dma_wait3A_97 = tpu.memref_slice %arg2[%dma_wait3A_95, %dma_wait3A_96] : memref<20480x64xf32, #tpu.memory_space<hbm>> -> memref<20480x64xf32, #tpu.memory_space<hbm>>
        tpu.wait_indirect_dma semaphore(%arg13 : memref<!tpu.dma_semaphore, #tpu.memory_space<semaphore_mem>>) src(%dma_wait3A_97 : memref<20480x64xf32, #tpu.memory_space<hbm>>) dst(%arg10 : memref<128x64xf32, #tpu.memory_space<vmem>>)
        %add3A_98 = arith.constant 1 : i32
        %add3A_99 = arith.addi %mul3A_70, %add3A_98 : i32
        "tpu.region"() ({
          %run_scoped3A = tpu.sem_alloc : memref<!tpu.dma_semaphore, #tpu.memory_space<semaphore_mem>>
          %dma_start3A_106 = arith.constant 0 : i32
          %dma_start3A_107 = tpu.memref_slice %arg8[%add3A_99, %dma_start3A_106] : memref<32x128xi32, #tpu.memory_space<vmem>> -> memref<1x128xi32, #tpu.memory_space<vmem>>
          %dma_start3A_108 = tpu.memref_squeeze %dma_start3A_107 : memref<1x128xi32, #tpu.memory_space<vmem>> -> memref<128xi32, #tpu.memory_space<vmem>>
          %dma_start3A_109 = arith.constant 0 : i32
          %dma_start3A_110 = arith.constant 0 : i32
          %dma_start3A_111 = tpu.memref_slice %arg11[%dma_start3A_109, %dma_start3A_110] : memref<10240x64xf32, #tpu.memory_space<vmem_shared>> -> memref<10240x64xf32, #tpu.memory_space<vmem_shared>>
          tpu.enqueue_indirect_dma source(%arg10 : memref<128x64xf32, #tpu.memory_space<vmem>>) target(%dma_start3A_111 : memref<10240x64xf32, #tpu.memory_space<vmem_shared>>) offsets(%dma_start3A_108 : memref<128xi32, #tpu.memory_space<vmem>>) semaphore(%run_scoped3A : memref<!tpu.dma_semaphore, #tpu.memory_space<semaphore_mem>>) {add = true}
          %dma_wait3A_112 = arith.constant 0 : i32
          %dma_wait3A_113 = tpu.memref_slice %arg8[%add3A_99, %dma_wait3A_112] : memref<32x128xi32, #tpu.memory_space<vmem>> -> memref<1x128xi32, #tpu.memory_space<vmem>>
          %dma_wait3A_114 = tpu.memref_squeeze %dma_wait3A_113 : memref<1x128xi32, #tpu.memory_space<vmem>> -> memref<128xi32, #tpu.memory_space<vmem>>
          %dma_wait3A_115 = arith.constant 0 : i32
          %dma_wait3A_116 = arith.constant 0 : i32
          %dma_wait3A_117 = tpu.memref_slice %arg11[%dma_wait3A_115, %dma_wait3A_116] : memref<10240x64xf32, #tpu.memory_space<vmem_shared>> -> memref<10240x64xf32, #tpu.memory_space<vmem_shared>>
          tpu.wait_indirect_dma semaphore(%run_scoped3A : memref<!tpu.dma_semaphore, #tpu.memory_space<semaphore_mem>>) src(%arg10 : memref<128x64xf32, #tpu.memory_space<vmem>>) dst(%dma_wait3A_117 : memref<10240x64xf32, #tpu.memory_space<vmem_shared>>)
          tpu.yield
        }) : () -> ()
        %dma_start3A_100 = arith.constant 0 : i32
        %dma_start3A_101 = tpu.memref_slice %arg7[%min3A_77, %dma_start3A_100] : memref<32x128xi32, #tpu.memory_space<vmem>> -> memref<1x128xi32, #tpu.memory_space<vmem>>
        %dma_start3A_102 = tpu.memref_squeeze %dma_start3A_101 : memref<1x128xi32, #tpu.memory_space<vmem>> -> memref<128xi32, #tpu.memory_space<vmem>>
        %dma_start3A_103 = arith.constant 0 : i32
        %dma_start3A_104 = arith.constant 0 : i32
        %dma_start3A_105 = tpu.memref_slice %arg2[%dma_start3A_103, %dma_start3A_104] : memref<20480x64xf32, #tpu.memory_space<hbm>> -> memref<20480x64xf32, #tpu.memory_space<hbm>>
        tpu.enqueue_indirect_dma source(%dma_start3A_105 : memref<20480x64xf32, #tpu.memory_space<hbm>>) target(%arg10 : memref<128x64xf32, #tpu.memory_space<vmem>>) offsets(%dma_start3A_102 : memref<128xi32, #tpu.memory_space<vmem>>) semaphore(%arg13 : memref<!tpu.dma_semaphore, #tpu.memory_space<semaphore_mem>>)
      }
      %scan3A_54 = arith.constant 16 : i32
      %dma_wait3A = arith.constant 0 : i32
      %dma_wait3A_55 = arith.constant 0 : i32
      %dma_wait3A_56 = tpu.memref_slice %arg7[%dma_wait3A, %dma_wait3A_55] : memref<32x128xi32, #tpu.memory_space<vmem>> -> memref<1x128xi32, #tpu.memory_space<vmem>>
      %dma_wait3A_57 = tpu.memref_squeeze %dma_wait3A_56 : memref<1x128xi32, #tpu.memory_space<vmem>> -> memref<128xi32, #tpu.memory_space<vmem>>
      %dma_wait3A_58 = arith.constant 0 : i32
      %dma_wait3A_59 = arith.constant 0 : i32
      %dma_wait3A_60 = tpu.memref_slice %arg2[%dma_wait3A_58, %dma_wait3A_59] : memref<20480x64xf32, #tpu.memory_space<hbm>> -> memref<20480x64xf32, #tpu.memory_space<hbm>>
      tpu.wait_indirect_dma semaphore(%arg12 : memref<!tpu.dma_semaphore, #tpu.memory_space<semaphore_mem>>) src(%dma_wait3A_60 : memref<20480x64xf32, #tpu.memory_space<hbm>>) dst(%arg9 : memref<128x64xf32, #tpu.memory_space<vmem>>)
      %dma_wait3A_61 = arith.constant 0 : i32
      %dma_wait3A_62 = arith.constant 0 : i32
      %dma_wait3A_63 = tpu.memref_slice %arg7[%dma_wait3A_61, %dma_wait3A_62] : memref<32x128xi32, #tpu.memory_space<vmem>> -> memref<1x128xi32, #tpu.memory_space<vmem>>
      %dma_wait3A_64 = tpu.memref_squeeze %dma_wait3A_63 : memref<1x128xi32, #tpu.memory_space<vmem>> -> memref<128xi32, #tpu.memory_space<vmem>>
      %dma_wait3A_65 = arith.constant 0 : i32
      %dma_wait3A_66 = arith.constant 0 : i32
      %dma_wait3A_67 = tpu.memref_slice %arg2[%dma_wait3A_65, %dma_wait3A_66] : memref<20480x64xf32, #tpu.memory_space<hbm>> -> memref<20480x64xf32, #tpu.memory_space<hbm>>
      tpu.wait_indirect_dma semaphore(%arg13 : memref<!tpu.dma_semaphore, #tpu.memory_space<semaphore_mem>>) src(%dma_wait3A_67 : memref<20480x64xf32, #tpu.memory_space<hbm>>) dst(%arg10 : memref<128x64xf32, #tpu.memory_space<vmem>>)
    }
    %scan3A_22 = arith.constant 5 : i32
    %barrier3A_23 = arith.constant 0 : index
    tpu.barrier barrier_id(%barrier3A_23)
    %mul3A_24 = arith.constant 640 : i32
    %mul3A_25 = arith.muli %arg1, %mul3A_24 : i32
    %mul3A_26 = arith.constant 10240 : i32
    %mul3A_27 = arith.muli %arg0, %mul3A_26 : i32
    %mul3A_28 = arith.constant 640 : i32
    %mul3A_29 = arith.muli %arg1, %mul3A_28 : i32
    %add3A_30 = arith.addi %mul3A_27, %mul3A_29 : i32
    "tpu.region"() ({
      %run_scoped3A = tpu.sem_alloc : memref<!tpu.dma_semaphore, #tpu.memory_space<semaphore_mem>>
      %dma_start3A = arith.constant 0 : i32
      %dma_start3A_31 = tpu.memref_slice %arg6[%add3A_30, %dma_start3A] : memref<20480x64xf32, #tpu.memory_space<hbm>> -> memref<640x64xf32, #tpu.memory_space<hbm>>
      %dma_start3A_32 = arith.constant 0 : i32
      %dma_start3A_33 = tpu.memref_slice %arg11[%mul3A_25, %dma_start3A_32] : memref<10240x64xf32, #tpu.memory_space<vmem_shared>> -> memref<640x64xf32, #tpu.memory_space<vmem_shared>>
      tpu.enqueue_dma source(%dma_start3A_33 : memref<640x64xf32, #tpu.memory_space<vmem_shared>>) target(%dma_start3A_31 : memref<640x64xf32, #tpu.memory_space<hbm>>) target_semaphore(%run_scoped3A : memref<!tpu.dma_semaphore, #tpu.memory_space<semaphore_mem>>)
      %dma_wait3A = arith.constant 0 : i32
      %dma_wait3A_34 = tpu.memref_slice %arg6[%add3A_30, %dma_wait3A] : memref<20480x64xf32, #tpu.memory_space<hbm>> -> memref<640x64xf32, #tpu.memory_space<hbm>>
      %dma_wait3A_35 = arith.constant 0 : i32
      %dma_wait3A_36 = tpu.memref_slice %arg11[%mul3A_25, %dma_wait3A_35] : memref<10240x64xf32, #tpu.memory_space<vmem_shared>> -> memref<640x64xf32, #tpu.memory_space<vmem_shared>>
      tpu.wait_dma2 semaphore(%run_scoped3A : memref<!tpu.dma_semaphore, #tpu.memory_space<semaphore_mem>>) src(%dma_wait3A_36 : memref<640x64xf32, #tpu.memory_space<vmem_shared>>) dst(%dma_wait3A_34 : memref<640x64xf32, #tpu.memory_space<hbm>>)
      tpu.yield
    }) : () -> ()
    return
  }
}

module attributes {stable_mosaic.version = 14 : i64} {
  func.func @_y0_body(%arg0: memref<20480x128xf32, #tpu.memory_space<vmem>>, %arg1: memref<128x128xf32, #tpu.memory_space<vmem>>, %arg2: memref<20480x16xf32, #tpu.memory_space<vmem>>, %arg3: memref<20480x128xf32, #tpu.memory_space<vmem>>) attributes {dimension_semantics = [], scalar_prefetch = 0 : i64, scratch_operands = 0 : i64, tpu.core_type = #tpu.core_type<tc>} {
    %get3A = arith.constant 0 : index
    %get3A_0 = arith.constant 0 : index
    %get3A_1 = vector.load %arg2[%get3A, %get3A_0] : memref<20480x16xf32, #tpu.memory_space<vmem>>, vector<20480x1xf32>
    %add3A = arith.constant 1.000000e+00 : f32
    %add3A_2 = vector.broadcast %add3A : f32 to vector<20480x1xf32>
    %add3A_3 = arith.addf %get3A_1, %add3A_2 : vector<20480x1xf32>
    %rsqrt3A = math.rsqrt %add3A_3 : vector<20480x1xf32>
    %get3A_4 = arith.constant 0 : index
    %get3A_5 = arith.constant 0 : index
    %get3A_6 = vector.load %arg0[%get3A_4, %get3A_5] : memref<20480x128xf32, #tpu.memory_space<vmem>>, vector<20480x128xf32>
    %get3A_7 = arith.constant 0 : index
    %get3A_8 = arith.constant 0 : index
    %get3A_9 = vector.load %arg1[%get3A_7, %get3A_8] : memref<128x128xf32, #tpu.memory_space<vmem>>, vector<128x128xf32>
    %dot_general3A = arith.constant dense<0.000000e+00> : vector<20480x128xf32>
    %dot_general3A_10 = tpu.matmul %get3A_6, %get3A_9, %dot_general3A {dimension_numbers = #tpu.dot_dimension_numbers<[1], [0], [0], [1], [0, 0, 1, 1], [], []>, transpose_lhs_hint = false} : vector<20480x128xf32>, vector<128x128xf32>, vector<20480x128xf32> -> vector<20480x128xf32>
    %mul3A = vector.broadcast %rsqrt3A : vector<20480x1xf32> to vector<20480x128xf32>
    %mul3A_11 = arith.mulf %dot_general3A_10, %mul3A : vector<20480x128xf32>
    %swap3A = arith.constant 0 : index
    %swap3A_12 = arith.constant 0 : index
    %swap3A_13 = vector.load %arg3[%swap3A, %swap3A_12] : memref<20480x128xf32, #tpu.memory_space<vmem>>, vector<20480x128xf32>
    tpu.vector_store %arg3[%swap3A, %swap3A_12], %mul3A_11 {strides = array<i32>} : memref<20480x128xf32, #tpu.memory_space<vmem>>, vector<20480x128xf32>,
    return
  }
}

module attributes {stable_mosaic.version = 14 : i64} {
  func.func @_hy_body(%arg0: memref<20480x128xf32, #tpu.memory_space<vmem>>, %arg1: memref<20480x128xf32, #tpu.memory_space<vmem>>, %arg2: memref<20480x16xf32, #tpu.memory_space<vmem>>, %arg3: memref<1x128xf32, #tpu.memory_space<vmem>>, %arg4: memref<128x64xf32, #tpu.memory_space<vmem>>, %arg5: memref<20480x128xf32, #tpu.memory_space<vmem>>, %arg6: memref<20480x64xf32, #tpu.memory_space<vmem>>) attributes {dimension_semantics = [], scalar_prefetch = 0 : i64, scratch_operands = 0 : i64, tpu.core_type = #tpu.core_type<tc>} {
    %get3A = arith.constant 0 : index
    %get3A_0 = arith.constant 0 : index
    %get3A_1 = vector.load %arg2[%get3A, %get3A_0] : memref<20480x16xf32, #tpu.memory_space<vmem>>, vector<20480x1xf32>
    %add3A = arith.constant 1.000000e+00 : f32
    %add3A_2 = vector.broadcast %add3A : f32 to vector<20480x1xf32>
    %add3A_3 = arith.addf %get3A_1, %add3A_2 : vector<20480x1xf32>
    %rsqrt3A = math.rsqrt %add3A_3 : vector<20480x1xf32>
    %get3A_4 = arith.constant 0 : index
    %get3A_5 = arith.constant 0 : index
    %get3A_6 = vector.load %arg0[%get3A_4, %get3A_5] : memref<20480x128xf32, #tpu.memory_space<vmem>>, vector<20480x128xf32>
    %get3A_7 = arith.constant 0 : index
    %get3A_8 = arith.constant 0 : index
    %get3A_9 = vector.load %arg1[%get3A_7, %get3A_8] : memref<20480x128xf32, #tpu.memory_space<vmem>>, vector<20480x128xf32>
    %add3A_10 = arith.addf %get3A_6, %get3A_9 : vector<20480x128xf32>
    %mul3A = vector.broadcast %rsqrt3A : vector<20480x1xf32> to vector<20480x128xf32>
    %mul3A_11 = arith.mulf %add3A_10, %mul3A : vector<20480x128xf32>
    %get3A_12 = arith.constant 0 : index
    %get3A_13 = arith.constant 0 : index
    %get3A_14 = vector.load %arg3[%get3A_12, %get3A_13] : memref<1x128xf32, #tpu.memory_space<vmem>>, vector<1x128xf32>
    %add3A_15 = vector.broadcast %get3A_14 : vector<1x128xf32> to vector<20480x128xf32>
    %add3A_16 = arith.addf %mul3A_11, %add3A_15 : vector<20480x128xf32>
    %max3A = arith.constant 0.000000e+00 : f32
    %max3A_17 = vector.broadcast %max3A : f32 to vector<20480x128xf32>
    %max3A_18 = arith.maximumf %add3A_16, %max3A_17 : vector<20480x128xf32>
    %swap3A = arith.constant 0 : index
    %swap3A_19 = arith.constant 0 : index
    %swap3A_20 = vector.load %arg5[%swap3A, %swap3A_19] : memref<20480x128xf32, #tpu.memory_space<vmem>>, vector<20480x128xf32>
    tpu.vector_store %arg5[%swap3A, %swap3A_19], %max3A_18 {strides = array<i32>} : memref<20480x128xf32, #tpu.memory_space<vmem>>, vector<20480x128xf32>,
    %get3A_21 = arith.constant 0 : index
    %get3A_22 = arith.constant 0 : index
    %get3A_23 = vector.load %arg4[%get3A_21, %get3A_22] : memref<128x64xf32, #tpu.memory_space<vmem>>, vector<128x64xf32>
    %dot_general3A = arith.constant dense<0.000000e+00> : vector<20480x64xf32>
    %dot_general3A_24 = tpu.matmul %max3A_18, %get3A_23, %dot_general3A {dimension_numbers = #tpu.dot_dimension_numbers<[1], [0], [0], [1], [0, 0, 1, 1], [], []>, transpose_lhs_hint = false} : vector<20480x128xf32>, vector<128x64xf32>, vector<20480x64xf32> -> vector<20480x64xf32>
    %mul3A_25 = vector.broadcast %rsqrt3A : vector<20480x1xf32> to vector<20480x64xf32>
    %mul3A_26 = arith.mulf %dot_general3A_24, %mul3A_25 : vector<20480x64xf32>
    %swap3A_27 = arith.constant 0 : index
    %swap3A_28 = arith.constant 0 : index
    %swap3A_29 = vector.load %arg6[%swap3A_27, %swap3A_28] : memref<20480x64xf32, #tpu.memory_space<vmem>>, vector<20480x64xf32>
    tpu.vector_store %arg6[%swap3A_27, %swap3A_28], %mul3A_26 {strides = array<i32>} : memref<20480x64xf32, #tpu.memory_space<vmem>>, vector<20480x64xf32>,
    return
  }
}

module attributes {stable_mosaic.version = 14 : i64} {
  func.func @_hy_body(%arg0: memref<20480x64xf32, #tpu.memory_space<vmem>>, %arg1: memref<20480x64xf32, #tpu.memory_space<vmem>>, %arg2: memref<20480x16xf32, #tpu.memory_space<vmem>>, %arg3: memref<1x64xf32, #tpu.memory_space<vmem>>, %arg4: memref<64x32xf32, #tpu.memory_space<vmem>>, %arg5: memref<20480x64xf32, #tpu.memory_space<vmem>>, %arg6: memref<20480x32xf32, #tpu.memory_space<vmem>>) attributes {dimension_semantics = [], scalar_prefetch = 0 : i64, scratch_operands = 0 : i64, tpu.core_type = #tpu.core_type<tc>} {
    %get3A = arith.constant 0 : index
    %get3A_0 = arith.constant 0 : index
    %get3A_1 = vector.load %arg2[%get3A, %get3A_0] : memref<20480x16xf32, #tpu.memory_space<vmem>>, vector<20480x1xf32>
    %add3A = arith.constant 1.000000e+00 : f32
    %add3A_2 = vector.broadcast %add3A : f32 to vector<20480x1xf32>
    %add3A_3 = arith.addf %get3A_1, %add3A_2 : vector<20480x1xf32>
    %rsqrt3A = math.rsqrt %add3A_3 : vector<20480x1xf32>
    %get3A_4 = arith.constant 0 : index
    %get3A_5 = arith.constant 0 : index
    %get3A_6 = vector.load %arg0[%get3A_4, %get3A_5] : memref<20480x64xf32, #tpu.memory_space<vmem>>, vector<20480x64xf32>
    %get3A_7 = arith.constant 0 : index
    %get3A_8 = arith.constant 0 : index
    %get3A_9 = vector.load %arg1[%get3A_7, %get3A_8] : memref<20480x64xf32, #tpu.memory_space<vmem>>, vector<20480x64xf32>
    %add3A_10 = arith.addf %get3A_6, %get3A_9 : vector<20480x64xf32>
    %mul3A = vector.broadcast %rsqrt3A : vector<20480x1xf32> to vector<20480x64xf32>
    %mul3A_11 = arith.mulf %add3A_10, %mul3A : vector<20480x64xf32>
    %get3A_12 = arith.constant 0 : index
    %get3A_13 = arith.constant 0 : index
    %get3A_14 = vector.load %arg3[%get3A_12, %get3A_13] : memref<1x64xf32, #tpu.memory_space<vmem>>, vector<1x64xf32>
    %add3A_15 = vector.broadcast %get3A_14 : vector<1x64xf32> to vector<20480x64xf32>
    %add3A_16 = arith.addf %mul3A_11, %add3A_15 : vector<20480x64xf32>
    %max3A = arith.constant 0.000000e+00 : f32
    %max3A_17 = vector.broadcast %max3A : f32 to vector<20480x64xf32>
    %max3A_18 = arith.maximumf %add3A_16, %max3A_17 : vector<20480x64xf32>
    %swap3A = arith.constant 0 : index
    %swap3A_19 = arith.constant 0 : index
    %swap3A_20 = vector.load %arg5[%swap3A, %swap3A_19] : memref<20480x64xf32, #tpu.memory_space<vmem>>, vector<20480x64xf32>
    tpu.vector_store %arg5[%swap3A, %swap3A_19], %max3A_18 {strides = array<i32>} : memref<20480x64xf32, #tpu.memory_space<vmem>>, vector<20480x64xf32>,
    %get3A_21 = arith.constant 0 : index
    %get3A_22 = arith.constant 0 : index
    %get3A_23 = vector.load %arg4[%get3A_21, %get3A_22] : memref<64x32xf32, #tpu.memory_space<vmem>>, vector<64x32xf32>
    %dot_general3A = arith.constant dense<0.000000e+00> : vector<20480x32xf32>
    %dot_general3A_24 = tpu.matmul %max3A_18, %get3A_23, %dot_general3A {dimension_numbers = #tpu.dot_dimension_numbers<[1], [0], [0], [1], [0, 0, 1, 1], [], []>, transpose_lhs_hint = false} : vector<20480x64xf32>, vector<64x32xf32>, vector<20480x32xf32> -> vector<20480x32xf32>
    %mul3A_25 = vector.broadcast %rsqrt3A : vector<20480x1xf32> to vector<20480x32xf32>
    %mul3A_26 = arith.mulf %dot_general3A_24, %mul3A_25 : vector<20480x32xf32>
    %swap3A_27 = arith.constant 0 : index
    %swap3A_28 = arith.constant 0 : index
    %swap3A_29 = vector.load %arg6[%swap3A_27, %swap3A_28] : memref<20480x32xf32, #tpu.memory_space<vmem>>, vector<20480x32xf32>
    tpu.vector_store %arg6[%swap3A_27, %swap3A_28], %mul3A_26 {strides = array<i32>} : memref<20480x32xf32, #tpu.memory_space<vmem>>, vector<20480x32xf32>,
    return
  }
}

module attributes {stable_mosaic.version = 14 : i64} {
  func.func @_onehot_body(%arg0: memref<2x10240xi32, #tpu.memory_space<vmem>>, %arg1: memref<128x10240xf32, #tpu.memory_space<vmem>>, %arg2: memref<128x10240xf32, #tpu.memory_space<vmem>>) attributes {dimension_semantics = [], scalar_prefetch = 0 : i64, scratch_operands = 0 : i64, tpu.core_type = #tpu.core_type<tc>} {
    %iota3A = tpu.iota {dimensions = array<i32: 0>} : vector<128x10240xi32>
    %get3A = arith.constant 0 : index
    %get3A_0 = arith.constant 0 : index
    %get3A_1 = vector.load %arg0[%get3A, %get3A_0] : memref<2x10240xi32, #tpu.memory_space<vmem>>, vector<1x10240xi32>
    %eq3A = vector.broadcast %get3A_1 : vector<1x10240xi32> to vector<128x10240xi32>
    %eq3A_2 = arith.cmpi eq, %iota3A, %eq3A : vector<128x10240xi32>
    %jit3A = arith.constant 1.000000e+00 : f32
    %jit3A_3 = arith.constant 0.000000e+00 : f32
    %broadcast_in_dim3A = vector.broadcast %jit3A : f32 to vector<128x10240xf32>
    %broadcast_in_dim3A_4 = vector.broadcast %jit3A_3 : f32 to vector<128x10240xf32>
    %select_n3A = arith.select %eq3A_2, %broadcast_in_dim3A, %broadcast_in_dim3A_4 : vector<128x10240xi1>, vector<128x10240xf32>
    %swap3A = arith.constant 0 : index
    %swap3A_5 = arith.constant 0 : index
    %swap3A_6 = vector.load %arg1[%swap3A, %swap3A_5] : memref<128x10240xf32, #tpu.memory_space<vmem>>, vector<128x10240xf32>
    tpu.vector_store %arg1[%swap3A, %swap3A_5], %select_n3A {strides = array<i32>} : memref<128x10240xf32, #tpu.memory_space<vmem>>, vector<128x10240xf32>,
    %get3A_7 = arith.constant 1 : index
    %get3A_8 = arith.constant 0 : index
    %get3A_9 = vector.load %arg0[%get3A_7, %get3A_8] : memref<2x10240xi32, #tpu.memory_space<vmem>>, vector<1x10240xi32>
    %eq3A_10 = vector.broadcast %get3A_9 : vector<1x10240xi32> to vector<128x10240xi32>
    %eq3A_11 = arith.cmpi eq, %iota3A, %eq3A_10 : vector<128x10240xi32>
    %jit3A_12 = arith.constant 1.000000e+00 : f32
    %jit3A_13 = arith.constant 0.000000e+00 : f32
    %broadcast_in_dim3A_14 = vector.broadcast %jit3A_12 : f32 to vector<128x10240xf32>
    %broadcast_in_dim3A_15 = vector.broadcast %jit3A_13 : f32 to vector<128x10240xf32>
    %select_n3A_16 = arith.select %eq3A_11, %broadcast_in_dim3A_14, %broadcast_in_dim3A_15 : vector<128x10240xi1>, vector<128x10240xf32>
    %swap3A_17 = arith.constant 0 : index
    %swap3A_18 = arith.constant 0 : index
    %swap3A_19 = vector.load %arg2[%swap3A_17, %swap3A_18] : memref<128x10240xf32, #tpu.memory_space<vmem>>, vector<128x10240xf32>
    tpu.vector_store %arg2[%swap3A_17, %swap3A_18], %select_n3A_16 {strides = array<i32>} : memref<128x10240xf32, #tpu.memory_space<vmem>>, vector<128x10240xf32>,
    return
  }
}

module attributes {stable_mosaic.version = 14 : i64} {
  func.func @_pool_body(%arg0: memref<20480x128xf32, #tpu.memory_space<vmem>>, %arg1: memref<128x32xf32, #tpu.memory_space<vmem>>, %arg2: memref<1x32xf32, #tpu.memory_space<vmem>>, %arg3: memref<32x128xf32, #tpu.memory_space<vmem>>, %arg4: memref<1x128xf32, #tpu.memory_space<vmem>>, %arg5: memref<128x10240xf32, #tpu.memory_space<vmem>>, %arg6: memref<128x10240xf32, #tpu.memory_space<vmem>>, %arg7: memref<128x128xf32, #tpu.memory_space<vmem>>, %arg8: memref<128x128xf32, #tpu.memory_space<vmem>>) attributes {dimension_semantics = [], scalar_prefetch = 0 : i64, scratch_operands = 0 : i64, tpu.core_type = #tpu.core_type<tc>} {
    %get3A = arith.constant 0 : index
    %get3A_0 = arith.constant 0 : index
    %get3A_1 = vector.load %arg0[%get3A, %get3A_0] : memref<20480x128xf32, #tpu.memory_space<vmem>>, vector<20480x128xf32>
    %get3A_2 = arith.constant 0 : index
    %get3A_3 = arith.constant 0 : index
    %get3A_4 = vector.load %arg1[%get3A_2, %get3A_3] : memref<128x32xf32, #tpu.memory_space<vmem>>, vector<128x32xf32>
    %dot_general3A = arith.constant dense<0.000000e+00> : vector<20480x32xf32>
    %dot_general3A_5 = tpu.matmul %get3A_1, %get3A_4, %dot_general3A {dimension_numbers = #tpu.dot_dimension_numbers<[1], [0], [0], [1], [0, 0, 1, 1], [], []>, transpose_lhs_hint = false} : vector<20480x128xf32>, vector<128x32xf32>, vector<20480x32xf32> -> vector<20480x32xf32>
    %get3A_6 = arith.constant 0 : index
    %get3A_7 = arith.constant 0 : index
    %get3A_8 = vector.load %arg2[%get3A_6, %get3A_7] : memref<1x32xf32, #tpu.memory_space<vmem>>, vector<1x32xf32>
    %add3A = vector.broadcast %get3A_8 : vector<1x32xf32> to vector<20480x32xf32>
    %add3A_9 = arith.addf %dot_general3A_5, %add3A : vector<20480x32xf32>
    %max3A = arith.constant 0.000000e+00 : f32
    %max3A_10 = vector.broadcast %max3A : f32 to vector<20480x32xf32>
    %max3A_11 = arith.maximumf %add3A_9, %max3A_10 : vector<20480x32xf32>
    %get3A_12 = arith.constant 0 : index
    %get3A_13 = arith.constant 0 : index
    %get3A_14 = vector.load %arg3[%get3A_12, %get3A_13] : memref<32x128xf32, #tpu.memory_space<vmem>>, vector<32x128xf32>
    %dot_general3A_15 = arith.constant dense<0.000000e+00> : vector<20480x128xf32>
    %dot_general3A_16 = tpu.matmul %max3A_11, %get3A_14, %dot_general3A_15 {dimension_numbers = #tpu.dot_dimension_numbers<[1], [0], [0], [1], [0, 0, 1, 1], [], []>, transpose_lhs_hint = false} : vector<20480x32xf32>, vector<32x128xf32>, vector<20480x128xf32> -> vector<20480x128xf32>
    %get3A_17 = arith.constant 0 : index
    %get3A_18 = arith.constant 0 : index
    %get3A_19 = vector.load %arg4[%get3A_17, %get3A_18] : memref<1x128xf32, #tpu.memory_space<vmem>>, vector<1x128xf32>
    %add3A_20 = vector.broadcast %get3A_19 : vector<1x128xf32> to vector<20480x128xf32>
    %add3A_21 = arith.addf %dot_general3A_16, %add3A_20 : vector<20480x128xf32>
    %tanh3A = math.tanh %add3A_21 : vector<20480x128xf32>
    %mul3A = arith.mulf %tanh3A, %get3A_1 : vector<20480x128xf32>
    %add3A_22 = arith.addf %mul3A, %get3A_1 : vector<20480x128xf32>
    %slice3A = vector.extract_strided_slice %add3A_22 {offsets = [0, 0], sizes = [10240, 128], strides = [1, 1]} : vector<20480x128xf32> to vector<10240x128xf32>
    %get3A_23 = arith.constant 0 : index
    %get3A_24 = arith.constant 0 : index
    %get3A_25 = vector.load %arg5[%get3A_23, %get3A_24] : memref<128x10240xf32, #tpu.memory_space<vmem>>, vector<128x10240xf32>
    %reduce_sum3A = arith.constant dense<0.000000e+00> : vector<128xf32>
    %reduce_sum3A_26 = vector.multi_reduction <add>, %get3A_25, %reduce_sum3A [1] : vector<128x10240xf32> to vector<128xf32>
    %broadcast_in_dim3A = vector.shape_cast %reduce_sum3A_26 : vector<128xf32> to vector<128x1xf32>
    %dot_general3A_27 = arith.constant dense<0.000000e+00> : vector<128x128xf32>
    %dot_general3A_28 = tpu.matmul %get3A_25, %slice3A, %dot_general3A_27 {dimension_numbers = #tpu.dot_dimension_numbers<[1], [0], [0], [1], [0, 0, 1, 1], [], []>, transpose_lhs_hint = false} : vector<128x10240xf32>, vector<10240x128xf32>, vector<128x128xf32> -> vector<128x128xf32>
    %max3A_29 = arith.constant 1.000000e+00 : f32
    %max3A_30 = vector.broadcast %max3A_29 : f32 to vector<128x1xf32>
    %max3A_31 = arith.maximumf %broadcast_in_dim3A, %max3A_30 : vector<128x1xf32>
    %div3A = vector.broadcast %max3A_31 : vector<128x1xf32> to vector<128x128xf32>
    %div3A_32 = arith.divf %dot_general3A_28, %div3A : vector<128x128xf32>
    %tanh3A_33 = math.tanh %div3A_32 : vector<128x128xf32>
    %dot_general3A_34 = arith.constant dense<0.000000e+00> : vector<10240x128xf32>
    %dot_general3A_35 = tpu.matmul %get3A_25, %tanh3A_33, %dot_general3A_34 {dimension_numbers = #tpu.dot_dimension_numbers<[0], [0], [1], [1], [0, 1, 1, 1], [], []>, transpose_lhs_hint = false} : vector<128x10240xf32>, vector<128x128xf32>, vector<10240x128xf32> -> vector<10240x128xf32>
    %mul3A_36 = arith.mulf %slice3A, %dot_general3A_35 : vector<10240x128xf32>
    %reduce_sum3A_37 = arith.constant dense<0.000000e+00> : vector<10240xf32>
    %reduce_sum3A_38 = vector.multi_reduction <add>, %mul3A_36, %reduce_sum3A_37 [1] : vector<10240x128xf32> to vector<10240xf32>
    %broadcast_in_dim3A_39 = vector.shape_cast %reduce_sum3A_38 : vector<10240xf32> to vector<10240x1xf32>
    %logistic3A = arith.negf %broadcast_in_dim3A_39 : vector<10240x1xf32>
    %logistic3A_40 = math.exp %logistic3A : vector<10240x1xf32>
    %logistic3A_41 = arith.constant 1.000000e+00 : f32
    %logistic3A_42 = vector.broadcast %logistic3A_41 : f32 to vector<10240x1xf32>
    %logistic3A_43 = arith.addf %logistic3A_42, %logistic3A_40 : vector<10240x1xf32>
    %logistic3A_44 = arith.divf %logistic3A_42, %logistic3A_43 : vector<10240x1xf32>
    %mul3A_45 = vector.broadcast %logistic3A_44 : vector<10240x1xf32> to vector<10240x128xf32>
    %mul3A_46 = arith.mulf %mul3A_45, %slice3A : vector<10240x128xf32>
    %dot_general3A_47 = arith.constant dense<0.000000e+00> : vector<128x128xf32>
    %dot_general3A_48 = tpu.matmul %get3A_25, %mul3A_46, %dot_general3A_47 {dimension_numbers = #tpu.dot_dimension_numbers<[1], [0], [0], [1], [0, 0, 1, 1], [], []>, transpose_lhs_hint = false} : vector<128x10240xf32>, vector<10240x128xf32>, vector<128x128xf32> -> vector<128x128xf32>
    %swap3A = arith.constant 0 : index
    %swap3A_49 = arith.constant 0 : index
    %swap3A_50 = vector.load %arg7[%swap3A, %swap3A_49] : memref<128x128xf32, #tpu.memory_space<vmem>>, vector<128x128xf32>
    tpu.vector_store %arg7[%swap3A, %swap3A_49], %dot_general3A_48 {strides = array<i32>} : memref<128x128xf32, #tpu.memory_space<vmem>>, vector<128x128xf32>,
    %slice3A_51 = vector.extract_strided_slice %add3A_22 {offsets = [10240, 0], sizes = [10240, 128], strides = [1, 1]} : vector<20480x128xf32> to vector<10240x128xf32>
    %get3A_52 = arith.constant 0 : index
    %get3A_53 = arith.constant 0 : index
    %get3A_54 = vector.load %arg6[%get3A_52, %get3A_53] : memref<128x10240xf32, #tpu.memory_space<vmem>>, vector<128x10240xf32>
    %reduce_sum3A_55 = arith.constant dense<0.000000e+00> : vector<128xf32>
    %reduce_sum3A_56 = vector.multi_reduction <add>, %get3A_54, %reduce_sum3A_55 [1] : vector<128x10240xf32> to vector<128xf32>
    %broadcast_in_dim3A_57 = vector.shape_cast %reduce_sum3A_56 : vector<128xf32> to vector<128x1xf32>
    %dot_general3A_58 = arith.constant dense<0.000000e+00> : vector<128x128xf32>
    %dot_general3A_59 = tpu.matmul %get3A_54, %slice3A_51, %dot_general3A_58 {dimension_numbers = #tpu.dot_dimension_numbers<[1], [0], [0], [1], [0, 0, 1, 1], [], []>, transpose_lhs_hint = false} : vector<128x10240xf32>, vector<10240x128xf32>, vector<128x128xf32> -> vector<128x128xf32>
    %max3A_60 = arith.constant 1.000000e+00 : f32
    %max3A_61 = vector.broadcast %max3A_60 : f32 to vector<128x1xf32>
    %max3A_62 = arith.maximumf %broadcast_in_dim3A_57, %max3A_61 : vector<128x1xf32>
    %div3A_63 = vector.broadcast %max3A_62 : vector<128x1xf32> to vector<128x128xf32>
    %div3A_64 = arith.divf %dot_general3A_59, %div3A_63 : vector<128x128xf32>
    %tanh3A_65 = math.tanh %div3A_64 : vector<128x128xf32>
    %dot_general3A_66 = arith.constant dense<0.000000e+00> : vector<10240x128xf32>
    %dot_general3A_67 = tpu.matmul %get3A_54, %tanh3A_65, %dot_general3A_66 {dimension_numbers = #tpu.dot_dimension_numbers<[0], [0], [1], [1], [0, 1, 1, 1], [], []>, transpose_lhs_hint = false} : vector<128x10240xf32>, vector<128x128xf32>, vector<10240x128xf32> -> vector<10240x128xf32>
    %mul3A_68 = arith.mulf %slice3A_51, %dot_general3A_67 : vector<10240x128xf32>
    %reduce_sum3A_69 = arith.constant dense<0.000000e+00> : vector<10240xf32>
    %reduce_sum3A_70 = vector.multi_reduction <add>, %mul3A_68, %reduce_sum3A_69 [1] : vector<10240x128xf32> to vector<10240xf32>
    %broadcast_in_dim3A_71 = vector.shape_cast %reduce_sum3A_70 : vector<10240xf32> to vector<10240x1xf32>
    %logistic3A_72 = arith.negf %broadcast_in_dim3A_71 : vector<10240x1xf32>
    %logistic3A_73 = math.exp %logistic3A_72 : vector<10240x1xf32>
    %logistic3A_74 = arith.constant 1.000000e+00 : f32
    %logistic3A_75 = vector.broadcast %logistic3A_74 : f32 to vector<10240x1xf32>
    %logistic3A_76 = arith.addf %logistic3A_75, %logistic3A_73 : vector<10240x1xf32>
    %logistic3A_77 = arith.divf %logistic3A_75, %logistic3A_76 : vector<10240x1xf32>
    %mul3A_78 = vector.broadcast %logistic3A_77 : vector<10240x1xf32> to vector<10240x128xf32>
    %mul3A_79 = arith.mulf %mul3A_78, %slice3A_51 : vector<10240x128xf32>
    %dot_general3A_80 = arith.constant dense<0.000000e+00> : vector<128x128xf32>
    %dot_general3A_81 = tpu.matmul %get3A_54, %mul3A_79, %dot_general3A_80 {dimension_numbers = #tpu.dot_dimension_numbers<[1], [0], [0], [1], [0, 0, 1, 1], [], []>, transpose_lhs_hint = false} : vector<128x10240xf32>, vector<10240x128xf32>, vector<128x128xf32> -> vector<128x128xf32>
    %swap3A_82 = arith.constant 0 : index
    %swap3A_83 = arith.constant 0 : index
    %swap3A_84 = vector.load %arg8[%swap3A_82, %swap3A_83] : memref<128x128xf32, #tpu.memory_space<vmem>>, vector<128x128xf32>
    tpu.vector_store %arg8[%swap3A_82, %swap3A_83], %dot_general3A_81 {strides = array<i32>} : memref<128x128xf32, #tpu.memory_space<vmem>>, vector<128x128xf32>,
    return
  }
}

module attributes {stable_mosaic.version = 14 : i64} {
  func.func @_pool_body(%arg0: memref<20480x64xf32, #tpu.memory_space<vmem>>, %arg1: memref<64x16xf32, #tpu.memory_space<vmem>>, %arg2: memref<1x16xf32, #tpu.memory_space<vmem>>, %arg3: memref<16x64xf32, #tpu.memory_space<vmem>>, %arg4: memref<1x64xf32, #tpu.memory_space<vmem>>, %arg5: memref<128x10240xf32, #tpu.memory_space<vmem>>, %arg6: memref<128x10240xf32, #tpu.memory_space<vmem>>, %arg7: memref<128x64xf32, #tpu.memory_space<vmem>>, %arg8: memref<128x64xf32, #tpu.memory_space<vmem>>) attributes {dimension_semantics = [], scalar_prefetch = 0 : i64, scratch_operands = 0 : i64, tpu.core_type = #tpu.core_type<tc>} {
    %get3A = arith.constant 0 : index
    %get3A_0 = arith.constant 0 : index
    %get3A_1 = vector.load %arg0[%get3A, %get3A_0] : memref<20480x64xf32, #tpu.memory_space<vmem>>, vector<20480x64xf32>
    %get3A_2 = arith.constant 0 : index
    %get3A_3 = arith.constant 0 : index
    %get3A_4 = vector.load %arg1[%get3A_2, %get3A_3] : memref<64x16xf32, #tpu.memory_space<vmem>>, vector<64x16xf32>
    %dot_general3A = arith.constant dense<0.000000e+00> : vector<20480x16xf32>
    %dot_general3A_5 = tpu.matmul %get3A_1, %get3A_4, %dot_general3A {dimension_numbers = #tpu.dot_dimension_numbers<[1], [0], [0], [1], [0, 0, 1, 1], [], []>, transpose_lhs_hint = false} : vector<20480x64xf32>, vector<64x16xf32>, vector<20480x16xf32> -> vector<20480x16xf32>
    %get3A_6 = arith.constant 0 : index
    %get3A_7 = arith.constant 0 : index
    %get3A_8 = vector.load %arg2[%get3A_6, %get3A_7] : memref<1x16xf32, #tpu.memory_space<vmem>>, vector<1x16xf32>
    %add3A = vector.broadcast %get3A_8 : vector<1x16xf32> to vector<20480x16xf32>
    %add3A_9 = arith.addf %dot_general3A_5, %add3A : vector<20480x16xf32>
    %max3A = arith.constant 0.000000e+00 : f32
    %max3A_10 = vector.broadcast %max3A : f32 to vector<20480x16xf32>
    %max3A_11 = arith.maximumf %add3A_9, %max3A_10 : vector<20480x16xf32>
    %get3A_12 = arith.constant 0 : index
    %get3A_13 = arith.constant 0 : index
    %get3A_14 = vector.load %arg3[%get3A_12, %get3A_13] : memref<16x64xf32, #tpu.memory_space<vmem>>, vector<16x64xf32>
    %dot_general3A_15 = arith.constant dense<0.000000e+00> : vector<20480x64xf32>
    %dot_general3A_16 = tpu.matmul %max3A_11, %get3A_14, %dot_general3A_15 {dimension_numbers = #tpu.dot_dimension_numbers<[1], [0], [0], [1], [0, 0, 1, 1], [], []>, transpose_lhs_hint = false} : vector<20480x16xf32>, vector<16x64xf32>, vector<20480x64xf32> -> vector<20480x64xf32>
    %get3A_17 = arith.constant 0 : index
    %get3A_18 = arith.constant 0 : index
    %get3A_19 = vector.load %arg4[%get3A_17, %get3A_18] : memref<1x64xf32, #tpu.memory_space<vmem>>, vector<1x64xf32>
    %add3A_20 = vector.broadcast %get3A_19 : vector<1x64xf32> to vector<20480x64xf32>
    %add3A_21 = arith.addf %dot_general3A_16, %add3A_20 : vector<20480x64xf32>
    %tanh3A = math.tanh %add3A_21 : vector<20480x64xf32>
    %mul3A = arith.mulf %tanh3A, %get3A_1 : vector<20480x64xf32>
    %add3A_22 = arith.addf %mul3A, %get3A_1 : vector<20480x64xf32>
    %slice3A = vector.extract_strided_slice %add3A_22 {offsets = [0, 0], sizes = [10240, 64], strides = [1, 1]} : vector<20480x64xf32> to vector<10240x64xf32>
    %get3A_23 = arith.constant 0 : index
    %get3A_24 = arith.constant 0 : index
    %get3A_25 = vector.load %arg5[%get3A_23, %get3A_24] : memref<128x10240xf32, #tpu.memory_space<vmem>>, vector<128x10240xf32>
    %reduce_sum3A = arith.constant dense<0.000000e+00> : vector<128xf32>
    %reduce_sum3A_26 = vector.multi_reduction <add>, %get3A_25, %reduce_sum3A [1] : vector<128x10240xf32> to vector<128xf32>
    %broadcast_in_dim3A = vector.shape_cast %reduce_sum3A_26 : vector<128xf32> to vector<128x1xf32>
    %dot_general3A_27 = arith.constant dense<0.000000e+00> : vector<128x64xf32>
    %dot_general3A_28 = tpu.matmul %get3A_25, %slice3A, %dot_general3A_27 {dimension_numbers = #tpu.dot_dimension_numbers<[1], [0], [0], [1], [0, 0, 1, 1], [], []>, transpose_lhs_hint = false} : vector<128x10240xf32>, vector<10240x64xf32>, vector<128x64xf32> -> vector<128x64xf32>
    %max3A_29 = arith.constant 1.000000e+00 : f32
    %max3A_30 = vector.broadcast %max3A_29 : f32 to vector<128x1xf32>
    %max3A_31 = arith.maximumf %broadcast_in_dim3A, %max3A_30 : vector<128x1xf32>
    %div3A = vector.broadcast %max3A_31 : vector<128x1xf32> to vector<128x64xf32>
    %div3A_32 = arith.divf %dot_general3A_28, %div3A : vector<128x64xf32>
    %tanh3A_33 = math.tanh %div3A_32 : vector<128x64xf32>
    %dot_general3A_34 = arith.constant dense<0.000000e+00> : vector<10240x64xf32>
    %dot_general3A_35 = tpu.matmul %get3A_25, %tanh3A_33, %dot_general3A_34 {dimension_numbers = #tpu.dot_dimension_numbers<[0], [0], [1], [1], [0, 1, 1, 1], [], []>, transpose_lhs_hint = false} : vector<128x10240xf32>, vector<128x64xf32>, vector<10240x64xf32> -> vector<10240x64xf32>
    %mul3A_36 = arith.mulf %slice3A, %dot_general3A_35 : vector<10240x64xf32>
    %reduce_sum3A_37 = arith.constant dense<0.000000e+00> : vector<10240xf32>
    %reduce_sum3A_38 = vector.multi_reduction <add>, %mul3A_36, %reduce_sum3A_37 [1] : vector<10240x64xf32> to vector<10240xf32>
    %broadcast_in_dim3A_39 = vector.shape_cast %reduce_sum3A_38 : vector<10240xf32> to vector<10240x1xf32>
    %logistic3A = arith.negf %broadcast_in_dim3A_39 : vector<10240x1xf32>
    %logistic3A_40 = math.exp %logistic3A : vector<10240x1xf32>
    %logistic3A_41 = arith.constant 1.000000e+00 : f32
    %logistic3A_42 = vector.broadcast %logistic3A_41 : f32 to vector<10240x1xf32>
    %logistic3A_43 = arith.addf %logistic3A_42, %logistic3A_40 : vector<10240x1xf32>
    %logistic3A_44 = arith.divf %logistic3A_42, %logistic3A_43 : vector<10240x1xf32>
    %mul3A_45 = vector.broadcast %logistic3A_44 : vector<10240x1xf32> to vector<10240x64xf32>
    %mul3A_46 = arith.mulf %mul3A_45, %slice3A : vector<10240x64xf32>
    %dot_general3A_47 = arith.constant dense<0.000000e+00> : vector<128x64xf32>
    %dot_general3A_48 = tpu.matmul %get3A_25, %mul3A_46, %dot_general3A_47 {dimension_numbers = #tpu.dot_dimension_numbers<[1], [0], [0], [1], [0, 0, 1, 1], [], []>, transpose_lhs_hint = false} : vector<128x10240xf32>, vector<10240x64xf32>, vector<128x64xf32> -> vector<128x64xf32>
    %swap3A = arith.constant 0 : index
    %swap3A_49 = arith.constant 0 : index
    %swap3A_50 = vector.load %arg7[%swap3A, %swap3A_49] : memref<128x64xf32, #tpu.memory_space<vmem>>, vector<128x64xf32>
    tpu.vector_store %arg7[%swap3A, %swap3A_49], %dot_general3A_48 {strides = array<i32>} : memref<128x64xf32, #tpu.memory_space<vmem>>, vector<128x64xf32>,
    %slice3A_51 = vector.extract_strided_slice %add3A_22 {offsets = [10240, 0], sizes = [10240, 64], strides = [1, 1]} : vector<20480x64xf32> to vector<10240x64xf32>
    %get3A_52 = arith.constant 0 : index
    %get3A_53 = arith.constant 0 : index
    %get3A_54 = vector.load %arg6[%get3A_52, %get3A_53] : memref<128x10240xf32, #tpu.memory_space<vmem>>, vector<128x10240xf32>
    %reduce_sum3A_55 = arith.constant dense<0.000000e+00> : vector<128xf32>
    %reduce_sum3A_56 = vector.multi_reduction <add>, %get3A_54, %reduce_sum3A_55 [1] : vector<128x10240xf32> to vector<128xf32>
    %broadcast_in_dim3A_57 = vector.shape_cast %reduce_sum3A_56 : vector<128xf32> to vector<128x1xf32>
    %dot_general3A_58 = arith.constant dense<0.000000e+00> : vector<128x64xf32>
    %dot_general3A_59 = tpu.matmul %get3A_54, %slice3A_51, %dot_general3A_58 {dimension_numbers = #tpu.dot_dimension_numbers<[1], [0], [0], [1], [0, 0, 1, 1], [], []>, transpose_lhs_hint = false} : vector<128x10240xf32>, vector<10240x64xf32>, vector<128x64xf32> -> vector<128x64xf32>
    %max3A_60 = arith.constant 1.000000e+00 : f32
    %max3A_61 = vector.broadcast %max3A_60 : f32 to vector<128x1xf32>
    %max3A_62 = arith.maximumf %broadcast_in_dim3A_57, %max3A_61 : vector<128x1xf32>
    %div3A_63 = vector.broadcast %max3A_62 : vector<128x1xf32> to vector<128x64xf32>
    %div3A_64 = arith.divf %dot_general3A_59, %div3A_63 : vector<128x64xf32>
    %tanh3A_65 = math.tanh %div3A_64 : vector<128x64xf32>
    %dot_general3A_66 = arith.constant dense<0.000000e+00> : vector<10240x64xf32>
    %dot_general3A_67 = tpu.matmul %get3A_54, %tanh3A_65, %dot_general3A_66 {dimension_numbers = #tpu.dot_dimension_numbers<[0], [0], [1], [1], [0, 1, 1, 1], [], []>, transpose_lhs_hint = false} : vector<128x10240xf32>, vector<128x64xf32>, vector<10240x64xf32> -> vector<10240x64xf32>
    %mul3A_68 = arith.mulf %slice3A_51, %dot_general3A_67 : vector<10240x64xf32>
    %reduce_sum3A_69 = arith.constant dense<0.000000e+00> : vector<10240xf32>
    %reduce_sum3A_70 = vector.multi_reduction <add>, %mul3A_68, %reduce_sum3A_69 [1] : vector<10240x64xf32> to vector<10240xf32>
    %broadcast_in_dim3A_71 = vector.shape_cast %reduce_sum3A_70 : vector<10240xf32> to vector<10240x1xf32>
    %logistic3A_72 = arith.negf %broadcast_in_dim3A_71 : vector<10240x1xf32>
    %logistic3A_73 = math.exp %logistic3A_72 : vector<10240x1xf32>
    %logistic3A_74 = arith.constant 1.000000e+00 : f32
    %logistic3A_75 = vector.broadcast %logistic3A_74 : f32 to vector<10240x1xf32>
    %logistic3A_76 = arith.addf %logistic3A_75, %logistic3A_73 : vector<10240x1xf32>
    %logistic3A_77 = arith.divf %logistic3A_75, %logistic3A_76 : vector<10240x1xf32>
    %mul3A_78 = vector.broadcast %logistic3A_77 : vector<10240x1xf32> to vector<10240x64xf32>
    %mul3A_79 = arith.mulf %mul3A_78, %slice3A_51 : vector<10240x64xf32>
    %dot_general3A_80 = arith.constant dense<0.000000e+00> : vector<128x64xf32>
    %dot_general3A_81 = tpu.matmul %get3A_54, %mul3A_79, %dot_general3A_80 {dimension_numbers = #tpu.dot_dimension_numbers<[1], [0], [0], [1], [0, 0, 1, 1], [], []>, transpose_lhs_hint = false} : vector<128x10240xf32>, vector<10240x64xf32>, vector<128x64xf32> -> vector<128x64xf32>
    %swap3A_82 = arith.constant 0 : index
    %swap3A_83 = arith.constant 0 : index
    %swap3A_84 = vector.load %arg8[%swap3A_82, %swap3A_83] : memref<128x64xf32, #tpu.memory_space<vmem>>, vector<128x64xf32>
    tpu.vector_store %arg8[%swap3A_82, %swap3A_83], %dot_general3A_81 {strides = array<i32>} : memref<128x64xf32, #tpu.memory_space<vmem>>, vector<128x64xf32>,
    return
  }
}

module attributes {stable_mosaic.version = 14 : i64} {
  func.func @_lambda_(%arg0: memref<20480x32xf32, #tpu.memory_space<vmem>>, %arg1: memref<20480x32xf32, #tpu.memory_space<vmem>>, %arg2: memref<20480x16xf32, #tpu.memory_space<vmem>>, %arg3: memref<1x32xf32, #tpu.memory_space<vmem>>, %arg4: memref<20480x32xf32, #tpu.memory_space<vmem>>) attributes {dimension_semantics = [], scalar_prefetch = 0 : i64, scratch_operands = 0 : i64, tpu.core_type = #tpu.core_type<tc>} {
    %get3A = arith.constant 0 : index
    %get3A_0 = arith.constant 0 : index
    %get3A_1 = vector.load %arg2[%get3A, %get3A_0] : memref<20480x16xf32, #tpu.memory_space<vmem>>, vector<20480x1xf32>
    %add3A = arith.constant 1.000000e+00 : f32
    %add3A_2 = vector.broadcast %add3A : f32 to vector<20480x1xf32>
    %add3A_3 = arith.addf %get3A_1, %add3A_2 : vector<20480x1xf32>
    %rsqrt3A = math.rsqrt %add3A_3 : vector<20480x1xf32>
    %get3A_4 = arith.constant 0 : index
    %get3A_5 = arith.constant 0 : index
    %get3A_6 = vector.load %arg0[%get3A_4, %get3A_5] : memref<20480x32xf32, #tpu.memory_space<vmem>>, vector<20480x32xf32>
    %get3A_7 = arith.constant 0 : index
    %get3A_8 = arith.constant 0 : index
    %get3A_9 = vector.load %arg1[%get3A_7, %get3A_8] : memref<20480x32xf32, #tpu.memory_space<vmem>>, vector<20480x32xf32>
    %add3A_10 = arith.addf %get3A_6, %get3A_9 : vector<20480x32xf32>
    %mul3A = vector.broadcast %rsqrt3A : vector<20480x1xf32> to vector<20480x32xf32>
    %mul3A_11 = arith.mulf %add3A_10, %mul3A : vector<20480x32xf32>
    %get3A_12 = arith.constant 0 : index
    %get3A_13 = arith.constant 0 : index
    %get3A_14 = vector.load %arg3[%get3A_12, %get3A_13] : memref<1x32xf32, #tpu.memory_space<vmem>>, vector<1x32xf32>
    %add3A_15 = vector.broadcast %get3A_14 : vector<1x32xf32> to vector<20480x32xf32>
    %add3A_16 = arith.addf %mul3A_11, %add3A_15 : vector<20480x32xf32>
    %max3A = arith.constant 0.000000e+00 : f32
    %max3A_17 = vector.broadcast %max3A : f32 to vector<20480x32xf32>
    %max3A_18 = arith.maximumf %add3A_16, %max3A_17 : vector<20480x32xf32>
    %swap3A = arith.constant 0 : index
    %swap3A_19 = arith.constant 0 : index
    %swap3A_20 = vector.load %arg4[%swap3A, %swap3A_19] : memref<20480x32xf32, #tpu.memory_space<vmem>>, vector<20480x32xf32>
    tpu.vector_store %arg4[%swap3A, %swap3A_19], %max3A_18 {strides = array<i32>} : memref<20480x32xf32, #tpu.memory_space<vmem>>, vector<20480x32xf32>,
    return
  }
}

module attributes {stable_mosaic.version = 14 : i64} {
  func.func @_pool_body(%arg0: memref<20480x32xf32, #tpu.memory_space<vmem>>, %arg1: memref<32x8xf32, #tpu.memory_space<vmem>>, %arg2: memref<1x8xf32, #tpu.memory_space<vmem>>, %arg3: memref<8x32xf32, #tpu.memory_space<vmem>>, %arg4: memref<1x32xf32, #tpu.memory_space<vmem>>, %arg5: memref<128x10240xf32, #tpu.memory_space<vmem>>, %arg6: memref<128x10240xf32, #tpu.memory_space<vmem>>, %arg7: memref<128x32xf32, #tpu.memory_space<vmem>>, %arg8: memref<128x32xf32, #tpu.memory_space<vmem>>) attributes {dimension_semantics = [], scalar_prefetch = 0 : i64, scratch_operands = 0 : i64, tpu.core_type = #tpu.core_type<tc>} {
    %get3A = arith.constant 0 : index
    %get3A_0 = arith.constant 0 : index
    %get3A_1 = vector.load %arg0[%get3A, %get3A_0] : memref<20480x32xf32, #tpu.memory_space<vmem>>, vector<20480x32xf32>
    %get3A_2 = arith.constant 0 : index
    %get3A_3 = arith.constant 0 : index
    %get3A_4 = vector.load %arg1[%get3A_2, %get3A_3] : memref<32x8xf32, #tpu.memory_space<vmem>>, vector<32x8xf32>
    %dot_general3A = arith.constant dense<0.000000e+00> : vector<20480x8xf32>
    %dot_general3A_5 = tpu.matmul %get3A_1, %get3A_4, %dot_general3A {dimension_numbers = #tpu.dot_dimension_numbers<[1], [0], [0], [1], [0, 0, 1, 1], [], []>, transpose_lhs_hint = false} : vector<20480x32xf32>, vector<32x8xf32>, vector<20480x8xf32> -> vector<20480x8xf32>
    %get3A_6 = arith.constant 0 : index
    %get3A_7 = arith.constant 0 : index
    %get3A_8 = vector.load %arg2[%get3A_6, %get3A_7] : memref<1x8xf32, #tpu.memory_space<vmem>>, vector<1x8xf32>
    %add3A = vector.broadcast %get3A_8 : vector<1x8xf32> to vector<20480x8xf32>
    %add3A_9 = arith.addf %dot_general3A_5, %add3A : vector<20480x8xf32>
    %max3A = arith.constant 0.000000e+00 : f32
    %max3A_10 = vector.broadcast %max3A : f32 to vector<20480x8xf32>
    %max3A_11 = arith.maximumf %add3A_9, %max3A_10 : vector<20480x8xf32>
    %get3A_12 = arith.constant 0 : index
    %get3A_13 = arith.constant 0 : index
    %get3A_14 = vector.load %arg3[%get3A_12, %get3A_13] : memref<8x32xf32, #tpu.memory_space<vmem>>, vector<8x32xf32>
    %dot_general3A_15 = arith.constant dense<0.000000e+00> : vector<20480x32xf32>
    %dot_general3A_16 = tpu.matmul %max3A_11, %get3A_14, %dot_general3A_15 {dimension_numbers = #tpu.dot_dimension_numbers<[1], [0], [0], [1], [0, 0, 1, 1], [], []>, transpose_lhs_hint = false} : vector<20480x8xf32>, vector<8x32xf32>, vector<20480x32xf32> -> vector<20480x32xf32>
    %get3A_17 = arith.constant 0 : index
    %get3A_18 = arith.constant 0 : index
    %get3A_19 = vector.load %arg4[%get3A_17, %get3A_18] : memref<1x32xf32, #tpu.memory_space<vmem>>, vector<1x32xf32>
    %add3A_20 = vector.broadcast %get3A_19 : vector<1x32xf32> to vector<20480x32xf32>
    %add3A_21 = arith.addf %dot_general3A_16, %add3A_20 : vector<20480x32xf32>
    %tanh3A = math.tanh %add3A_21 : vector<20480x32xf32>
    %mul3A = arith.mulf %tanh3A, %get3A_1 : vector<20480x32xf32>
    %add3A_22 = arith.addf %mul3A, %get3A_1 : vector<20480x32xf32>
    %slice3A = vector.extract_strided_slice %add3A_22 {offsets = [0, 0], sizes = [10240, 32], strides = [1, 1]} : vector<20480x32xf32> to vector<10240x32xf32>
    %get3A_23 = arith.constant 0 : index
    %get3A_24 = arith.constant 0 : index
    %get3A_25 = vector.load %arg5[%get3A_23, %get3A_24] : memref<128x10240xf32, #tpu.memory_space<vmem>>, vector<128x10240xf32>
    %reduce_sum3A = arith.constant dense<0.000000e+00> : vector<128xf32>
    %reduce_sum3A_26 = vector.multi_reduction <add>, %get3A_25, %reduce_sum3A [1] : vector<128x10240xf32> to vector<128xf32>
    %broadcast_in_dim3A = vector.shape_cast %reduce_sum3A_26 : vector<128xf32> to vector<128x1xf32>
    %dot_general3A_27 = arith.constant dense<0.000000e+00> : vector<128x32xf32>
    %dot_general3A_28 = tpu.matmul %get3A_25, %slice3A, %dot_general3A_27 {dimension_numbers = #tpu.dot_dimension_numbers<[1], [0], [0], [1], [0, 0, 1, 1], [], []>, transpose_lhs_hint = false} : vector<128x10240xf32>, vector<10240x32xf32>, vector<128x32xf32> -> vector<128x32xf32>
    %max3A_29 = arith.constant 1.000000e+00 : f32
    %max3A_30 = vector.broadcast %max3A_29 : f32 to vector<128x1xf32>
    %max3A_31 = arith.maximumf %broadcast_in_dim3A, %max3A_30 : vector<128x1xf32>
    %div3A = vector.broadcast %max3A_31 : vector<128x1xf32> to vector<128x32xf32>
    %div3A_32 = arith.divf %dot_general3A_28, %div3A : vector<128x32xf32>
    %tanh3A_33 = math.tanh %div3A_32 : vector<128x32xf32>
    %dot_general3A_34 = arith.constant dense<0.000000e+00> : vector<10240x32xf32>
    %dot_general3A_35 = tpu.matmul %get3A_25, %tanh3A_33, %dot_general3A_34 {dimension_numbers = #tpu.dot_dimension_numbers<[0], [0], [1], [1], [0, 1, 1, 1], [], []>, transpose_lhs_hint = false} : vector<128x10240xf32>, vector<128x32xf32>, vector<10240x32xf32> -> vector<10240x32xf32>
    %mul3A_36 = arith.mulf %slice3A, %dot_general3A_35 : vector<10240x32xf32>
    %reduce_sum3A_37 = arith.constant dense<0.000000e+00> : vector<10240xf32>
    %reduce_sum3A_38 = vector.multi_reduction <add>, %mul3A_36, %reduce_sum3A_37 [1] : vector<10240x32xf32> to vector<10240xf32>
    %broadcast_in_dim3A_39 = vector.shape_cast %reduce_sum3A_38 : vector<10240xf32> to vector<10240x1xf32>
    %logistic3A = arith.negf %broadcast_in_dim3A_39 : vector<10240x1xf32>
    %logistic3A_40 = math.exp %logistic3A : vector<10240x1xf32>
    %logistic3A_41 = arith.constant 1.000000e+00 : f32
    %logistic3A_42 = vector.broadcast %logistic3A_41 : f32 to vector<10240x1xf32>
    %logistic3A_43 = arith.addf %logistic3A_42, %logistic3A_40 : vector<10240x1xf32>
    %logistic3A_44 = arith.divf %logistic3A_42, %logistic3A_43 : vector<10240x1xf32>
    %mul3A_45 = vector.broadcast %logistic3A_44 : vector<10240x1xf32> to vector<10240x32xf32>
    %mul3A_46 = arith.mulf %mul3A_45, %slice3A : vector<10240x32xf32>
    %dot_general3A_47 = arith.constant dense<0.000000e+00> : vector<128x32xf32>
    %dot_general3A_48 = tpu.matmul %get3A_25, %mul3A_46, %dot_general3A_47 {dimension_numbers = #tpu.dot_dimension_numbers<[1], [0], [0], [1], [0, 0, 1, 1], [], []>, transpose_lhs_hint = false} : vector<128x10240xf32>, vector<10240x32xf32>, vector<128x32xf32> -> vector<128x32xf32>
    %swap3A = arith.constant 0 : index
    %swap3A_49 = arith.constant 0 : index
    %swap3A_50 = vector.load %arg7[%swap3A, %swap3A_49] : memref<128x32xf32, #tpu.memory_space<vmem>>, vector<128x32xf32>
    tpu.vector_store %arg7[%swap3A, %swap3A_49], %dot_general3A_48 {strides = array<i32>} : memref<128x32xf32, #tpu.memory_space<vmem>>, vector<128x32xf32>,
    %slice3A_51 = vector.extract_strided_slice %add3A_22 {offsets = [10240, 0], sizes = [10240, 32], strides = [1, 1]} : vector<20480x32xf32> to vector<10240x32xf32>
    %get3A_52 = arith.constant 0 : index
    %get3A_53 = arith.constant 0 : index
    %get3A_54 = vector.load %arg6[%get3A_52, %get3A_53] : memref<128x10240xf32, #tpu.memory_space<vmem>>, vector<128x10240xf32>
    %reduce_sum3A_55 = arith.constant dense<0.000000e+00> : vector<128xf32>
    %reduce_sum3A_56 = vector.multi_reduction <add>, %get3A_54, %reduce_sum3A_55 [1] : vector<128x10240xf32> to vector<128xf32>
    %broadcast_in_dim3A_57 = vector.shape_cast %reduce_sum3A_56 : vector<128xf32> to vector<128x1xf32>
    %dot_general3A_58 = arith.constant dense<0.000000e+00> : vector<128x32xf32>
    %dot_general3A_59 = tpu.matmul %get3A_54, %slice3A_51, %dot_general3A_58 {dimension_numbers = #tpu.dot_dimension_numbers<[1], [0], [0], [1], [0, 0, 1, 1], [], []>, transpose_lhs_hint = false} : vector<128x10240xf32>, vector<10240x32xf32>, vector<128x32xf32> -> vector<128x32xf32>
    %max3A_60 = arith.constant 1.000000e+00 : f32
    %max3A_61 = vector.broadcast %max3A_60 : f32 to vector<128x1xf32>
    %max3A_62 = arith.maximumf %broadcast_in_dim3A_57, %max3A_61 : vector<128x1xf32>
    %div3A_63 = vector.broadcast %max3A_62 : vector<128x1xf32> to vector<128x32xf32>
    %div3A_64 = arith.divf %dot_general3A_59, %div3A_63 : vector<128x32xf32>
    %tanh3A_65 = math.tanh %div3A_64 : vector<128x32xf32>
    %dot_general3A_66 = arith.constant dense<0.000000e+00> : vector<10240x32xf32>
    %dot_general3A_67 = tpu.matmul %get3A_54, %tanh3A_65, %dot_general3A_66 {dimension_numbers = #tpu.dot_dimension_numbers<[0], [0], [1], [1], [0, 1, 1, 1], [], []>, transpose_lhs_hint = false} : vector<128x10240xf32>, vector<128x32xf32>, vector<10240x32xf32> -> vector<10240x32xf32>
    %mul3A_68 = arith.mulf %slice3A_51, %dot_general3A_67 : vector<10240x32xf32>
    %reduce_sum3A_69 = arith.constant dense<0.000000e+00> : vector<10240xf32>
    %reduce_sum3A_70 = vector.multi_reduction <add>, %mul3A_68, %reduce_sum3A_69 [1] : vector<10240x32xf32> to vector<10240xf32>
    %broadcast_in_dim3A_71 = vector.shape_cast %reduce_sum3A_70 : vector<10240xf32> to vector<10240x1xf32>
    %logistic3A_72 = arith.negf %broadcast_in_dim3A_71 : vector<10240x1xf32>
    %logistic3A_73 = math.exp %logistic3A_72 : vector<10240x1xf32>
    %logistic3A_74 = arith.constant 1.000000e+00 : f32
    %logistic3A_75 = vector.broadcast %logistic3A_74 : f32 to vector<10240x1xf32>
    %logistic3A_76 = arith.addf %logistic3A_75, %logistic3A_73 : vector<10240x1xf32>
    %logistic3A_77 = arith.divf %logistic3A_75, %logistic3A_76 : vector<10240x1xf32>
    %mul3A_78 = vector.broadcast %logistic3A_77 : vector<10240x1xf32> to vector<10240x32xf32>
    %mul3A_79 = arith.mulf %mul3A_78, %slice3A_51 : vector<10240x32xf32>
    %dot_general3A_80 = arith.constant dense<0.000000e+00> : vector<128x32xf32>
    %dot_general3A_81 = tpu.matmul %get3A_54, %mul3A_79, %dot_general3A_80 {dimension_numbers = #tpu.dot_dimension_numbers<[1], [0], [0], [1], [0, 0, 1, 1], [], []>, transpose_lhs_hint = false} : vector<128x10240xf32>, vector<10240x32xf32>, vector<128x32xf32> -> vector<128x32xf32>
    %swap3A_82 = arith.constant 0 : index
    %swap3A_83 = arith.constant 0 : index
    %swap3A_84 = vector.load %arg8[%swap3A_82, %swap3A_83] : memref<128x32xf32, #tpu.memory_space<vmem>>, vector<128x32xf32>
    tpu.vector_store %arg8[%swap3A_82, %swap3A_83], %dot_general3A_81 {strides = array<i32>} : memref<128x32xf32, #tpu.memory_space<vmem>>, vector<128x32xf32>,
    return
  }
}

module attributes {stable_mosaic.version = 14 : i64} {
  func.func @_head_body(%arg0: memref<128x128xf32, #tpu.memory_space<vmem>>, %arg1: memref<128x128xf32, #tpu.memory_space<vmem>>, %arg2: memref<128x64xf32, #tpu.memory_space<vmem>>, %arg3: memref<128x64xf32, #tpu.memory_space<vmem>>, %arg4: memref<128x32xf32, #tpu.memory_space<vmem>>, %arg5: memref<128x32xf32, #tpu.memory_space<vmem>>, %arg6: memref<16384x64xf32, #tpu.memory_space<vmem>>, %arg7: memref<256x64xf32, #tpu.memory_space<vmem>>, %arg8: memref<1x64xf32, #tpu.memory_space<vmem>>, %arg9: memref<4096x32xf32, #tpu.memory_space<vmem>>, %arg10: memref<128x32xf32, #tpu.memory_space<vmem>>, %arg11: memref<1x32xf32, #tpu.memory_space<vmem>>, %arg12: memref<1024x16xf32, #tpu.memory_space<vmem>>, %arg13: memref<64x16xf32, #tpu.memory_space<vmem>>, %arg14: memref<1x16xf32, #tpu.memory_space<vmem>>, %arg15: memref<112x28xf32, #tpu.memory_space<vmem>>, %arg16: memref<1x28xf32, #tpu.memory_space<vmem>>, %arg17: memref<28x112xf32, #tpu.memory_space<vmem>>, %arg18: memref<1x112xf32, #tpu.memory_space<vmem>>, %arg19: memref<112x64xf32, #tpu.memory_space<vmem>>, %arg20: memref<1x64xf32, #tpu.memory_space<vmem>>, %arg21: memref<128x64xf32, #tpu.memory_space<vmem>>) attributes {dimension_semantics = [], scalar_prefetch = 0 : i64, scratch_operands = 0 : i64, tpu.core_type = #tpu.core_type<tc>} {
    %get3A = arith.constant 0 : index
    %get3A_0 = arith.constant 0 : index
    %get3A_1 = vector.load %arg0[%get3A, %get3A_0] : memref<128x128xf32, #tpu.memory_space<vmem>>, vector<128x128xf32>
    %get3A_2 = arith.constant 0 : index
    %get3A_3 = arith.constant 0 : index
    %get3A_4 = vector.load %arg1[%get3A_2, %get3A_3] : memref<128x128xf32, #tpu.memory_space<vmem>>, vector<128x128xf32>
    %broadcast_in_dim3A = vector.shape_cast %get3A_1 : vector<128x128xf32> to vector<128x128x1xf32>
    %broadcast_in_dim3A_5 = vector.shape_cast %get3A_4 : vector<128x128xf32> to vector<128x1x128xf32>
    %mul3A = vector.broadcast %broadcast_in_dim3A : vector<128x128x1xf32> to vector<128x128x128xf32>
    %mul3A_6 = vector.broadcast %broadcast_in_dim3A_5 : vector<128x1x128xf32> to vector<128x128x128xf32>
    %mul3A_7 = arith.mulf %mul3A, %mul3A_6 : vector<128x128x128xf32>
    %reshape3A = vector.shape_cast %mul3A_7 : vector<128x128x128xf32> to vector<128x16384xf32>
    %get3A_8 = arith.constant 0 : index
    %get3A_9 = arith.constant 0 : index
    %get3A_10 = vector.load %arg6[%get3A_8, %get3A_9] : memref<16384x64xf32, #tpu.memory_space<vmem>>, vector<16384x64xf32>
    %dot_general3A = arith.constant dense<0.000000e+00> : vector<128x64xf32>
    %dot_general3A_11 = tpu.matmul %reshape3A, %get3A_10, %dot_general3A {dimension_numbers = #tpu.dot_dimension_numbers<[1], [0], [0], [1], [0, 0, 1, 1], [], []>, transpose_lhs_hint = false} : vector<128x16384xf32>, vector<16384x64xf32>, vector<128x64xf32> -> vector<128x64xf32>
    %concatenate3A = tpu.concatenate %get3A_1, %get3A_4 in 1 : vector<128x128xf32>, vector<128x128xf32> -> vector<128x256xf32>
    %get3A_12 = arith.constant 0 : index
    %get3A_13 = arith.constant 0 : index
    %get3A_14 = vector.load %arg7[%get3A_12, %get3A_13] : memref<256x64xf32, #tpu.memory_space<vmem>>, vector<256x64xf32>
    %dot_general3A_15 = arith.constant dense<0.000000e+00> : vector<128x64xf32>
    %dot_general3A_16 = tpu.matmul %concatenate3A, %get3A_14, %dot_general3A_15 {dimension_numbers = #tpu.dot_dimension_numbers<[1], [0], [0], [1], [0, 0, 1, 1], [], []>, transpose_lhs_hint = false} : vector<128x256xf32>, vector<256x64xf32>, vector<128x64xf32> -> vector<128x64xf32>
    %add3A = arith.addf %dot_general3A_11, %dot_general3A_16 : vector<128x64xf32>
    %get3A_17 = arith.constant 0 : index
    %get3A_18 = arith.constant 0 : index
    %get3A_19 = vector.load %arg8[%get3A_17, %get3A_18] : memref<1x64xf32, #tpu.memory_space<vmem>>, vector<1x64xf32>
    %add3A_20 = vector.broadcast %get3A_19 : vector<1x64xf32> to vector<128x64xf32>
    %add3A_21 = arith.addf %add3A, %add3A_20 : vector<128x64xf32>
    %max3A = arith.constant 0.000000e+00 : f32
    %max3A_22 = vector.broadcast %max3A : f32 to vector<128x64xf32>
    %max3A_23 = arith.maximumf %add3A_21, %max3A_22 : vector<128x64xf32>
    %get3A_24 = arith.constant 0 : index
    %get3A_25 = arith.constant 0 : index
    %get3A_26 = vector.load %arg2[%get3A_24, %get3A_25] : memref<128x64xf32, #tpu.memory_space<vmem>>, vector<128x64xf32>
    %get3A_27 = arith.constant 0 : index
    %get3A_28 = arith.constant 0 : index
    %get3A_29 = vector.load %arg3[%get3A_27, %get3A_28] : memref<128x64xf32, #tpu.memory_space<vmem>>, vector<128x64xf32>
    %broadcast_in_dim3A_30 = vector.shape_cast %get3A_26 : vector<128x64xf32> to vector<128x64x1xf32>
    %broadcast_in_dim3A_31 = vector.shape_cast %get3A_29 : vector<128x64xf32> to vector<128x1x64xf32>
    %mul3A_32 = vector.broadcast %broadcast_in_dim3A_30 : vector<128x64x1xf32> to vector<128x64x64xf32>
    %mul3A_33 = vector.broadcast %broadcast_in_dim3A_31 : vector<128x1x64xf32> to vector<128x64x64xf32>
    %mul3A_34 = arith.mulf %mul3A_32, %mul3A_33 : vector<128x64x64xf32>
    %reshape3A_35 = vector.shape_cast %mul3A_34 : vector<128x64x64xf32> to vector<128x4096xf32>
    %get3A_36 = arith.constant 0 : index
    %get3A_37 = arith.constant 0 : index
    %get3A_38 = vector.load %arg9[%get3A_36, %get3A_37] : memref<4096x32xf32, #tpu.memory_space<vmem>>, vector<4096x32xf32>
    %dot_general3A_39 = arith.constant dense<0.000000e+00> : vector<128x32xf32>
    %dot_general3A_40 = tpu.matmul %reshape3A_35, %get3A_38, %dot_general3A_39 {dimension_numbers = #tpu.dot_dimension_numbers<[1], [0], [0], [1], [0, 0, 1, 1], [], []>, transpose_lhs_hint = false} : vector<128x4096xf32>, vector<4096x32xf32>, vector<128x32xf32> -> vector<128x32xf32>
    %concatenate3A_41 = tpu.concatenate %get3A_26, %get3A_29 in 1 : vector<128x64xf32>, vector<128x64xf32> -> vector<128x128xf32>
    %get3A_42 = arith.constant 0 : index
    %get3A_43 = arith.constant 0 : index
    %get3A_44 = vector.load %arg10[%get3A_42, %get3A_43] : memref<128x32xf32, #tpu.memory_space<vmem>>, vector<128x32xf32>
    %dot_general3A_45 = arith.constant dense<0.000000e+00> : vector<128x32xf32>
    %dot_general3A_46 = tpu.matmul %concatenate3A_41, %get3A_44, %dot_general3A_45 {dimension_numbers = #tpu.dot_dimension_numbers<[1], [0], [0], [1], [0, 0, 1, 1], [], []>, transpose_lhs_hint = false} : vector<128x128xf32>, vector<128x32xf32>, vector<128x32xf32> -> vector<128x32xf32>
    %add3A_47 = arith.addf %dot_general3A_40, %dot_general3A_46 : vector<128x32xf32>
    %get3A_48 = arith.constant 0 : index
    %get3A_49 = arith.constant 0 : index
    %get3A_50 = vector.load %arg11[%get3A_48, %get3A_49] : memref<1x32xf32, #tpu.memory_space<vmem>>, vector<1x32xf32>
    %add3A_51 = vector.broadcast %get3A_50 : vector<1x32xf32> to vector<128x32xf32>
    %add3A_52 = arith.addf %add3A_47, %add3A_51 : vector<128x32xf32>
    %max3A_53 = arith.constant 0.000000e+00 : f32
    %max3A_54 = vector.broadcast %max3A_53 : f32 to vector<128x32xf32>
    %max3A_55 = arith.maximumf %add3A_52, %max3A_54 : vector<128x32xf32>
    %get3A_56 = arith.constant 0 : index
    %get3A_57 = arith.constant 0 : index
    %get3A_58 = vector.load %arg4[%get3A_56, %get3A_57] : memref<128x32xf32, #tpu.memory_space<vmem>>, vector<128x32xf32>
    %get3A_59 = arith.constant 0 : index
    %get3A_60 = arith.constant 0 : index
    %get3A_61 = vector.load %arg5[%get3A_59, %get3A_60] : memref<128x32xf32, #tpu.memory_space<vmem>>, vector<128x32xf32>
    %broadcast_in_dim3A_62 = vector.shape_cast %get3A_58 : vector<128x32xf32> to vector<128x32x1xf32>
    %broadcast_in_dim3A_63 = vector.shape_cast %get3A_61 : vector<128x32xf32> to vector<128x1x32xf32>
    %mul3A_64 = vector.broadcast %broadcast_in_dim3A_62 : vector<128x32x1xf32> to vector<128x32x32xf32>
    %mul3A_65 = vector.broadcast %broadcast_in_dim3A_63 : vector<128x1x32xf32> to vector<128x32x32xf32>
    %mul3A_66 = arith.mulf %mul3A_64, %mul3A_65 : vector<128x32x32xf32>
    %reshape3A_67 = vector.shape_cast %mul3A_66 : vector<128x32x32xf32> to vector<128x1024xf32>
    %get3A_68 = arith.constant 0 : index
    %get3A_69 = arith.constant 0 : index
    %get3A_70 = vector.load %arg12[%get3A_68, %get3A_69] : memref<1024x16xf32, #tpu.memory_space<vmem>>, vector<1024x16xf32>
    %dot_general3A_71 = arith.constant dense<0.000000e+00> : vector<128x16xf32>
    %dot_general3A_72 = tpu.matmul %reshape3A_67, %get3A_70, %dot_general3A_71 {dimension_numbers = #tpu.dot_dimension_numbers<[1], [0], [0], [1], [0, 0, 1, 1], [], []>, transpose_lhs_hint = false} : vector<128x1024xf32>, vector<1024x16xf32>, vector<128x16xf32> -> vector<128x16xf32>
    %concatenate3A_73 = tpu.concatenate %get3A_58, %get3A_61 in 1 : vector<128x32xf32>, vector<128x32xf32> -> vector<128x64xf32>
    %get3A_74 = arith.constant 0 : index
    %get3A_75 = arith.constant 0 : index
    %get3A_76 = vector.load %arg13[%get3A_74, %get3A_75] : memref<64x16xf32, #tpu.memory_space<vmem>>, vector<64x16xf32>
    %dot_general3A_77 = arith.constant dense<0.000000e+00> : vector<128x16xf32>
    %dot_general3A_78 = tpu.matmul %concatenate3A_73, %get3A_76, %dot_general3A_77 {dimension_numbers = #tpu.dot_dimension_numbers<[1], [0], [0], [1], [0, 0, 1, 1], [], []>, transpose_lhs_hint = false} : vector<128x64xf32>, vector<64x16xf32>, vector<128x16xf32> -> vector<128x16xf32>
    %add3A_79 = arith.addf %dot_general3A_72, %dot_general3A_78 : vector<128x16xf32>
    %get3A_80 = arith.constant 0 : index
    %get3A_81 = arith.constant 0 : index
    %get3A_82 = vector.load %arg14[%get3A_80, %get3A_81] : memref<1x16xf32, #tpu.memory_space<vmem>>, vector<1x16xf32>
    %add3A_83 = vector.broadcast %get3A_82 : vector<1x16xf32> to vector<128x16xf32>
    %add3A_84 = arith.addf %add3A_79, %add3A_83 : vector<128x16xf32>
    %max3A_85 = arith.constant 0.000000e+00 : f32
    %max3A_86 = vector.broadcast %max3A_85 : f32 to vector<128x16xf32>
    %max3A_87 = arith.maximumf %add3A_84, %max3A_86 : vector<128x16xf32>
    %concatenate3A_88 = tpu.concatenate %max3A_87, %max3A_55, %max3A_23 in 1 : vector<128x16xf32>, vector<128x32xf32>, vector<128x64xf32> -> vector<128x112xf32>
    %get3A_89 = arith.constant 0 : index
    %get3A_90 = arith.constant 0 : index
    %get3A_91 = vector.load %arg15[%get3A_89, %get3A_90] : memref<112x28xf32, #tpu.memory_space<vmem>>, vector<112x28xf32>
    %dot_general3A_92 = arith.constant dense<0.000000e+00> : vector<128x28xf32>
    %dot_general3A_93 = tpu.matmul %concatenate3A_88, %get3A_91, %dot_general3A_92 {dimension_numbers = #tpu.dot_dimension_numbers<[1], [0], [0], [1], [0, 0, 1, 1], [], []>, transpose_lhs_hint = false} : vector<128x112xf32>, vector<112x28xf32>, vector<128x28xf32> -> vector<128x28xf32>
    %get3A_94 = arith.constant 0 : index
    %get3A_95 = arith.constant 0 : index
    %get3A_96 = vector.load %arg16[%get3A_94, %get3A_95] : memref<1x28xf32, #tpu.memory_space<vmem>>, vector<1x28xf32>
    %add3A_97 = vector.broadcast %get3A_96 : vector<1x28xf32> to vector<128x28xf32>
    %add3A_98 = arith.addf %dot_general3A_93, %add3A_97 : vector<128x28xf32>
    %max3A_99 = arith.constant 0.000000e+00 : f32
    %max3A_100 = vector.broadcast %max3A_99 : f32 to vector<128x28xf32>
    %max3A_101 = arith.maximumf %add3A_98, %max3A_100 : vector<128x28xf32>
    %get3A_102 = arith.constant 0 : index
    %get3A_103 = arith.constant 0 : index
    %get3A_104 = vector.load %arg17[%get3A_102, %get3A_103] : memref<28x112xf32, #tpu.memory_space<vmem>>, vector<28x112xf32>
    %dot_general3A_105 = arith.constant dense<0.000000e+00> : vector<128x112xf32>
    %dot_general3A_106 = tpu.matmul %max3A_101, %get3A_104, %dot_general3A_105 {dimension_numbers = #tpu.dot_dimension_numbers<[1], [0], [0], [1], [0, 0, 1, 1], [], []>, transpose_lhs_hint = false} : vector<128x28xf32>, vector<28x112xf32>, vector<128x112xf32> -> vector<128x112xf32>
    %get3A_107 = arith.constant 0 : index
    %get3A_108 = arith.constant 0 : index
    %get3A_109 = vector.load %arg18[%get3A_107, %get3A_108] : memref<1x112xf32, #tpu.memory_space<vmem>>, vector<1x112xf32>
    %add3A_110 = vector.broadcast %get3A_109 : vector<1x112xf32> to vector<128x112xf32>
    %add3A_111 = arith.addf %dot_general3A_106, %add3A_110 : vector<128x112xf32>
    %logistic3A = arith.negf %add3A_111 : vector<128x112xf32>
    %logistic3A_112 = math.exp %logistic3A : vector<128x112xf32>
    %logistic3A_113 = arith.constant 1.000000e+00 : f32
    %logistic3A_114 = vector.broadcast %logistic3A_113 : f32 to vector<128x112xf32>
    %logistic3A_115 = arith.addf %logistic3A_114, %logistic3A_112 : vector<128x112xf32>
    %logistic3A_116 = arith.divf %logistic3A_114, %logistic3A_115 : vector<128x112xf32>
    %mul3A_117 = arith.mulf %logistic3A_116, %concatenate3A_88 : vector<128x112xf32>
    %add3A_118 = arith.addf %mul3A_117, %concatenate3A_88 : vector<128x112xf32>
    %get3A_119 = arith.constant 0 : index
    %get3A_120 = arith.constant 0 : index
    %get3A_121 = vector.load %arg19[%get3A_119, %get3A_120] : memref<112x64xf32, #tpu.memory_space<vmem>>, vector<112x64xf32>
    %dot_general3A_122 = arith.constant dense<0.000000e+00> : vector<128x64xf32>
    %dot_general3A_123 = tpu.matmul %add3A_118, %get3A_121, %dot_general3A_122 {dimension_numbers = #tpu.dot_dimension_numbers<[1], [0], [0], [1], [0, 0, 1, 1], [], []>, transpose_lhs_hint = false} : vector<128x112xf32>, vector<112x64xf32>, vector<128x64xf32> -> vector<128x64xf32>
    %get3A_124 = arith.constant 0 : index
    %get3A_125 = arith.constant 0 : index
    %get3A_126 = vector.load %arg20[%get3A_124, %get3A_125] : memref<1x64xf32, #tpu.memory_space<vmem>>, vector<1x64xf32>
    %add3A_127 = vector.broadcast %get3A_126 : vector<1x64xf32> to vector<128x64xf32>
    %add3A_128 = arith.addf %dot_general3A_123, %add3A_127 : vector<128x64xf32>
    %max3A_129 = arith.constant 0.000000e+00 : f32
    %max3A_130 = vector.broadcast %max3A_129 : f32 to vector<128x64xf32>
    %max3A_131 = arith.maximumf %add3A_128, %max3A_130 : vector<128x64xf32>
    %swap3A = arith.constant 0 : index
    %swap3A_132 = arith.constant 0 : index
    %swap3A_133 = vector.load %arg21[%swap3A, %swap3A_132] : memref<128x64xf32, #tpu.memory_space<vmem>>, vector<128x64xf32>
    tpu.vector_store %arg21[%swap3A, %swap3A_132], %max3A_131 {strides = array<i32>} : memref<128x64xf32, #tpu.memory_space<vmem>>, vector<128x64xf32>,
    return
  }
}

</mosaic_0001>

<sc_bundles>
// kernel: kernel.15.cloned.1.call-start
scs
__scs_entry_jumppad:
0x0: {  	(pc) =	sbr.rel $0x88, $3  }
0x1: {  	(tag) =	ssettag $0x0;
	lr =	simm.s32 $0x1  }
0x2: {  	[smem:$0x3F7A] =	sst lr;
	_ =	strace $0xD0000000  }
0x3: {  	_ = 	snop  }
0x4: {  	_ = 	snop  }
0x5: {  	_ = 	snop  }
0x6: {  	_ = 	snop  }
0x7: {  	_ = 	snop  }
__scs_overlays_trampoline_lowered:
0x8: {  	[smem:$0x3F89] =	sst s0  }
0x9: {  	[smem:$0x3F8A] =	sst s1  }
0xa: {  	[smem:$0x3F8B] =	sst s2  }
0xb: {  	[smem:$0x3F8C] =	sst s3  }
0xc: {  	[smem:$0x3F8D] =	sst s4  }
0xd: {  	[smem:$0x3F8E] =	sst s5  }
0xe: {  	[smem:$0x3F8F] =	sst s6  }
0xf: {  	[smem:$0x3F90] =	sst s7  }
0x10: {  	[smem:$0x3F91] =	sst s8  }
0x11: {  	[smem:$0x3F92] =	sst s9;
	s0 =	simm.s32 @!p0 $0x0  }
0x12: {  	s1 =	sld [smem:$0x3F78];
	s0 =	simm.s32 @p0 $0x1  }
0x13: {  	[smem:$0x3F93] =	sst s0;
	s0 =	simm.s32 @!p1 $0x0  }
0x14: {  	s2 =	sld [smem:$0x3F77];
	s0 =	simm.s32 @p1 $0x1  }
0x15: {  	[smem:$0x3F94] =	sst s0;
	s0 =	simm.s32 @!p2 $0x0  }
0x16: {  	s3 =	sld [smem:$0x3FDB];
	s0 =	simm.s32 @p2 $0x1  }
0x17: {  	s4 =	simm.s32 $0x1BF5;
	[smem:$0x3F96] =	sst s0  }
0x18: {  	s0 =	sld [smem:$0x3F79];
	_ =	swait.ge [sflag:s4], $0x0  }
0x19: {  	s7 =	sld [smem:$0x3F7A]  }
0x1a: {  	s8 =	sadd.s32 $0xFFFFE003, lr  }
0x1b: {  	s9 =	sadd.s32 $0xFFFFFEF7, lr;
	s5 =	simm.s32 $0xFFFFFFFF;
	p2 =	slt.u32 s8, $0xFFFFF086  }
0x1c: {  	p1 =	slt.u32 s9, $0xF7A;
	s5 =	simm.s32 @!p2 $0x0  }
0x1d: {  	s5 =	simm.s32 @p1 $0x1;
	p0 =	seq.s32 s7, s2  }
0x1e: {  	s7 =	smul.u32 @!p0 $0xF7A, s2;
	p2 =	seq.s32 @!p0 s5, $0x0  }
0x1f: {  	s9 =	smul.u32 $0xF7A, s1;
	s8 =	simm.s32 @!p0 $0x1BF5;
	p2 =	por !p2, p0  }
0x20: {  	[sflag:s8] =	ssyncset.s32 @!p0 $0xFFFFF086;
	s6 =	sadd.s32 @!p0 s3, s7;
	s7 =	simm.s32 @!p0 $0x108  }
0x21: {  	s3 =	sadd.s32 s3, s9;
	s6 =	sadd.s32 @!p0 $0x88, s6;
	s7 =	simm.s32 @p2 $0x1082  }
0x22: {  	[simem:s7], [sflag:s8] =	dma.local @!p0 [hbm:s6], $0xF7A  }
0x23: {  	s9 =	sor.u32 $0xD0000000, s2;
	s6 =	simm.s32 $0x108;
	_ =	swait.ge @!p0 [sflag:s8], $0x0  }
0x24: {  	s3 =	sadd.s32 $0x88, s3;
	s6 =	simm.s32 @!p1 $0x1082;
	[sflag:s4] =	ssyncset.s32 $0xFFFFF086  }
0x25: {  	[simem:s6], [sflag:s4] =	dma.local [hbm:s3], $0xF7A  }
0x26: {  	[smem:$0x3F7A] =	sst s1;
	(tag) =	ssettag s2;
	_ =	strace s9  }
0x27: {  	s1 =	sld [smem:$0x3F8A]  }
0x28: {  	s2 =	sld [smem:$0x3F8B]  }
0x29: {  	s4 =	sld [smem:$0x3F8D]  }
0x2a: {  	p0 =	seq.s32 s5, $0x0;
	s5 =	sld [smem:$0x3F8E]  }
0x2b: {  	s6 =	sld [smem:$0x3F8F]  }
0x2c: {  	s7 =	sld [smem:$0x3F90]  }
0x2d: {  	s3 =	simm.s32 $0x108;
	s8 =	sld [smem:$0x3F91]  }
0x2e: {  	s3 =	simm.s32 @!p0 $0x1082;
	s9 =	sld [smem:$0x3F92]  }
0x2f: {  	lr =	sadd.s32 s0, s3;
	s0 =	sld [smem:$0x3F89]  }
0x30: {  	s3 =	sld [smem:$0x3F8C]  }
0x31: {  	[smem:$0x3F95] =	sst s10  }
0x32: {  	s10 =	sld [smem:$0x3F93];
	_ =	sdelay $0x3  }
0x33: {  	p0 =	seq.s32 s10, $0x1;
	s10 =	sld [smem:$0x3F95];
	_ =	sdelay $0x3  }
0x34: {  	[smem:$0x3F95] =	sst s10  }
0x35: {  	s10 =	sld [smem:$0x3F94];
	_ =	sdelay $0x3  }
0x36: {  	p1 =	seq.s32 s10, $0x1;
	s10 =	sld [smem:$0x3F95];
	_ =	sdelay $0x3  }
0x37: {  	[smem:$0x3F95] =	sst s10  }
0x38: {  	s10 =	sld [smem:$0x3F96]  }
0x39: {  	_ = 	snop;
	(pc) =	sbr.ind lr, $3  }
0x3a: {  	_ = 	snop  }
0x3b: {  	_ = 	snop  }
0x3c: {  	p2 =	seq.s32 s10, $0x1;
	s10 =	sld [smem:$0x3F95]  }
0x3d: {  	_ =	shalt  }
0x3e: {  	_ =	shalt  }
0x3f: {  	_ =	shalt  }
0x40: {  	_ =	shalt  }
0x41: {  	_ =	shalt  }
0x42: {  	_ =	shalt  }
0x43: {  	_ =	shalt  }
0x44: {  	_ =	shalt  }
0x45: {  	_ =	shalt  }
0x46: {  	_ =	shalt  }
0x47: {  	_ =	shalt  }
0x48: {  	_ =	shalt  }
0x49: {  	_ =	shalt  }
0x4a: {  	_ =	shalt  }
0x4b: {  	_ =	shalt  }
0x4c: {  	_ =	shalt  }
0x4d: {  	_ =	shalt  }
0x4e: {  	_ =	shalt  }
0x4f: {  	_ =	shalt  }
0x50: {  	_ =	shalt  }
0x51: {  	_ =	shalt  }
0x52: {  	_ =	shalt  }
0x53: {  	_ =	shalt  }
0x54: {  	_ =	shalt  }
0x55: {  	_ =	shalt  }
0x56: {  	_ =	shalt  }
0x57: {  	_ =	shalt  }
0x58: {  	_ =	shalt  }
0x59: {  	_ =	shalt  }
0x5a: {  	_ =	shalt  }
0x5b: {  	_ =	shalt  }
0x5c: {  	_ =	shalt  }
0x5d: {  	_ =	shalt  }
0x5e: {  	_ =	shalt  }
0x5f: {  	_ =	shalt  }
0x60: {  	_ =	shalt  }
0x61: {  	_ =	shalt  }
0x62: {  	_ =	shalt  }
0x63: {  	_ =	shalt  }
0x64: {  	_ =	shalt  }
0x65: {  	_ =	shalt  }
0x66: {  	_ =	shalt  }
0x67: {  	_ =	shalt  }
0x68: {  	_ =	shalt  }
0x69: {  	_ =	shalt  }
0x6a: {  	_ =	shalt  }
0x6b: {  	_ =	shalt  }
0x6c: {  	_ =	shalt  }
0x6d: {  	_ =	shalt  }
0x6e: {  	_ =	shalt  }
0x6f: {  	_ =	shalt  }
0x70: {  	_ =	shalt  }
0x71: {  	_ =	shalt  }
0x72: {  	_ =	shalt  }
0x73: {  	_ =	shalt  }
0x74: {  	_ =	shalt  }
0x75: {  	_ =	shalt  }
0x76: {  	_ =	shalt  }
0x77: {  	_ =	shalt  }
0x78: {  	_ =	shalt  }
0x79: {  	_ =	shalt  }
0x7a: {  	_ =	shalt  }
0x7b: {  	_ =	shalt  }
0x7c: {  	_ =	shalt  }
0x7d: {  	_ =	shalt  }
0x7e: {  	_ =	shalt  }
0x7f: {  	_ =	shalt  }
0x80: {  	_ =	shalt  }
0x81: {  	_ =	shalt  }
0x82: {  	_ =	shalt  }
0x83: {  	_ =	shalt  }
0x84: {  	_ =	shalt  }
0x85: {  	_ =	shalt  }
0x86: {  	_ =	shalt  }
0x87: {  	_ =	shalt  }
.Lfunc_end0:
.L_simem_size_0:
called_computation_lowered:
.L_overlay_start_0:
0x88: {  	s2 =	sld [smem:$0x3FD9]  }
0x89: {  	s3 =	sld [smem:$0x3FFE];
	_ =	sdelay $0x1  }
0x8a: {  	s1 =	srdreg.scid  }
0x8b: {  	s0 =	sand.u32 $0x1, s1  }
0x8c: {  	s16 =	sshll.u32 s0, $0xA;
	s2 =	sadd.s32 s3, s2  }
0x8d: {  	s2 =	sadd.s32 s2, s16  }
0x8e: {  	[smem:$0x3FA1] =	sst s2  }
0x8f: {  	_ = 	snop  }
0x90: {  	(tm) =	ssettm $0x1  }
0x91: {  	s17 =	sld [smem:$0x3FFB];
	_ =	sdelay $0x3  }
0x92: {  	_ =	strace s17  }
0x93: {  	s2 =	sld [smem:$0x3FFC];
	_ =	sdelay $0x3  }
0x94: {  	_ =	strace s2  }
0x95: {  	s2 =	sld [smem:$0x3FFD];
	_ =	sdelay $0x3  }
0x96: {  	_ =	strace s2  }
0x97: {  	_ =	strace $0x8FFFFFFF  }
0x98: {  	s18 =	sld [smem:$0x3FDB];
	_ =	sdelay $0x1  }
0x99: {  	s19 =	simm.s32 $_scs_section_size  }
0x9a: {  	s4 =	simm.s32 $_size__tile_overlayer_lowered;
	s5 =	simm.s32 $_tile_overlayer_lowered  }
0x9b: {  	s22 =	simm.s32 $0x1BFF;
	s21 =	sshll.u32 s5, $0x1;
	s2 =	sadd.s32 s19, s18  }
0x9c: {  	s6 =	simm.s32 $0x0;
	s20 =	sshll.u32 s4, $0x1;
	s4 =	sadd.s32 s21, s2  }
0x9d: {  	[timem:s6], [sflag:s22] =	dma.local [hbm:s4], s20  }
0x9e: {  	_ =	swait.ge [sflag:s22], s20  }
0x9f: {  	s3 =	ssub.s32 $0x0, s20;
	[sflag:s22] =	ssyncset.done $0x0  }
0xa0: {  	[sflag:s22] =	ssyncadd.s32 s3;
	_ =	sdelay $0x1  }
0xa1: {  	s23 =	simm.s32 $0x1B8B  }
0xa2: {  	_ =	swait.ge [sflag:s23], $0x1  }
0xa3: {  	[sflag:s23] =	ssyncset.done $0x0  }
0xa4: {  	s25 =	simm.s32 $0x1B8E;
	s24 =	sld [smem:$0x3FFE];
	[sflag:s23] =	ssyncadd.s32 $0xFFFFFFFF  }
0xa5: {  	s26 =	simm.s32 $execute0_lowered;
	[smem:$0x3FD2] =	sst s25  }
0xa6: {  	s4 =	sshll.u32 s26, $0x1;
	_ =	strace $0x80000046;
	[dreg:$0x1] =	wrdreg $0xFFFFFFFF  }
0xa7: {  	s28 =	simm.s32 $_size_execute0_lowered;
	s2 =	sadd.s32 s2, s4;
	[dreg:$0x0] =	wrdreg $0x0  }
0xa8: {  	s4 =	sshll.u32 s28, $0x1;
	[dreg:$0x2] =	wrdreg s2  }
0xa9: {  	[dreg:$0x3] =	wrdreg s4  }
0xaa: {  	[dreg:$0x4] =	wrdreg $0xC0  }
0xab: {  	_ =	task [dreg:s6], $0x5FFFF  }
0xac: {  	[dreg:$0x1] =	wrdreg $0xFFFFFFFF  }
0xad: {  	[dreg:$0x0] =	wrdreg $0x60  }
0xae: {  	[dreg:$0x2] =	wrdreg s24  }
0xaf: {  	[dreg:$0x3] =	wrdreg $0x90000  }
0xb0: {  	[dreg:$0x4] =	wrdreg $0x9  }
0xb1: {  	_ =	task.clear_ibuf [dreg:s6], $0x5FFFF;
	_ =	strace $0x90000046  }
0xb2: {  	s29 =	simm.s32 $0x9;
	_ =	strace $0x80000048  }
0xb3: {  	_ =	swait.ge [sflag:s29], $0x1  }
0xb4: {  	[sflag:s29] =	ssyncadd.s32 $0xFFFFFFFF  }
0xb5: {  	_ =	strace $0x90000048  }
0xb6: {  	_ =	sfence  }
0xb7: {  	s30 =	sld [smem:$0x0];
	_ =	sdelay $0x2  }
0xb8: {  	s31 =	sshll.u32 s1, $0xD;
	s1 =	sshrl.u32 s1, $0x2  }
0xb9: {  	s3 =	sand.u32 $0x4000, s31;
	s1 =	sadd.s32 s1, s30  }
0xba: {  	s0 =	sor.u32 s3, s0;
	s1 =	sshll.u32 s1, $0x11  }
0xbb: {  	s0 =	sor.u32 s1, s0  }
0xbc: {  	s0 =	sadd.s32 $0x8F2B, s0  }
0xbd: {  	[sflag:s0] =	ssyncadd.remote.s32 $0x1  }
0xbe: {  	_ =	sfence.sel $0xFFFF  }
0xbf: {  	[dreg:$0x0] =	wrdreg $0xFFFFFFFF;
	(pc) =	sbr.abs _section_cstart, $3  }
0xc0: {  	[dreg:$0x1] =	wrdreg $0xFFFFFFFF  }
0xc1: {  	_ =	task.clear_ibuf [dreg:s6], $0x2FFFF;
	_ =	strace $0x9FFFFFFF  }
0xc2: {  	(tm) =	ssettm $0x7FFFFFFF  }
0xc3: {  	_ =	shalt  }
tec
execute0_lowered:
.L_overlay_start_1:
0x0: {  	(tag) =	ssettag $0x1  }
0x1: {  	s10 =	rddreg [dreg:$0x0]  }
0x2: {  	s0 =	srdreg.scid;
	s2 =	rddreg [dreg:$0x1]  }
0x3: {  	s1 =	rddreg [dreg:$0x2];
	s5 =	sand.u32 $0x1, s0  }
0x4: {  	s0 =	stileid.u32;
	s4 =	smul.u32 $0x50000, s5  }
0x5: {  	s3 =	simm.s32 $0x0;
	s14 =	simm.s32 $0x1;
	s6 =	smul.u32 $0x5000, s0  }
0x6: {  	s15 =	simm.s32 $0x4000;
	s16 =	simm.s32 $0x80;
	s7 =	smul.u32 $0x2800, s0  }
0x7: {  	s19 =	simm.s32 $0x0;
	[smem:$0x7FF] =	sst s3;
	s30 =	smul.u32 $0x28000, s5  }
0x8: {  	s8 =	smul.u32 $0x50000, s0;
	s5 =	ssub.s32 $0x2, s5;
	s17 =	sshll.u32 s0, $0x6  }
0x9: {  	_ =	strace $0x80000047;
	s31 =	sshrl.u32 s5, $0x1;
	s17 =	sor.u32 $0x1C01, s17  }
0xa: {  	s4 =	sadd.s32 s6, s4;
	s6 =	sadd.s32 s7, s30;
	s8 =	sshrl.u32 s8, $0x2  }
0xb: {  	s13 =	ssub.s32 s5, s31;
	s4 =	sshrl.u32 s4, $0x3;
	s12 =	sadd.s32 s6, s10  }
0xc: {  	s5 =	sadd.s32 s8, s2;
	s13 =	smax.u32 s13, $0x1;
	s11 =	sadd.s32 s4, s10  }
0xd: {  	s4 =	sadd.s32 $0x30200, s10;
	s6 =	sadd.s32 $0x4000, s5;
	s7 =	sadd.s32 $0x8000, s5  }
0xe: {  	s8 =	sadd.s32 $0xC000, s5;
	s9 =	sadd.s32 $0x10000, s5;
	s10 =	sadd.s32 $0x30A00, s10  }
0xf: {  	s12 =	sadd.s32 $0x31200, s12;
	s18 =	sshrl.u32 s5, $0x3;
	s11 =	sadd.s32 $0x1C200, s11  }
.LBB2_1:
0x10: {  	[tilespmem:s3], [sflag:$0x1] =	stream.linear.gather [hbm4b:s4+s3], $0x4000, $0x38;
	[tilespmem:$0xB800] =	vst v63  }
0x11: {  	_ =	swait.ge [sflag:s14], $0x4000  }
0x12: {  	[sflag:s14] =	ssyncset.done $0x0  }
0x13: {  	[sflag:s14] =	ssyncadd.s32 $0xFFFFC000  }
0x14: {  	[spmem:s5] =	stream.linear.scatter [tilespmem:s3], [sflag:$0x1], $0x4000, $0x38;
	[tilespmem:$0xB800] =	vst v63  }
0x15: {  	_ =	swait.ge [sflag:s14], $0x4000  }
0x16: {  	[sflag:s14] =	ssyncset.done $0x0  }
0x17: {  	[sflag:s14] =	ssyncadd.s32 $0xFFFFC000  }
0x18: {  	[spmem:s6] =	stream.linear.scatter [tilespmem:s3], [sflag:$0x1], $0x4000, $0x38;
	[tilespmem:$0xB800] =	vst v63  }
0x19: {  	_ =	swait.ge [sflag:s14], $0x4000  }
0x1a: {  	[sflag:s14] =	ssyncset.done $0x0  }
0x1b: {  	[sflag:s14] =	ssyncadd.s32 $0xFFFFC000  }
0x1c: {  	[spmem:s7] =	stream.linear.scatter [tilespmem:s3], [sflag:$0x1], $0x4000, $0x38;
	[tilespmem:$0xB800] =	vst v63  }
0x1d: {  	_ =	swait.ge [sflag:s14], $0x4000  }
0x1e: {  	[sflag:s14] =	ssyncset.done $0x0  }
0x1f: {  	[sflag:s14] =	ssyncadd.s32 $0xFFFFC000  }
0x20: {  	[spmem:s8] =	stream.linear.scatter [tilespmem:s3], [sflag:$0x1], $0x4000, $0x38;
	[tilespmem:$0xB800] =	vst v63  }
0x21: {  	_ =	swait.ge [sflag:s14], $0x4000  }
0x22: {  	[sflag:s14] =	ssyncset.done $0x0  }
0x23: {  	[sflag:s14] =	ssyncadd.s32 $0xFFFFC000  }
0x24: {  	[spmem:s9] =	stream.linear.scatter [tilespmem:s3], [sflag:$0x1], $0x4000, $0x38;
	[tilespmem:$0xB800] =	vst v63  }
0x25: {  	_ =	swait.ge [sflag:s14], $0x4000  }
0x26: {  	[sflag:s14] =	ssyncset.done $0x0  }
0x27: {  	[sflag:s14] =	ssyncadd.s32 $0xFFFFC000  }
0x28: {  	[bflag:$0x0] =	sbarrier.arrive $0xFFFF  }
0x29: {  	[tilespmem:s3], [sflag:$0x1] =	stream.linear.gather [hbm4b:s10+s3], $0x4000, $0x38;
	[tilespmem:$0xB800] =	vst v63  }
0x2a: {  	_ =	swait.ge [sflag:s14], $0x4000  }
0x2b: {  	[sflag:s14] =	ssyncset.done $0x0  }
0x2c: {  	[sflag:s14] =	ssyncadd.s32 $0xFFFFC000  }
0x2d: {  	[tilespmem:s15], [sflag:$0x1] =	stream.linear.gather [hbm4b:s11+s3], $0x5000, $0x38;
	[tilespmem:$0xB800] =	vst v63  }
0x2e: {  	_ =	swait.ge [sflag:s14], $0x5000  }
0x2f: {  	[sflag:s14] =	ssyncset.done $0x0  }
0x30: {  	s20 =	simm.s32 $0x4000;
	[sflag:s14] =	ssyncadd.s32 $0xFFFFB000  }
0x31: {  	[spmem:s2] =	stream.indirect.scatter.add.f32 [tilespmem:s3], [sflag:$0x1], $0x10, s20, s16, $0xb8;
	[tilespmem:$0xB800] =	vst v63  }
0x32: {  	s20 =	simm.s32 $0x200;
	_ =	swait.ge [sflag:s14], $0x800  }
.LBB2_2:
0x33: {  	s21 =	sshra.s32 s20, $0x2;
	[sflag:s14] =	ssyncset.done $0x0;
	p0 =	sne.s32 s20, $0x13E00  }
.Ltmp0:
0x34: {  	s21 =	sadd.s32 $0x4000, s21;
	[sflag:s14] =	ssyncadd.s32 $0xFFFFF800;
	(pc) =	sbr.rel @p0 .LBB2_2-.Ltmp0, $3  }
0x35: {  	[spmem:s2] =	stream.indirect.scatter.add.f32 [tilespmem:s3], [sflag:$0x1], $0x10, s21, s16, $0xb8;
	[tilespmem:$0xB800] =	vst v63  }
0x36: {  	s20 =	sadd.s32 $0x200, s20;
	_ =	sdelay $0x1  }
0x37: {  	_ =	swait.ge [sflag:s14], $0x800  }
0x38: {  	[sflag:s14] =	ssyncset.done $0x0;
	s19 =	sadd.s32 $0x1, s19  }
0x39: {  	[sflag:s14] =	ssyncadd.s32 $0xFFFFF800;
	p0 =	sne.s32 s19, s13  }
.Ltmp1:
0x3a: {  	[bflag:$0x0] =	sbarrier.arrive $0xFFFF;
	(pc) =	sbr.rel @p0 .LBB2_1-.Ltmp1, $4  }
0x3b: {  	[hbm:s12], [sflag:s17] =	dma.local [spmem:s18], $0x2800  }
0x3c: {  	_ =	swait.ge [sflag:s14], $0x2800  }
0x3d: {  	[sflag:s14] =	ssyncset.done $0x0  }
0x3e: {  	[sflag:s14] =	ssyncadd.s32 $0xFFFFD800  }
0x3f: {  	_ =	sfence.sel $0x180000  }
0x40: {  	[bflag:$0x0] =	sbarrier.arrive $0xFFFF  }
0x41: {  	p0 =	sne.s32 s0, $0x0;
	_ =	strace $0x90000047  }
0x42: {  	s0 =	sadd.s32 @!p0 $0x100000, s1;
	[bflag:$0x2] =	sbarrier.arrive $0xFFFF  }
0x43: {  	[sflag:s0] =	ssyncadd.tile.s32 @!p0 $0x1;
	_ =	shalt  }
.Lfunc_end2:
_tile_overlayer_lowered:
.L_overlay_start_2:
0x44: {  	(tag) =	ssettag $0x2  }
0x45: {  	s0 =	rddreg [dreg:$0x0];
	s2 =	stileid.u32  }
0x46: {  	s1 =	rddreg [dreg:$0x1];
	p0 =	sne.s32 s2, $0x0  }
0x47: {  	s3 =	rddreg [dreg:$0x2];
	[bflag:$0x3] =	sbarrier.arrive $0xFFFF;
	s2 =	simm.s32 @!p0 $0x1C01  }
0x48: {  	[timem:s3], [sflag:s2] =	dma.local @!p0 [hbm:s0], s1  }
0x49: {  	s0 =	simm.s32 @!p0 $0x1  }
0x4a: {  	_ =	swait.ge @!p0 [sflag:s0], s1  }
0x4b: {  	s1 =	ssub.s32 @!p0 $0x0, s1;
	[sflag:s0] =	ssyncset.done @!p0 $0x0  }
0x4c: {  	[sflag:s0] =	ssyncadd.s32 @!p0 s1  }
0x4d: {  	[bflag:$0x3] =	sbarrier.arrive $0xFFFF  }
0x4e: {  	_ =	shalt  }

// kernel: kernel.18.cloned.1.call-start
scs
__scs_entry_jumppad:
0x0: {  	(pc) =	sbr.rel $0x88, $3  }
0x1: {  	(tag) =	ssettag $0x0;
	lr =	simm.s32 $0x1  }
0x2: {  	[smem:$0x3F7A] =	sst lr;
	_ =	strace $0xD0000000  }
0x3: {  	_ = 	snop  }
0x4: {  	_ = 	snop  }
0x5: {  	_ = 	snop  }
0x6: {  	_ = 	snop  }
0x7: {  	_ = 	snop  }
__scs_overlays_trampoline_lowered:
0x8: {  	[smem:$0x3F89] =	sst s0  }
0x9: {  	[smem:$0x3F8A] =	sst s1  }
0xa: {  	[smem:$0x3F8B] =	sst s2  }
0xb: {  	[smem:$0x3F8C] =	sst s3  }
0xc: {  	[smem:$0x3F8D] =	sst s4  }
0xd: {  	[smem:$0x3F8E] =	sst s5  }
0xe: {  	[smem:$0x3F8F] =	sst s6  }
0xf: {  	[smem:$0x3F90] =	sst s7  }
0x10: {  	[smem:$0x3F91] =	sst s8  }
0x11: {  	[smem:$0x3F92] =	sst s9;
	s0 =	simm.s32 @!p0 $0x0  }
0x12: {  	s1 =	sld [smem:$0x3F78];
	s0 =	simm.s32 @p0 $0x1  }
0x13: {  	[smem:$0x3F93] =	sst s0;
	s0 =	simm.s32 @!p1 $0x0  }
0x14: {  	s2 =	sld [smem:$0x3F77];
	s0 =	simm.s32 @p1 $0x1  }
0x15: {  	[smem:$0x3F94] =	sst s0;
	s0 =	simm.s32 @!p2 $0x0  }
0x16: {  	s3 =	sld [smem:$0x3FDB];
	s0 =	simm.s32 @p2 $0x1  }
0x17: {  	s4 =	simm.s32 $0x1BF5;
	[smem:$0x3F96] =	sst s0  }
0x18: {  	s0 =	sld [smem:$0x3F79];
	_ =	swait.ge [sflag:s4], $0x0  }
0x19: {  	s7 =	sld [smem:$0x3F7A]  }
0x1a: {  	s8 =	sadd.s32 $0xFFFFE003, lr  }
0x1b: {  	s9 =	sadd.s32 $0xFFFFFEF7, lr;
	s5 =	simm.s32 $0xFFFFFFFF;
	p2 =	slt.u32 s8, $0xFFFFF086  }
0x1c: {  	p1 =	slt.u32 s9, $0xF7A;
	s5 =	simm.s32 @!p2 $0x0  }
0x1d: {  	s5 =	simm.s32 @p1 $0x1;
	p0 =	seq.s32 s7, s2  }
0x1e: {  	s7 =	smul.u32 @!p0 $0xF7A, s2;
	p2 =	seq.s32 @!p0 s5, $0x0  }
0x1f: {  	s9 =	smul.u32 $0xF7A, s1;
	s8 =	simm.s32 @!p0 $0x1BF5;
	p2 =	por !p2, p0  }
0x20: {  	[sflag:s8] =	ssyncset.s32 @!p0 $0xFFFFF086;
	s6 =	sadd.s32 @!p0 s3, s7;
	s7 =	simm.s32 @!p0 $0x108  }
0x21: {  	s3 =	sadd.s32 s3, s9;
	s6 =	sadd.s32 @!p0 $0x88, s6;
	s7 =	simm.s32 @p2 $0x1082  }
0x22: {  	[simem:s7], [sflag:s8] =	dma.local @!p0 [hbm:s6], $0xF7A  }
0x23: {  	s9 =	sor.u32 $0xD0000000, s2;
	s6 =	simm.s32 $0x108;
	_ =	swait.ge @!p0 [sflag:s8], $0x0  }
0x24: {  	s3 =	sadd.s32 $0x88, s3;
	s6 =	simm.s32 @!p1 $0x1082;
	[sflag:s4] =	ssyncset.s32 $0xFFFFF086  }
0x25: {  	[simem:s6], [sflag:s4] =	dma.local [hbm:s3], $0xF7A  }
0x26: {  	[smem:$0x3F7A] =	sst s1;
	(tag) =	ssettag s2;
	_ =	strace s9  }
0x27: {  	s1 =	sld [smem:$0x3F8A]  }
0x28: {  	s2 =	sld [smem:$0x3F8B]  }
0x29: {  	s4 =	sld [smem:$0x3F8D]  }
0x2a: {  	p0 =	seq.s32 s5, $0x0;
	s5 =	sld [smem:$0x3F8E]  }
0x2b: {  	s6 =	sld [smem:$0x3F8F]  }
0x2c: {  	s7 =	sld [smem:$0x3F90]  }
0x2d: {  	s3 =	simm.s32 $0x108;
	s8 =	sld [smem:$0x3F91]  }
0x2e: {  	s3 =	simm.s32 @!p0 $0x1082;
	s9 =	sld [smem:$0x3F92]  }
0x2f: {  	lr =	sadd.s32 s0, s3;
	s0 =	sld [smem:$0x3F89]  }
0x30: {  	s3 =	sld [smem:$0x3F8C]  }
0x31: {  	[smem:$0x3F95] =	sst s10  }
0x32: {  	s10 =	sld [smem:$0x3F93];
	_ =	sdelay $0x3  }
0x33: {  	p0 =	seq.s32 s10, $0x1;
	s10 =	sld [smem:$0x3F95];
	_ =	sdelay $0x3  }
0x34: {  	[smem:$0x3F95] =	sst s10  }
0x35: {  	s10 =	sld [smem:$0x3F94];
	_ =	sdelay $0x3  }
0x36: {  	p1 =	seq.s32 s10, $0x1;
	s10 =	sld [smem:$0x3F95];
	_ =	sdelay $0x3  }
0x37: {  	[smem:$0x3F95] =	sst s10  }
0x38: {  	s10 =	sld [smem:$0x3F96]  }
0x39: {  	_ = 	snop;
	(pc) =	sbr.ind lr, $3  }
0x3a: {  	_ = 	snop  }
0x3b: {  	_ = 	snop  }
0x3c: {  	p2 =	seq.s32 s10, $0x1;
	s10 =	sld [smem:$0x3F95]  }
0x3d: {  	_ =	shalt  }
0x3e: {  	_ =	shalt  }
0x3f: {  	_ =	shalt  }
0x40: {  	_ =	shalt  }
0x41: {  	_ =	shalt  }
0x42: {  	_ =	shalt  }
0x43: {  	_ =	shalt  }
0x44: {  	_ =	shalt  }
0x45: {  	_ =	shalt  }
0x46: {  	_ =	shalt  }
0x47: {  	_ =	shalt  }
0x48: {  	_ =	shalt  }
0x49: {  	_ =	shalt  }
0x4a: {  	_ =	shalt  }
0x4b: {  	_ =	shalt  }
0x4c: {  	_ =	shalt  }
0x4d: {  	_ =	shalt  }
0x4e: {  	_ =	shalt  }
0x4f: {  	_ =	shalt  }
0x50: {  	_ =	shalt  }
0x51: {  	_ =	shalt  }
0x52: {  	_ =	shalt  }
0x53: {  	_ =	shalt  }
0x54: {  	_ =	shalt  }
0x55: {  	_ =	shalt  }
0x56: {  	_ =	shalt  }
0x57: {  	_ =	shalt  }
0x58: {  	_ =	shalt  }
0x59: {  	_ =	shalt  }
0x5a: {  	_ =	shalt  }
0x5b: {  	_ =	shalt  }
0x5c: {  	_ =	shalt  }
0x5d: {  	_ =	shalt  }
0x5e: {  	_ =	shalt  }
0x5f: {  	_ =	shalt  }
0x60: {  	_ =	shalt  }
0x61: {  	_ =	shalt  }
0x62: {  	_ =	shalt  }
0x63: {  	_ =	shalt  }
0x64: {  	_ =	shalt  }
0x65: {  	_ =	shalt  }
0x66: {  	_ =	shalt  }
0x67: {  	_ =	shalt  }
0x68: {  	_ =	shalt  }
0x69: {  	_ =	shalt  }
0x6a: {  	_ =	shalt  }
0x6b: {  	_ =	shalt  }
0x6c: {  	_ =	shalt  }
0x6d: {  	_ =	shalt  }
0x6e: {  	_ =	shalt  }
0x6f: {  	_ =	shalt  }
0x70: {  	_ =	shalt  }
0x71: {  	_ =	shalt  }
0x72: {  	_ =	shalt  }
0x73: {  	_ =	shalt  }
0x74: {  	_ =	shalt  }
0x75: {  	_ =	shalt  }
0x76: {  	_ =	shalt  }
0x77: {  	_ =	shalt  }
0x78: {  	_ =	shalt  }
0x79: {  	_ =	shalt  }
0x7a: {  	_ =	shalt  }
0x7b: {  	_ =	shalt  }
0x7c: {  	_ =	shalt  }
0x7d: {  	_ =	shalt  }
0x7e: {  	_ =	shalt  }
0x7f: {  	_ =	shalt  }
0x80: {  	_ =	shalt  }
0x81: {  	_ =	shalt  }
0x82: {  	_ =	shalt  }
0x83: {  	_ =	shalt  }
0x84: {  	_ =	shalt  }
0x85: {  	_ =	shalt  }
0x86: {  	_ =	shalt  }
0x87: {  	_ =	shalt  }
.Lfunc_end0:
.L_simem_size_0:
called_computation.1_lowered:
.L_overlay_start_0:
0x88: {  	s2 =	sld [smem:$0x3FD9]  }
0x89: {  	s3 =	sld [smem:$0x3FFE];
	_ =	sdelay $0x1  }
0x8a: {  	s1 =	srdreg.scid  }
0x8b: {  	s0 =	sand.u32 $0x1, s1  }
0x8c: {  	s16 =	sshll.u32 s0, $0xA;
	s2 =	sadd.s32 s3, s2  }
0x8d: {  	s2 =	sadd.s32 s2, s16  }
0x8e: {  	[smem:$0x3FA1] =	sst s2  }
0x8f: {  	_ = 	snop  }
0x90: {  	(tm) =	ssettm $0x1  }
0x91: {  	s17 =	sld [smem:$0x3FFB];
	_ =	sdelay $0x3  }
0x92: {  	_ =	strace s17  }
0x93: {  	s2 =	sld [smem:$0x3FFC];
	_ =	sdelay $0x3  }
0x94: {  	_ =	strace s2  }
0x95: {  	s2 =	sld [smem:$0x3FFD];
	_ =	sdelay $0x3  }
0x96: {  	_ =	strace s2  }
0x97: {  	_ =	strace $0x8FFFFFFF  }
0x98: {  	s18 =	sld [smem:$0x3FDB];
	_ =	sdelay $0x1  }
0x99: {  	s19 =	simm.s32 $_scs_section_size  }
0x9a: {  	s4 =	simm.s32 $_size__tile_overlayer_lowered;
	s5 =	simm.s32 $_tile_overlayer_lowered  }
0x9b: {  	s22 =	simm.s32 $0x1BFF;
	s21 =	sshll.u32 s5, $0x1;
	s2 =	sadd.s32 s19, s18  }
0x9c: {  	s6 =	simm.s32 $0x0;
	s20 =	sshll.u32 s4, $0x1;
	s4 =	sadd.s32 s21, s2  }
0x9d: {  	[timem:s6], [sflag:s22] =	dma.local [hbm:s4], s20  }
0x9e: {  	_ =	swait.ge [sflag:s22], s20  }
0x9f: {  	s3 =	ssub.s32 $0x0, s20;
	[sflag:s22] =	ssyncset.done $0x0  }
0xa0: {  	[sflag:s22] =	ssyncadd.s32 s3;
	_ =	sdelay $0x1  }
0xa1: {  	s23 =	simm.s32 $0x1B8B  }
0xa2: {  	_ =	swait.ge [sflag:s23], $0x1  }
0xa3: {  	[sflag:s23] =	ssyncset.done $0x0  }
0xa4: {  	s25 =	simm.s32 $0x1B8E;
	s24 =	sld [smem:$0x3FFE];
	[sflag:s23] =	ssyncadd.s32 $0xFFFFFFFF  }
0xa5: {  	s26 =	simm.s32 $execute0_lowered;
	[smem:$0x3FD2] =	sst s25  }
0xa6: {  	s4 =	sshll.u32 s26, $0x1;
	_ =	strace $0x80000049;
	[dreg:$0x1] =	wrdreg $0xFFFFFFFF  }
0xa7: {  	s28 =	simm.s32 $_size_execute0_lowered;
	s2 =	sadd.s32 s2, s4;
	[dreg:$0x0] =	wrdreg $0x0  }
0xa8: {  	s4 =	sshll.u32 s28, $0x1;
	[dreg:$0x2] =	wrdreg s2  }
0xa9: {  	[dreg:$0x3] =	wrdreg s4  }
0xaa: {  	[dreg:$0x4] =	wrdreg $0xC0  }
0xab: {  	_ =	task [dreg:s6], $0x5FFFF  }
0xac: {  	[dreg:$0x1] =	wrdreg $0xFFFFFFFF  }
0xad: {  	[dreg:$0x0] =	wrdreg $0x60  }
0xae: {  	[dreg:$0x2] =	wrdreg s24  }
0xaf: {  	[dreg:$0x3] =	wrdreg $0xA0000  }
0xb0: {  	[dreg:$0x4] =	wrdreg $0x9  }
0xb1: {  	_ =	task.clear_ibuf [dreg:s6], $0x5FFFF;
	_ =	strace $0x90000049  }
0xb2: {  	s29 =	simm.s32 $0x9;
	_ =	strace $0x8000004B  }
0xb3: {  	_ =	swait.ge [sflag:s29], $0x1  }
0xb4: {  	[sflag:s29] =	ssyncadd.s32 $0xFFFFFFFF  }
0xb5: {  	_ =	strace $0x9000004B  }
0xb6: {  	_ =	sfence  }
0xb7: {  	s30 =	sld [smem:$0x0];
	_ =	sdelay $0x2  }
0xb8: {  	s31 =	sshll.u32 s1, $0xD;
	s1 =	sshrl.u32 s1, $0x2  }
0xb9: {  	s3 =	sand.u32 $0x4000, s31;
	s1 =	sadd.s32 s1, s30  }
0xba: {  	s0 =	sor.u32 s3, s0;
	s1 =	sshll.u32 s1, $0x11  }
0xbb: {  	s0 =	sor.u32 s1, s0  }
0xbc: {  	s0 =	sadd.s32 $0x8F2B, s0  }
0xbd: {  	[sflag:s0] =	ssyncadd.remote.s32 $0x1  }
0xbe: {  	_ =	sfence.sel $0xFFFF  }
0xbf: {  	[dreg:$0x0] =	wrdreg $0xFFFFFFFF;
	(pc) =	sbr.abs _section_cstart, $3  }
0xc0: {  	[dreg:$0x1] =	wrdreg $0xFFFFFFFF  }
0xc1: {  	_ =	task.clear_ibuf [dreg:s6], $0x2FFFF;
	_ =	strace $0x9FFFFFFF  }
0xc2: {  	(tm) =	ssettm $0x7FFFFFFF  }
0xc3: {  	_ =	shalt  }
tec
execute0_lowered:
.L_overlay_start_1:
0x0: {  	(tag) =	ssettag $0x1  }
0x1: {  	s0 =	rddreg [dreg:$0x0]  }
0x2: {  	s2 =	rddreg [dreg:$0x1];
	s3 =	srdreg.scid  }
0x3: {  	s1 =	stileid.u32;
	s4 =	simm.s32 $0x0;
	s16 =	simm.s32 $0x2000  }
0x4: {  	s17 =	simm.s32 $0x3;
	s18 =	simm.s32 $0x1000;
	s19 =	simm.s32 $0x80  }
0x5: {  	s20 =	simm.s32 $0x6000;
	s21 =	simm.s32 $0x1;
	s22 =	simm.s32 $0x2  }
0x6: {  	s23 =	simm.s32 $0x1E00;
	s24 =	simm.s32 $0xF00;
	s25 =	simm.s32 $0x1E80  }
0x7: {  	s26 =	simm.s32 $0xF80;
	s28 =	simm.s32 $0x1F00;
	s29 =	simm.s32 $0x1F80  }
0x8: {  	s30 =	simm.s32 $0x0;
	s3 =	sand.u32 $0x1, s3;
	s7 =	smul.u32 $0x2800, s1  }
0x9: {  	[smem:$0x7FF] =	sst s4;
	s4 =	sadd.s32 $0x81200, s0;
	s9 =	smul.u32 $0x50000, s1  }
0xa: {  	s5 =	sadd.s32 $0x8200, s0;
	s6 =	sadd.s32 $0x1C200, s0;
	s13 =	smul.u32 $0x5000, s1  }
0xb: {  	s8 =	smul.u32 $0x28000, s3;
	_ =	strace $0x8000004A;
	s31 =	ssub.s32 $0x2, s3  }
0xc: {  	s3 =	smul.u32 $0x50000, s3;
	s10 =	sshrl.u32 s31, $0x1;
	s9 =	sshrl.u32 s9, $0x2  }
0xd: {  	s8 =	sadd.s32 s7, s8;
	s7 =	sadd.s32 $0x30200, s0;
	s15 =	ssub.s32 s31, s10  }
0xe: {  	s13 =	sadd.s32 s13, s3;
	s0 =	sadd.s32 s8, s0;
	s8 =	sadd.s32 s9, s2  }
0xf: {  	s15 =	smax.u32 s15, $0x1;
	s9 =	sadd.s32 $0x4000, s8;
	s10 =	sadd.s32 $0x8000, s8  }
0x10: {  	s11 =	sadd.s32 $0xC000, s8;
	s12 =	sadd.s32 $0x10000, s8;
	s14 =	sadd.s32 $0xD1200, s0  }
.LBB2_1:
0x11: {  	s0 =	simm.s32 $0x0  }
0x12: {  	[tilespmem:s16], [sflag:$0x3] =	stream.linear.gather [hbm4b:s7+s0], $0x4000, $0x38;
	[tilespmem:$0x1E000] =	vst v63  }
0x13: {  	_ =	swait.ge [sflag:s17], $0x4000  }
0x14: {  	[sflag:s17] =	ssyncset.done $0x0  }
0x15: {  	[sflag:s17] =	ssyncadd.s32 $0xFFFFC000  }
0x16: {  	[spmem:s8] =	stream.linear.scatter [tilespmem:s16], [sflag:$0x3], $0x4000, $0x38;
	[tilespmem:$0x1E000] =	vst v63  }
0x17: {  	_ =	swait.ge [sflag:s17], $0x4000  }
0x18: {  	[sflag:s17] =	ssyncset.done $0x0  }
0x19: {  	[sflag:s17] =	ssyncadd.s32 $0xFFFFC000  }
0x1a: {  	[spmem:s9] =	stream.linear.scatter [tilespmem:s16], [sflag:$0x3], $0x4000, $0x38;
	[tilespmem:$0x1E000] =	vst v63  }
0x1b: {  	_ =	swait.ge [sflag:s17], $0x4000  }
0x1c: {  	[sflag:s17] =	ssyncset.done $0x0  }
0x1d: {  	[sflag:s17] =	ssyncadd.s32 $0xFFFFC000  }
0x1e: {  	[spmem:s10] =	stream.linear.scatter [tilespmem:s16], [sflag:$0x3], $0x4000, $0x38;
	[tilespmem:$0x1E000] =	vst v63  }
0x1f: {  	_ =	swait.ge [sflag:s17], $0x4000  }
0x20: {  	[sflag:s17] =	ssyncset.done $0x0  }
0x21: {  	[sflag:s17] =	ssyncadd.s32 $0xFFFFC000  }
0x22: {  	[spmem:s11] =	stream.linear.scatter [tilespmem:s16], [sflag:$0x3], $0x4000, $0x38;
	[tilespmem:$0x1E000] =	vst v63  }
0x23: {  	_ =	swait.ge [sflag:s17], $0x4000  }
0x24: {  	[sflag:s17] =	ssyncset.done $0x0  }
0x25: {  	[sflag:s17] =	ssyncadd.s32 $0xFFFFC000  }
0x26: {  	[spmem:s12] =	stream.linear.scatter [tilespmem:s16], [sflag:$0x3], $0x4000, $0x38;
	[tilespmem:$0x1E000] =	vst v63  }
0x27: {  	_ =	swait.ge [sflag:s17], $0x4000  }
0x28: {  	[sflag:s17] =	ssyncset.done $0x0  }
0x29: {  	[sflag:s17] =	ssyncadd.s32 $0xFFFFC000  }
0x2a: {  	s31 =	simm.s32 $0x0;
	[bflag:$0x0] =	sbarrier.arrive $0xFFFF  }
.LBB2_2:
0x2b: {  	s0 =	sshll.u32 s31, $0xC  }
0x2c: {  	s0 =	sadd.s32 s0, s13  }
0x2d: {  	s0 =	sshrl.u32 s0, $0x3  }
0x2e: {  	s1 =	simm.s32 $0x0;
	s3 =	sadd.s32 s5, s0  }
0x2f: {  	[tilespmem:s1], [sflag:$0x3] =	stream.linear.gather [hbm4b:s3+s1], $0x1000, $0x38;
	[tilespmem:$0x1E000] =	vst v63  }
0x30: {  	_ =	swait.ge [sflag:s17], $0x1000  }
0x31: {  	[sflag:s17] =	ssyncset.done $0x0  }
0x32: {  	s0 =	sadd.s32 s6, s0;
	[sflag:s17] =	ssyncadd.s32 $0xFFFFF000  }
0x33: {  	[tilespmem:s18], [sflag:$0x3] =	stream.linear.gather [hbm4b:s0+s1], $0x1000, $0x38;
	[tilespmem:$0x1E000] =	vst v63  }
0x34: {  	_ =	swait.ge [sflag:s17], $0x1000  }
0x35: {  	[sflag:s17] =	ssyncset.done $0x0  }
0x36: {  	[sflag:s17] =	ssyncadd.s32 $0xFFFFF000  }
0x37: {  	[tilespmem:s16], [sflag:$0x1] =	stream.indirect.gather [hbm4b:s4+s19], $0x80, s1, s19, $0xb8;
	[tilespmem:$0x1E000] =	vst v63  }
0x38: {  	_ = 	snop  }
0x39: {  	[tilespmem:s20], [sflag:$0x2] =	stream.indirect.gather [hbm4b:s4+s19], $0x80, s19, s19, $0xb8;
	[tilespmem:$0x1E000] =	vst v63  }
0x3a: {  	_ =	swait.ge [sflag:s21], $0x4000  }
0x3b: {  	[sflag:s21] =	ssyncset.done $0x0  }
0x3c: {  	s3 =	simm.s32 $0x1000;
	[sflag:s21] =	ssyncadd.s32 $0xFFFFC000  }
0x3d: {  	[spmem:s2] =	stream.indirect.scatter.add.f32 [tilespmem:s16], [sflag:$0x3], $0x80, s3, s19, $0xb8;
	[tilespmem:$0x1E000] =	vst v63  }
0x3e: {  	_ =	swait.ge [sflag:s17], $0x4000  }
0x3f: {  	[sflag:s17] =	ssyncset.done $0x0  }
0x40: {  	s1 =	simm.s32 $0x100;
	[sflag:s17] =	ssyncadd.s32 $0xFFFFC000  }
0x41: {  	[tilespmem:s16], [sflag:$0x1] =	stream.indirect.gather [hbm4b:s4+s19], $0x80, s1, s19, $0xb8;
	[tilespmem:$0x1E000] =	vst v63  }
0x42: {  	_ =	swait.ge [sflag:s22], $0x4000  }
0x43: {  	[sflag:s22] =	ssyncset.done $0x0  }
0x44: {  	s3 =	simm.s32 $0x1080;
	[sflag:s22] =	ssyncadd.s32 $0xFFFFC000  }
0x45: {  	[spmem:s2] =	stream.indirect.scatter.add.f32 [tilespmem:s20], [sflag:$0x3], $0x80, s3, s19, $0xb8;
	[tilespmem:$0x1E000] =	vst v63  }
0x46: {  	_ =	swait.ge [sflag:s17], $0x4000  }
0x47: {  	[sflag:s17] =	ssyncset.done $0x0  }
0x48: {  	s0 =	simm.s32 $0x400;
	s3 =	simm.s32 $0x180;
	[sflag:s17] =	ssyncadd.s32 $0xFFFFC000  }
.LBB2_3:
0x49: {  	[tilespmem:s20], [sflag:$0x2] =	stream.indirect.gather [hbm4b:s4+s19], $0x80, s3, s19, $0xb8;
	[tilespmem:$0x1E000] =	vst v63  }
0x4a: {  	s1 =	smov.u32 s0  }
0x4b: {  	p0 =	sne.s32 s0, $0x3400;
	s0 =	sadd.s32 $0x400, s0;
	_ =	swait.ge [sflag:s21], $0x4000  }
0x4c: {  	s1 =	sshra.s32 s1, $0x2;
	[sflag:s21] =	ssyncset.done $0x0  }
0x4d: {  	s3 =	sadd.s32 $0x1000, s1;
	[sflag:s21] =	ssyncadd.s32 $0xFFFFC000  }
0x4e: {  	[spmem:s2] =	stream.indirect.scatter.add.f32 [tilespmem:s16], [sflag:$0x3], $0x80, s3, s19, $0xb8;
	[tilespmem:$0x1E000] =	vst v63  }
0x4f: {  	_ =	swait.ge [sflag:s17], $0x4000  }
0x50: {  	[sflag:s17] =	ssyncset.done $0x0  }
0x51: {  	s3 =	sadd.s32 $0x100, s1;
	[sflag:s17] =	ssyncadd.s32 $0xFFFFC000  }
0x52: {  	[tilespmem:s16], [sflag:$0x1] =	stream.indirect.gather [hbm4b:s4+s19], $0x80, s3, s19, $0xb8;
	[tilespmem:$0x1E000] =	vst v63  }
0x53: {  	_ =	swait.ge [sflag:s22], $0x4000  }
0x54: {  	[sflag:s22] =	ssyncset.done $0x0  }
.Ltmp0:
0x55: {  	s3 =	sadd.s32 $0x1080, s1;
	[sflag:s22] =	ssyncadd.s32 $0xFFFFC000;
	(pc) =	sbr.rel @p0 .LBB2_3-.Ltmp0, $4  }
0x56: {  	[spmem:s2] =	stream.indirect.scatter.add.f32 [tilespmem:s20], [sflag:$0x3], $0x80, s3, s19, $0xb8;
	[tilespmem:$0x1E000] =	vst v63  }
0x57: {  	_ =	swait.ge [sflag:s17], $0x4000  }
0x58: {  	[sflag:s17] =	ssyncset.done $0x0  }
0x59: {  	s3 =	sadd.s32 $0x180, s1;
	[sflag:s17] =	ssyncadd.s32 $0xFFFFC000  }
0x5a: {  	[tilespmem:s20], [sflag:$0x2] =	stream.indirect.gather [hbm4b:s4+s19], $0x80, s3, s19, $0xb8;
	[tilespmem:$0x1E000] =	vst v63  }
0x5b: {  	_ =	swait.ge [sflag:s21], $0x4000  }
0x5c: {  	[sflag:s21] =	ssyncset.done $0x0  }
0x5d: {  	[sflag:s21] =	ssyncadd.s32 $0xFFFFC000  }
0x5e: {  	[spmem:s2] =	stream.indirect.scatter.add.f32 [tilespmem:s16], [sflag:$0x3], $0x80, s23, s19, $0xb8;
	[tilespmem:$0x1E000] =	vst v63  }
0x5f: {  	_ =	swait.ge [sflag:s17], $0x4000  }
0x60: {  	[sflag:s17] =	ssyncset.done $0x0  }
0x61: {  	[sflag:s17] =	ssyncadd.s32 $0xFFFFC000  }
0x62: {  	[tilespmem:s16], [sflag:$0x1] =	stream.indirect.gather [hbm4b:s4+s19], $0x80, s24, s19, $0xb8;
	[tilespmem:$0x1E000] =	vst v63  }
0x63: {  	_ =	swait.ge [sflag:s22], $0x4000  }
0x64: {  	[sflag:s22] =	ssyncset.done $0x0  }
0x65: {  	[sflag:s22] =	ssyncadd.s32 $0xFFFFC000  }
0x66: {  	[spmem:s2] =	stream.indirect.scatter.add.f32 [tilespmem:s20], [sflag:$0x3], $0x80, s25, s19, $0xb8;
	[tilespmem:$0x1E000] =	vst v63  }
0x67: {  	_ =	swait.ge [sflag:s17], $0x4000  }
0x68: {  	[sflag:s17] =	ssyncset.done $0x0  }
0x69: {  	[sflag:s17] =	ssyncadd.s32 $0xFFFFC000  }
0x6a: {  	[tilespmem:s20], [sflag:$0x2] =	stream.indirect.gather [hbm4b:s4+s19], $0x80, s26, s19, $0xb8;
	[tilespmem:$0x1E000] =	vst v63  }
0x6b: {  	_ =	swait.ge [sflag:s21], $0x4000  }
0x6c: {  	[sflag:s21] =	ssyncset.done $0x0  }
0x6d: {  	[sflag:s21] =	ssyncadd.s32 $0xFFFFC000  }
0x6e: {  	[spmem:s2] =	stream.indirect.scatter.add.f32 [tilespmem:s16], [sflag:$0x3], $0x80, s28, s19, $0xb8;
	[tilespmem:$0x1E000] =	vst v63  }
0x6f: {  	_ =	swait.ge [sflag:s17], $0x4000  }
0x70: {  	[sflag:s17] =	ssyncset.done $0x0  }
0x71: {  	[sflag:s17] =	ssyncadd.s32 $0xFFFFC000  }
0x72: {  	[tilespmem:s16], [sflag:$0x1] =	stream.indirect.gather [hbm4b:s4+s19], $0x80, s26, s19, $0xb8;
	[tilespmem:$0x1E000] =	vst v63  }
0x73: {  	_ =	swait.ge [sflag:s22], $0x4000  }
0x74: {  	[sflag:s22] =	ssyncset.done $0x0  }
0x75: {  	[sflag:s22] =	ssyncadd.s32 $0xFFFFC000  }
0x76: {  	[spmem:s2] =	stream.indirect.scatter.add.f32 [tilespmem:s20], [sflag:$0x3], $0x80, s29, s19, $0xb8;
	[tilespmem:$0x1E000] =	vst v63  }
0x77: {  	_ =	swait.ge [sflag:s17], $0x4000  }
0x78: {  	[sflag:s17] =	ssyncset.done $0x0  }
0x79: {  	s31 =	sadd.s32 $0x1, s31;
	[sflag:s17] =	ssyncadd.s32 $0xFFFFC000  }
0x7a: {  	[tilespmem:s20], [sflag:$0x2] =	stream.indirect.gather [hbm4b:s4+s19], $0x80, s26, s19, $0xb8;
	[tilespmem:$0x1E000] =	vst v63  }
0x7b: {  	p0 =	sne.s32 s31, $0x5;
	_ =	swait.ge [sflag:s21], $0x4000  }
.Ltmp1:
0x7c: {  	[sflag:s21] =	ssyncset.done $0x0;
	(pc) =	sbr.rel @p0 .LBB2_2-.Ltmp1, $4  }
0x7d: {  	[sflag:s21] =	ssyncadd.s32 $0xFFFFC000  }
0x7e: {  	_ =	swait.ge [sflag:s22], $0x4000  }
0x7f: {  	[sflag:s22] =	ssyncset.done $0x0  }
0x80: {  	[sflag:s22] =	ssyncadd.s32 $0xFFFFC000  }
0x81: {  	s0 =	stileid.u32;
	s30 =	sadd.s32 $0x1, s30  }
0x82: {  	[bflag:$0x0] =	sbarrier.arrive $0xFFFF;
	s0 =	sshll.u32 s0, $0x6;
	p0 =	sne.s32 s30, s15  }
.Ltmp2:
0x83: {  	s1 =	sshrl.u32 s8, $0x3;
	s0 =	sor.u32 $0x1C03, s0;
	(pc) =	sbr.rel @p0 .LBB2_1-.Ltmp2, $4  }
0x84: {  	[hbm:s14], [sflag:s0] =	dma.local [spmem:s1], $0x2800  }
0x85: {  	_ =	swait.ge [sflag:s17], $0x2800  }
0x86: {  	[sflag:s17] =	ssyncset.done $0x0  }
0x87: {  	[sflag:s17] =	ssyncadd.s32 $0xFFFFD800  }
0x88: {  	_ =	sfence.sel $0x180000  }
0x89: {  	[bflag:$0x0] =	sbarrier.arrive $0xFFFF  }
0x8a: {  	_ =	strace $0x9000004A  }
0x8b: {  	s0 =	stileid.u32;
	[bflag:$0x2] =	sbarrier.arrive $0xFFFF  }
0x8c: {  	p0 =	sne.s32 s0, $0x0;
	s0 =	rddreg [dreg:$0x2]  }
0x8d: {  	s0 =	sadd.s32 @!p0 $0x100000, s0  }
0x8e: {  	[sflag:s0] =	ssyncadd.tile.s32 @!p0 $0x1;
	_ =	shalt  }
.Lfunc_end2:
_tile_overlayer_lowered:
.L_overlay_start_2:
0x8f: {  	(tag) =	ssettag $0x2  }
0x90: {  	s0 =	rddreg [dreg:$0x0];
	s2 =	stileid.u32  }
0x91: {  	s1 =	rddreg [dreg:$0x1];
	p0 =	sne.s32 s2, $0x0  }
0x92: {  	s3 =	rddreg [dreg:$0x2];
	[bflag:$0x3] =	sbarrier.arrive $0xFFFF;
	s2 =	simm.s32 @!p0 $0x1C03  }
0x93: {  	[timem:s3], [sflag:s2] =	dma.local @!p0 [hbm:s0], s1  }
0x94: {  	s0 =	simm.s32 @!p0 $0x3  }
0x95: {  	_ =	swait.ge @!p0 [sflag:s0], s1  }
0x96: {  	s1 =	ssub.s32 @!p0 $0x0, s1;
	[sflag:s0] =	ssyncset.done @!p0 $0x0  }
0x97: {  	[sflag:s0] =	ssyncadd.s32 @!p0 s1  }
0x98: {  	[bflag:$0x3] =	sbarrier.arrive $0xFFFF  }
0x99: {  	_ =	shalt  }

// kernel: kernel.21.cloned.1.call-start
scs
__scs_entry_jumppad:
0x0: {  	(pc) =	sbr.rel $0x88, $3  }
0x1: {  	(tag) =	ssettag $0x0;
	lr =	simm.s32 $0x1  }
0x2: {  	[smem:$0x3F7A] =	sst lr;
	_ =	strace $0xD0000000  }
0x3: {  	_ = 	snop  }
0x4: {  	_ = 	snop  }
0x5: {  	_ = 	snop  }
0x6: {  	_ = 	snop  }
0x7: {  	_ = 	snop  }
__scs_overlays_trampoline_lowered:
0x8: {  	[smem:$0x3F89] =	sst s0  }
0x9: {  	[smem:$0x3F8A] =	sst s1  }
0xa: {  	[smem:$0x3F8B] =	sst s2  }
0xb: {  	[smem:$0x3F8C] =	sst s3  }
0xc: {  	[smem:$0x3F8D] =	sst s4  }
0xd: {  	[smem:$0x3F8E] =	sst s5  }
0xe: {  	[smem:$0x3F8F] =	sst s6  }
0xf: {  	[smem:$0x3F90] =	sst s7  }
0x10: {  	[smem:$0x3F91] =	sst s8  }
0x11: {  	[smem:$0x3F92] =	sst s9;
	s0 =	simm.s32 @!p0 $0x0  }
0x12: {  	s1 =	sld [smem:$0x3F78];
	s0 =	simm.s32 @p0 $0x1  }
0x13: {  	[smem:$0x3F93] =	sst s0;
	s0 =	simm.s32 @!p1 $0x0  }
0x14: {  	s2 =	sld [smem:$0x3F77];
	s0 =	simm.s32 @p1 $0x1  }
0x15: {  	[smem:$0x3F94] =	sst s0;
	s0 =	simm.s32 @!p2 $0x0  }
0x16: {  	s3 =	sld [smem:$0x3FDB];
	s0 =	simm.s32 @p2 $0x1  }
0x17: {  	s4 =	simm.s32 $0x1BF5;
	[smem:$0x3F96] =	sst s0  }
0x18: {  	s0 =	sld [smem:$0x3F79];
	_ =	swait.ge [sflag:s4], $0x0  }
0x19: {  	s7 =	sld [smem:$0x3F7A]  }
0x1a: {  	s8 =	sadd.s32 $0xFFFFE003, lr  }
0x1b: {  	s9 =	sadd.s32 $0xFFFFFEF7, lr;
	s5 =	simm.s32 $0xFFFFFFFF;
	p2 =	slt.u32 s8, $0xFFFFF086  }
0x1c: {  	p1 =	slt.u32 s9, $0xF7A;
	s5 =	simm.s32 @!p2 $0x0  }
0x1d: {  	s5 =	simm.s32 @p1 $0x1;
	p0 =	seq.s32 s7, s2  }
0x1e: {  	s7 =	smul.u32 @!p0 $0xF7A, s2;
	p2 =	seq.s32 @!p0 s5, $0x0  }
0x1f: {  	s9 =	smul.u32 $0xF7A, s1;
	s8 =	simm.s32 @!p0 $0x1BF5;
	p2 =	por !p2, p0  }
0x20: {  	[sflag:s8] =	ssyncset.s32 @!p0 $0xFFFFF086;
	s6 =	sadd.s32 @!p0 s3, s7;
	s7 =	simm.s32 @!p0 $0x108  }
0x21: {  	s3 =	sadd.s32 s3, s9;
	s6 =	sadd.s32 @!p0 $0x88, s6;
	s7 =	simm.s32 @p2 $0x1082  }
0x22: {  	[simem:s7], [sflag:s8] =	dma.local @!p0 [hbm:s6], $0xF7A  }
0x23: {  	s9 =	sor.u32 $0xD0000000, s2;
	s6 =	simm.s32 $0x108;
	_ =	swait.ge @!p0 [sflag:s8], $0x0  }
0x24: {  	s3 =	sadd.s32 $0x88, s3;
	s6 =	simm.s32 @!p1 $0x1082;
	[sflag:s4] =	ssyncset.s32 $0xFFFFF086  }
0x25: {  	[simem:s6], [sflag:s4] =	dma.local [hbm:s3], $0xF7A  }
0x26: {  	[smem:$0x3F7A] =	sst s1;
	(tag) =	ssettag s2;
	_ =	strace s9  }
0x27: {  	s1 =	sld [smem:$0x3F8A]  }
0x28: {  	s2 =	sld [smem:$0x3F8B]  }
0x29: {  	s4 =	sld [smem:$0x3F8D]  }
0x2a: {  	p0 =	seq.s32 s5, $0x0;
	s5 =	sld [smem:$0x3F8E]  }
0x2b: {  	s6 =	sld [smem:$0x3F8F]  }
0x2c: {  	s7 =	sld [smem:$0x3F90]  }
0x2d: {  	s3 =	simm.s32 $0x108;
	s8 =	sld [smem:$0x3F91]  }
0x2e: {  	s3 =	simm.s32 @!p0 $0x1082;
	s9 =	sld [smem:$0x3F92]  }
0x2f: {  	lr =	sadd.s32 s0, s3;
	s0 =	sld [smem:$0x3F89]  }
0x30: {  	s3 =	sld [smem:$0x3F8C]  }
0x31: {  	[smem:$0x3F95] =	sst s10  }
0x32: {  	s10 =	sld [smem:$0x3F93];
	_ =	sdelay $0x3  }
0x33: {  	p0 =	seq.s32 s10, $0x1;
	s10 =	sld [smem:$0x3F95];
	_ =	sdelay $0x3  }
0x34: {  	[smem:$0x3F95] =	sst s10  }
0x35: {  	s10 =	sld [smem:$0x3F94];
	_ =	sdelay $0x3  }
0x36: {  	p1 =	seq.s32 s10, $0x1;
	s10 =	sld [smem:$0x3F95];
	_ =	sdelay $0x3  }
0x37: {  	[smem:$0x3F95] =	sst s10  }
0x38: {  	s10 =	sld [smem:$0x3F96]  }
0x39: {  	_ = 	snop;
	(pc) =	sbr.ind lr, $3  }
0x3a: {  	_ = 	snop  }
0x3b: {  	_ = 	snop  }
0x3c: {  	p2 =	seq.s32 s10, $0x1;
	s10 =	sld [smem:$0x3F95]  }
0x3d: {  	_ =	shalt  }
0x3e: {  	_ =	shalt  }
0x3f: {  	_ =	shalt  }
0x40: {  	_ =	shalt  }
0x41: {  	_ =	shalt  }
0x42: {  	_ =	shalt  }
0x43: {  	_ =	shalt  }
0x44: {  	_ =	shalt  }
0x45: {  	_ =	shalt  }
0x46: {  	_ =	shalt  }
0x47: {  	_ =	shalt  }
0x48: {  	_ =	shalt  }
0x49: {  	_ =	shalt  }
0x4a: {  	_ =	shalt  }
0x4b: {  	_ =	shalt  }
0x4c: {  	_ =	shalt  }
0x4d: {  	_ =	shalt  }
0x4e: {  	_ =	shalt  }
0x4f: {  	_ =	shalt  }
0x50: {  	_ =	shalt  }
0x51: {  	_ =	shalt  }
0x52: {  	_ =	shalt  }
0x53: {  	_ =	shalt  }
0x54: {  	_ =	shalt  }
0x55: {  	_ =	shalt  }
0x56: {  	_ =	shalt  }
0x57: {  	_ =	shalt  }
0x58: {  	_ =	shalt  }
0x59: {  	_ =	shalt  }
0x5a: {  	_ =	shalt  }
0x5b: {  	_ =	shalt  }
0x5c: {  	_ =	shalt  }
0x5d: {  	_ =	shalt  }
0x5e: {  	_ =	shalt  }
0x5f: {  	_ =	shalt  }
0x60: {  	_ =	shalt  }
0x61: {  	_ =	shalt  }
0x62: {  	_ =	shalt  }
0x63: {  	_ =	shalt  }
0x64: {  	_ =	shalt  }
0x65: {  	_ =	shalt  }
0x66: {  	_ =	shalt  }
0x67: {  	_ =	shalt  }
0x68: {  	_ =	shalt  }
0x69: {  	_ =	shalt  }
0x6a: {  	_ =	shalt  }
0x6b: {  	_ =	shalt  }
0x6c: {  	_ =	shalt  }
0x6d: {  	_ =	shalt  }
0x6e: {  	_ =	shalt  }
0x6f: {  	_ =	shalt  }
0x70: {  	_ =	shalt  }
0x71: {  	_ =	shalt  }
0x72: {  	_ =	shalt  }
0x73: {  	_ =	shalt  }
0x74: {  	_ =	shalt  }
0x75: {  	_ =	shalt  }
0x76: {  	_ =	shalt  }
0x77: {  	_ =	shalt  }
0x78: {  	_ =	shalt  }
0x79: {  	_ =	shalt  }
0x7a: {  	_ =	shalt  }
0x7b: {  	_ =	shalt  }
0x7c: {  	_ =	shalt  }
0x7d: {  	_ =	shalt  }
0x7e: {  	_ =	shalt  }
0x7f: {  	_ =	shalt  }
0x80: {  	_ =	shalt  }
0x81: {  	_ =	shalt  }
0x82: {  	_ =	shalt  }
0x83: {  	_ =	shalt  }
0x84: {  	_ =	shalt  }
0x85: {  	_ =	shalt  }
0x86: {  	_ =	shalt  }
0x87: {  	_ =	shalt  }
.Lfunc_end0:
.L_simem_size_0:
called_computation.2_lowered:
.L_overlay_start_0:
0x88: {  	s2 =	sld [smem:$0x3FD9]  }
0x89: {  	s3 =	sld [smem:$0x3FFE];
	_ =	sdelay $0x1  }
0x8a: {  	s1 =	srdreg.scid  }
0x8b: {  	s0 =	sand.u32 $0x1, s1  }
0x8c: {  	s17 =	sshll.u32 s0, $0xA;
	s2 =	sadd.s32 s3, s2  }
0x8d: {  	s2 =	sadd.s32 s2, s17  }
0x8e: {  	[smem:$0x3FA1] =	sst s2  }
0x8f: {  	_ = 	snop  }
0x90: {  	s2 =	sld [smem:$0x3FD0];
	(tm) =	ssettm $0x1  }
0x91: {  	s18 =	sld [smem:$0x3FFB];
	_ =	sdelay $0x3  }
0x92: {  	_ =	strace s18  }
0x93: {  	s3 =	sld [smem:$0x3FFC];
	_ =	sdelay $0x3  }
0x94: {  	_ =	strace s3  }
0x95: {  	s3 =	sld [smem:$0x3FFD];
	_ =	sdelay $0x3  }
0x96: {  	_ =	strace s3  }
0x97: {  	_ =	strace $0x8FFFFFFF  }
0x98: {  	s19 =	sld [smem:$0x3FDB];
	_ =	sdelay $0x1  }
0x99: {  	s4 =	simm.s32 $_scs_section_size  }
0x9a: {  	s5 =	simm.s32 $_size__tile_overlayer_lowered;
	s6 =	simm.s32 $_tile_overlayer_lowered  }
0x9b: {  	s22 =	simm.s32 $0x1BFF;
	s21 =	sshll.u32 s6, $0x1;
	s3 =	sadd.s32 s4, s19  }
0x9c: {  	s7 =	simm.s32 $0x0;
	s20 =	sshll.u32 s5, $0x1;
	s5 =	sadd.s32 s21, s3  }
0x9d: {  	[timem:s7], [sflag:s22] =	dma.local [hbm:s5], s20  }
0x9e: {  	_ =	swait.ge [sflag:s22], s20  }
0x9f: {  	s4 =	ssub.s32 $0x0, s20;
	[sflag:s22] =	ssyncset.done $0x0  }
0xa0: {  	[sflag:s22] =	ssyncadd.s32 s4;
	_ =	sdelay $0x1  }
0xa1: {  	s23 =	simm.s32 $0x1B8B  }
0xa2: {  	_ =	swait.ge [sflag:s23], $0x1  }
0xa3: {  	[sflag:s23] =	ssyncset.done $0x0  }
0xa4: {  	s25 =	simm.s32 $0x1B8E;
	s24 =	sld [smem:$0x3FFE];
	[sflag:s23] =	ssyncadd.s32 $0xFFFFFFFF  }
0xa5: {  	s26 =	simm.s32 $execute0_lowered;
	[smem:$0x3FD2] =	sst s25  }
0xa6: {  	s5 =	sshll.u32 s26, $0x1;
	_ =	strace $0x8000004C;
	[dreg:$0x1] =	wrdreg $0xFFFFFFFF  }
0xa7: {  	s28 =	simm.s32 $_size_execute0_lowered;
	s3 =	sadd.s32 s3, s5;
	[dreg:$0x0] =	wrdreg $0x0  }
0xa8: {  	s5 =	sshll.u32 s28, $0x1;
	[dreg:$0x2] =	wrdreg s3  }
0xa9: {  	[dreg:$0x3] =	wrdreg s5  }
0xaa: {  	[dreg:$0x4] =	wrdreg $0xC0  }
0xab: {  	_ =	task [dreg:s7], $0x5FFFF  }
0xac: {  	[dreg:$0x1] =	wrdreg $0xFFFFFFFF  }
0xad: {  	[dreg:$0x0] =	wrdreg $0x60  }
0xae: {  	[dreg:$0x2] =	wrdreg s24  }
0xaf: {  	[dreg:$0x3] =	wrdreg s2  }
0xb0: {  	[dreg:$0x4] =	wrdreg $0x60000  }
0xb1: {  	[dreg:$0x5] =	wrdreg $0x9  }
0xb2: {  	_ =	task.clear_ibuf [dreg:s7], $0x6FFFF;
	_ =	strace $0x9000004C  }
0xb3: {  	s29 =	simm.s32 $0x9;
	_ =	strace $0x8000004E  }
0xb4: {  	_ =	swait.ge [sflag:s29], $0x1  }
0xb5: {  	[sflag:s29] =	ssyncadd.s32 $0xFFFFFFFF  }
0xb6: {  	_ =	strace $0x9000004E  }
0xb7: {  	_ =	sfence  }
0xb8: {  	s30 =	sld [smem:$0x0];
	_ =	sdelay $0x2  }
0xb9: {  	s31 =	sshll.u32 s1, $0xD;
	s1 =	sshrl.u32 s1, $0x2  }
0xba: {  	s3 =	sand.u32 $0x4000, s31;
	s1 =	sadd.s32 s1, s30  }
0xbb: {  	s0 =	sor.u32 s3, s0;
	s1 =	sshll.u32 s1, $0x11  }
0xbc: {  	s0 =	sor.u32 s1, s0  }
0xbd: {  	s0 =	sadd.s32 $0x8F2B, s0  }
0xbe: {  	[sflag:s0] =	ssyncadd.remote.s32 $0x1  }
0xbf: {  	_ =	sfence.sel $0xFFFF  }
0xc0: {  	[dreg:$0x0] =	wrdreg $0xFFFFFFFF;
	(pc) =	sbr.abs _section_cstart, $3  }
0xc1: {  	[dreg:$0x1] =	wrdreg $0xFFFFFFFF  }
0xc2: {  	_ =	task.clear_ibuf [dreg:s7], $0x2FFFF;
	_ =	strace $0x9FFFFFFF  }
0xc3: {  	(tm) =	ssettm $0x7FFFFFFF  }
tec
execute0_lowered:
.L_overlay_start_1:
0x0: {  	(tag) =	ssettag $0x1  }
0x1: {  	s0 =	rddreg [dreg:$0x0]  }
0x2: {  	s3 =	rddreg [dreg:$0x2]  }
0x3: {  	s2 =	srdreg.scid;
	s1 =	stileid.u32;
	s4 =	simm.s32 $0x0  }
0x4: {  	s16 =	simm.s32 $0x2000;
	s17 =	simm.s32 $0x3;
	s18 =	simm.s32 $0x1000  }
0x5: {  	s19 =	simm.s32 $0x80;
	s20 =	simm.s32 $0x4000;
	s21 =	simm.s32 $0x1  }
0x6: {  	s22 =	simm.s32 $0x2;
	s23 =	simm.s32 $0x1E00;
	s24 =	simm.s32 $0xF00  }
0x7: {  	s25 =	simm.s32 $0x1E80;
	s26 =	simm.s32 $0xF80;
	s28 =	simm.s32 $0x1F00  }
0x8: {  	s29 =	simm.s32 $0x1F80;
	s30 =	simm.s32 $0x0;
	s7 =	smul.u32 $0x1400, s1  }
0x9: {  	s2 =	sand.u32 $0x1, s2;
	[smem:$0x7FF] =	sst s4;
	s9 =	smul.u32 $0x28000, s1  }
0xa: {  	s5 =	sadd.s32 $0x121200, s0;
	s6 =	sadd.s32 $0x8200, s0;
	s13 =	smul.u32 $0x5000, s1  }
0xb: {  	s8 =	smul.u32 $0x14000, s2;
	_ =	strace $0x8000004D;
	s31 =	ssub.s32 $0x2, s2  }
0xc: {  	s2 =	smul.u32 $0x50000, s2;
	s10 =	sshrl.u32 s31, $0x1;
	s9 =	sshrl.u32 s9, $0x2  }
0xd: {  	s8 =	sadd.s32 s7, s8;
	s7 =	sadd.s32 $0x1C200, s0;
	s15 =	ssub.s32 s31, s10  }
0xe: {  	s13 =	sadd.s32 s13, s2;
	s0 =	sadd.s32 s8, s0;
	s8 =	sadd.s32 s9, s3  }
0xf: {  	s15 =	smax.u32 s15, $0x1;
	s9 =	sadd.s32 $0x2000, s8;
	s10 =	sadd.s32 $0x4000, s8  }
0x10: {  	s11 =	sadd.s32 $0x6000, s8;
	s12 =	sadd.s32 $0x8000, s8;
	s14 =	sadd.s32 $0x149200, s0  }
.LBB2_1:
0x11: {  	s0 =	rddreg [dreg:$0x1];
	s2 =	simm.s32 $0x0  }
0x12: {  	[tilespmem:s16], [sflag:$0x3] =	stream.linear.gather [hbm4b:s0+s2], $0x2000, $0x38;
	[tilespmem:$0x10000] =	vst v63  }
0x13: {  	_ =	swait.ge [sflag:s17], $0x2000  }
0x14: {  	[sflag:s17] =	ssyncset.done $0x0  }
0x15: {  	[sflag:s17] =	ssyncadd.s32 $0xFFFFE000  }
0x16: {  	[spmem:s8] =	stream.linear.scatter [tilespmem:s16], [sflag:$0x3], $0x2000, $0x38;
	[tilespmem:$0x10000] =	vst v63  }
0x17: {  	_ =	swait.ge [sflag:s17], $0x2000  }
0x18: {  	[sflag:s17] =	ssyncset.done $0x0  }
0x19: {  	[sflag:s17] =	ssyncadd.s32 $0xFFFFE000  }
0x1a: {  	[spmem:s9] =	stream.linear.scatter [tilespmem:s16], [sflag:$0x3], $0x2000, $0x38;
	[tilespmem:$0x10000] =	vst v63  }
0x1b: {  	_ =	swait.ge [sflag:s17], $0x2000  }
0x1c: {  	[sflag:s17] =	ssyncset.done $0x0  }
0x1d: {  	[sflag:s17] =	ssyncadd.s32 $0xFFFFE000  }
0x1e: {  	[spmem:s10] =	stream.linear.scatter [tilespmem:s16], [sflag:$0x3], $0x2000, $0x38;
	[tilespmem:$0x10000] =	vst v63  }
0x1f: {  	_ =	swait.ge [sflag:s17], $0x2000  }
0x20: {  	[sflag:s17] =	ssyncset.done $0x0  }
0x21: {  	[sflag:s17] =	ssyncadd.s32 $0xFFFFE000  }
0x22: {  	[spmem:s11] =	stream.linear.scatter [tilespmem:s16], [sflag:$0x3], $0x2000, $0x38;
	[tilespmem:$0x10000] =	vst v63  }
0x23: {  	_ =	swait.ge [sflag:s17], $0x2000  }
0x24: {  	[sflag:s17] =	ssyncset.done $0x0  }
0x25: {  	[sflag:s17] =	ssyncadd.s32 $0xFFFFE000  }
0x26: {  	[spmem:s12] =	stream.linear.scatter [tilespmem:s16], [sflag:$0x3], $0x2000, $0x38;
	[tilespmem:$0x10000] =	vst v63  }
0x27: {  	_ =	swait.ge [sflag:s17], $0x2000  }
0x28: {  	[sflag:s17] =	ssyncset.done $0x0  }
0x29: {  	[sflag:s17] =	ssyncadd.s32 $0xFFFFE000  }
0x2a: {  	s31 =	simm.s32 $0x0;
	[bflag:$0x0] =	sbarrier.arrive $0xFFFF  }
.LBB2_2:
0x2b: {  	s0 =	sshll.u32 s31, $0xC  }
0x2c: {  	s0 =	sadd.s32 s0, s13  }
0x2d: {  	s0 =	sshrl.u32 s0, $0x3  }
0x2e: {  	s4 =	simm.s32 $0x0;
	s2 =	sadd.s32 s6, s0  }
0x2f: {  	[tilespmem:s4], [sflag:$0x3] =	stream.linear.gather [hbm4b:s2+s4], $0x1000, $0x38;
	[tilespmem:$0x10000] =	vst v63  }
0x30: {  	_ =	swait.ge [sflag:s17], $0x1000  }
0x31: {  	[sflag:s17] =	ssyncset.done $0x0  }
0x32: {  	s0 =	sadd.s32 s7, s0;
	[sflag:s17] =	ssyncadd.s32 $0xFFFFF000  }
0x33: {  	[tilespmem:s18], [sflag:$0x3] =	stream.linear.gather [hbm4b:s0+s4], $0x1000, $0x38;
	[tilespmem:$0x10000] =	vst v63  }
0x34: {  	_ =	swait.ge [sflag:s17], $0x1000  }
0x35: {  	[sflag:s17] =	ssyncset.done $0x0  }
0x36: {  	[sflag:s17] =	ssyncadd.s32 $0xFFFFF000  }
0x37: {  	[tilespmem:s16], [sflag:$0x1] =	stream.indirect.gather [hbm4b:s5+s19], $0x40, s4, s19, $0xb8;
	[tilespmem:$0x10000] =	vst v63  }
0x38: {  	_ = 	snop  }
0x39: {  	[tilespmem:s20], [sflag:$0x2] =	stream.indirect.gather [hbm4b:s5+s19], $0x40, s19, s19, $0xb8;
	[tilespmem:$0x10000] =	vst v63  }
0x3a: {  	_ =	swait.ge [sflag:s21], $0x2000  }
0x3b: {  	[sflag:s21] =	ssyncset.done $0x0  }
0x3c: {  	s4 =	simm.s32 $0x1000;
	[sflag:s21] =	ssyncadd.s32 $0xFFFFE000  }
0x3d: {  	[spmem:s3] =	stream.indirect.scatter.add.f32 [tilespmem:s16], [sflag:$0x3], $0x40, s4, s19, $0xb8;
	[tilespmem:$0x10000] =	vst v63  }
0x3e: {  	_ =	swait.ge [sflag:s17], $0x2000  }
0x3f: {  	[sflag:s17] =	ssyncset.done $0x0  }
0x40: {  	s2 =	simm.s32 $0x100;
	[sflag:s17] =	ssyncadd.s32 $0xFFFFE000  }
0x41: {  	[tilespmem:s16], [sflag:$0x1] =	stream.indirect.gather [hbm4b:s5+s19], $0x40, s2, s19, $0xb8;
	[tilespmem:$0x10000] =	vst v63  }
0x42: {  	_ =	swait.ge [sflag:s22], $0x2000  }
0x43: {  	[sflag:s22] =	ssyncset.done $0x0  }
0x44: {  	s4 =	simm.s32 $0x1080;
	[sflag:s22] =	ssyncadd.s32 $0xFFFFE000  }
0x45: {  	[spmem:s3] =	stream.indirect.scatter.add.f32 [tilespmem:s20], [sflag:$0x3], $0x40, s4, s19, $0xb8;
	[tilespmem:$0x10000] =	vst v63  }
0x46: {  	_ =	swait.ge [sflag:s17], $0x2000  }
0x47: {  	[sflag:s17] =	ssyncset.done $0x0  }
0x48: {  	s0 =	simm.s32 $0x400;
	s2 =	simm.s32 $0x180;
	[sflag:s17] =	ssyncadd.s32 $0xFFFFE000  }
.LBB2_3:
0x49: {  	[tilespmem:s20], [sflag:$0x2] =	stream.indirect.gather [hbm4b:s5+s19], $0x40, s2, s19, $0xb8;
	[tilespmem:$0x10000] =	vst v63  }
0x4a: {  	s2 =	smov.u32 s0  }
0x4b: {  	p0 =	sne.s32 s0, $0x3400;
	s0 =	sadd.s32 $0x400, s0;
	_ =	swait.ge [sflag:s21], $0x2000  }
0x4c: {  	s2 =	sshra.s32 s2, $0x2;
	[sflag:s21] =	ssyncset.done $0x0  }
0x4d: {  	s4 =	sadd.s32 $0x1000, s2;
	[sflag:s21] =	ssyncadd.s32 $0xFFFFE000  }
0x4e: {  	[spmem:s3] =	stream.indirect.scatter.add.f32 [tilespmem:s16], [sflag:$0x3], $0x40, s4, s19, $0xb8;
	[tilespmem:$0x10000] =	vst v63  }
0x4f: {  	_ =	swait.ge [sflag:s17], $0x2000  }
0x50: {  	[sflag:s17] =	ssyncset.done $0x0  }
0x51: {  	s4 =	sadd.s32 $0x100, s2;
	[sflag:s17] =	ssyncadd.s32 $0xFFFFE000  }
0x52: {  	[tilespmem:s16], [sflag:$0x1] =	stream.indirect.gather [hbm4b:s5+s19], $0x40, s4, s19, $0xb8;
	[tilespmem:$0x10000] =	vst v63  }
0x53: {  	_ =	swait.ge [sflag:s22], $0x2000  }
0x54: {  	[sflag:s22] =	ssyncset.done $0x0  }
.Ltmp0:
0x55: {  	s4 =	sadd.s32 $0x1080, s2;
	[sflag:s22] =	ssyncadd.s32 $0xFFFFE000;
	(pc) =	sbr.rel @p0 .LBB2_3-.Ltmp0, $4  }
0x56: {  	[spmem:s3] =	stream.indirect.scatter.add.f32 [tilespmem:s20], [sflag:$0x3], $0x40, s4, s19, $0xb8;
	[tilespmem:$0x10000] =	vst v63  }
0x57: {  	_ =	swait.ge [sflag:s17], $0x2000  }
0x58: {  	[sflag:s17] =	ssyncset.done $0x0  }
0x59: {  	s2 =	sadd.s32 $0x180, s2;
	[sflag:s17] =	ssyncadd.s32 $0xFFFFE000  }
0x5a: {  	[tilespmem:s20], [sflag:$0x2] =	stream.indirect.gather [hbm4b:s5+s19], $0x40, s2, s19, $0xb8;
	[tilespmem:$0x10000] =	vst v63  }
0x5b: {  	_ =	swait.ge [sflag:s21], $0x2000  }
0x5c: {  	[sflag:s21] =	ssyncset.done $0x0  }
0x5d: {  	[sflag:s21] =	ssyncadd.s32 $0xFFFFE000  }
0x5e: {  	[spmem:s3] =	stream.indirect.scatter.add.f32 [tilespmem:s16], [sflag:$0x3], $0x40, s23, s19, $0xb8;
	[tilespmem:$0x10000] =	vst v63  }
0x5f: {  	_ =	swait.ge [sflag:s17], $0x2000  }
0x60: {  	[sflag:s17] =	ssyncset.done $0x0  }
0x61: {  	[sflag:s17] =	ssyncadd.s32 $0xFFFFE000  }
0x62: {  	[tilespmem:s16], [sflag:$0x1] =	stream.indirect.gather [hbm4b:s5+s19], $0x40, s24, s19, $0xb8;
	[tilespmem:$0x10000] =	vst v63  }
0x63: {  	_ =	swait.ge [sflag:s22], $0x2000  }
0x64: {  	[sflag:s22] =	ssyncset.done $0x0  }
0x65: {  	[sflag:s22] =	ssyncadd.s32 $0xFFFFE000  }
0x66: {  	[spmem:s3] =	stream.indirect.scatter.add.f32 [tilespmem:s20], [sflag:$0x3], $0x40, s25, s19, $0xb8;
	[tilespmem:$0x10000] =	vst v63  }
0x67: {  	_ =	swait.ge [sflag:s17], $0x2000  }
0x68: {  	[sflag:s17] =	ssyncset.done $0x0  }
0x69: {  	[sflag:s17] =	ssyncadd.s32 $0xFFFFE000  }
0x6a: {  	[tilespmem:s20], [sflag:$0x2] =	stream.indirect.gather [hbm4b:s5+s19], $0x40, s26, s19, $0xb8;
	[tilespmem:$0x10000] =	vst v63  }
0x6b: {  	_ =	swait.ge [sflag:s21], $0x2000  }
0x6c: {  	[sflag:s21] =	ssyncset.done $0x0  }
0x6d: {  	[sflag:s21] =	ssyncadd.s32 $0xFFFFE000  }
0x6e: {  	[spmem:s3] =	stream.indirect.scatter.add.f32 [tilespmem:s16], [sflag:$0x3], $0x40, s28, s19, $0xb8;
	[tilespmem:$0x10000] =	vst v63  }
0x6f: {  	_ =	swait.ge [sflag:s17], $0x2000  }
0x70: {  	[sflag:s17] =	ssyncset.done $0x0  }
0x71: {  	[sflag:s17] =	ssyncadd.s32 $0xFFFFE000  }
0x72: {  	[tilespmem:s16], [sflag:$0x1] =	stream.indirect.gather [hbm4b:s5+s19], $0x40, s26, s19, $0xb8;
	[tilespmem:$0x10000] =	vst v63  }
0x73: {  	_ =	swait.ge [sflag:s22], $0x2000  }
0x74: {  	[sflag:s22] =	ssyncset.done $0x0  }
0x75: {  	[sflag:s22] =	ssyncadd.s32 $0xFFFFE000  }
0x76: {  	[spmem:s3] =	stream.indirect.scatter.add.f32 [tilespmem:s20], [sflag:$0x3], $0x40, s29, s19, $0xb8;
	[tilespmem:$0x10000] =	vst v63  }
0x77: {  	_ =	swait.ge [sflag:s17], $0x2000  }
0x78: {  	[sflag:s17] =	ssyncset.done $0x0  }
0x79: {  	s31 =	sadd.s32 $0x1, s31;
	[sflag:s17] =	ssyncadd.s32 $0xFFFFE000  }
0x7a: {  	[tilespmem:s20], [sflag:$0x2] =	stream.indirect.gather [hbm4b:s5+s19], $0x40, s26, s19, $0xb8;
	[tilespmem:$0x10000] =	vst v63  }
0x7b: {  	p0 =	sne.s32 s31, $0x5;
	_ =	swait.ge [sflag:s21], $0x2000  }
.Ltmp1:
0x7c: {  	[sflag:s21] =	ssyncset.done $0x0;
	(pc) =	sbr.rel @p0 .LBB2_2-.Ltmp1, $4  }
0x7d: {  	[sflag:s21] =	ssyncadd.s32 $0xFFFFE000  }
0x7e: {  	_ =	swait.ge [sflag:s22], $0x2000  }
0x7f: {  	[sflag:s22] =	ssyncset.done $0x0  }
0x80: {  	[sflag:s22] =	ssyncadd.s32 $0xFFFFE000  }
0x81: {  	s30 =	sadd.s32 $0x1, s30  }
0x82: {  	s0 =	sshll.u32 s1, $0x6;
	[bflag:$0x0] =	sbarrier.arrive $0xFFFF;
	p0 =	sne.s32 s30, s15  }
.Ltmp2:
0x83: {  	s2 =	sshrl.u32 s8, $0x3;
	s0 =	sor.u32 $0x1C03, s0;
	(pc) =	sbr.rel @p0 .LBB2_1-.Ltmp2, $4  }
0x84: {  	[hbm:s14], [sflag:s0] =	dma.local [spmem:s2], $0x1400  }
0x85: {  	_ =	swait.ge [sflag:s17], $0x1400  }
0x86: {  	[sflag:s17] =	ssyncset.done $0x0  }
0x87: {  	[sflag:s17] =	ssyncadd.s32 $0xFFFFEC00  }
0x88: {  	_ =	sfence.sel $0x180000  }
0x89: {  	[bflag:$0x0] =	sbarrier.arrive $0xFFFF  }
0x8a: {  	_ =	strace $0x9000004D  }
0x8b: {  	[bflag:$0x2] =	sbarrier.arrive $0xFFFF  }
0x8c: {  	p0 =	sne.s32 s1, $0x0;
	s0 =	rddreg [dreg:$0x3]  }
0x8d: {  	s0 =	sadd.s32 @!p0 $0x100000, s0  }
0x8e: {  	[sflag:s0] =	ssyncadd.tile.s32 @!p0 $0x1;
	_ =	shalt  }
.Lfunc_end2:
_tile_overlayer_lowered:
.L_overlay_start_2:
0x8f: {  	(tag) =	ssettag $0x2  }
0x90: {  	s0 =	rddreg [dreg:$0x0];
	s2 =	stileid.u32  }
0x91: {  	s1 =	rddreg [dreg:$0x1];
	p0 =	sne.s32 s2, $0x0  }
0x92: {  	s3 =	rddreg [dreg:$0x2];
	[bflag:$0x3] =	sbarrier.arrive $0xFFFF;
	s2 =	simm.s32 @!p0 $0x1C03  }
0x93: {  	[timem:s3], [sflag:s2] =	dma.local @!p0 [hbm:s0], s1  }
0x94: {  	s0 =	simm.s32 @!p0 $0x3  }
0x95: {  	_ =	swait.ge @!p0 [sflag:s0], s1  }
0x96: {  	s1 =	ssub.s32 @!p0 $0x0, s1;
	[sflag:s0] =	ssyncset.done @!p0 $0x0  }
0x97: {  	[sflag:s0] =	ssyncadd.s32 @!p0 s1  }
0x98: {  	[bflag:$0x3] =	sbarrier.arrive $0xFFFF  }
0x99: {  	_ =	shalt  }

// kernel: kernel.24.cloned.1.call-start
scs
__scs_entry_jumppad:
0x0: {  	(pc) =	sbr.rel $0x88, $3  }
0x1: {  	(tag) =	ssettag $0x0;
	lr =	simm.s32 $0x1  }
0x2: {  	[smem:$0x3F7A] =	sst lr;
	_ =	strace $0xD0000000  }
0x3: {  	_ = 	snop  }
0x4: {  	_ = 	snop  }
0x5: {  	_ = 	snop  }
0x6: {  	_ = 	snop  }
0x7: {  	_ = 	snop  }
__scs_overlays_trampoline_lowered:
0x8: {  	[smem:$0x3F89] =	sst s0  }
0x9: {  	[smem:$0x3F8A] =	sst s1  }
0xa: {  	[smem:$0x3F8B] =	sst s2  }
0xb: {  	[smem:$0x3F8C] =	sst s3  }
0xc: {  	[smem:$0x3F8D] =	sst s4  }
0xd: {  	[smem:$0x3F8E] =	sst s5  }
0xe: {  	[smem:$0x3F8F] =	sst s6  }
0xf: {  	[smem:$0x3F90] =	sst s7  }
0x10: {  	[smem:$0x3F91] =	sst s8  }
0x11: {  	[smem:$0x3F92] =	sst s9;
	s0 =	simm.s32 @!p0 $0x0  }
0x12: {  	s1 =	sld [smem:$0x3F78];
	s0 =	simm.s32 @p0 $0x1  }
0x13: {  	[smem:$0x3F93] =	sst s0;
	s0 =	simm.s32 @!p1 $0x0  }
0x14: {  	s2 =	sld [smem:$0x3F77];
	s0 =	simm.s32 @p1 $0x1  }
0x15: {  	[smem:$0x3F94] =	sst s0;
	s0 =	simm.s32 @!p2 $0x0  }
0x16: {  	s3 =	sld [smem:$0x3FDB];
	s0 =	simm.s32 @p2 $0x1  }
0x17: {  	s4 =	simm.s32 $0x1BF5;
	[smem:$0x3F96] =	sst s0  }
0x18: {  	s0 =	sld [smem:$0x3F79];
	_ =	swait.ge [sflag:s4], $0x0  }
0x19: {  	s7 =	sld [smem:$0x3F7A]  }
0x1a: {  	s8 =	sadd.s32 $0xFFFFE003, lr  }
0x1b: {  	s9 =	sadd.s32 $0xFFFFFEF7, lr;
	s5 =	simm.s32 $0xFFFFFFFF;
	p2 =	slt.u32 s8, $0xFFFFF086  }
0x1c: {  	p1 =	slt.u32 s9, $0xF7A;
	s5 =	simm.s32 @!p2 $0x0  }
0x1d: {  	s5 =	simm.s32 @p1 $0x1;
	p0 =	seq.s32 s7, s2  }
0x1e: {  	s7 =	smul.u32 @!p0 $0xF7A, s2;
	p2 =	seq.s32 @!p0 s5, $0x0  }
0x1f: {  	s9 =	smul.u32 $0xF7A, s1;
	s8 =	simm.s32 @!p0 $0x1BF5;
	p2 =	por !p2, p0  }
0x20: {  	[sflag:s8] =	ssyncset.s32 @!p0 $0xFFFFF086;
	s6 =	sadd.s32 @!p0 s3, s7;
	s7 =	simm.s32 @!p0 $0x108  }
0x21: {  	s3 =	sadd.s32 s3, s9;
	s6 =	sadd.s32 @!p0 $0x88, s6;
	s7 =	simm.s32 @p2 $0x1082  }
0x22: {  	[simem:s7], [sflag:s8] =	dma.local @!p0 [hbm:s6], $0xF7A  }
0x23: {  	s9 =	sor.u32 $0xD0000000, s2;
	s6 =	simm.s32 $0x108;
	_ =	swait.ge @!p0 [sflag:s8], $0x0  }
0x24: {  	s3 =	sadd.s32 $0x88, s3;
	s6 =	simm.s32 @!p1 $0x1082;
	[sflag:s4] =	ssyncset.s32 $0xFFFFF086  }
0x25: {  	[simem:s6], [sflag:s4] =	dma.local [hbm:s3], $0xF7A  }
0x26: {  	[smem:$0x3F7A] =	sst s1;
	(tag) =	ssettag s2;
	_ =	strace s9  }
0x27: {  	s1 =	sld [smem:$0x3F8A]  }
0x28: {  	s2 =	sld [smem:$0x3F8B]  }
0x29: {  	s4 =	sld [smem:$0x3F8D]  }
0x2a: {  	p0 =	seq.s32 s5, $0x0;
	s5 =	sld [smem:$0x3F8E]  }
0x2b: {  	s6 =	sld [smem:$0x3F8F]  }
0x2c: {  	s7 =	sld [smem:$0x3F90]  }
0x2d: {  	s3 =	simm.s32 $0x108;
	s8 =	sld [smem:$0x3F91]  }
0x2e: {  	s3 =	simm.s32 @!p0 $0x1082;
	s9 =	sld [smem:$0x3F92]  }
0x2f: {  	lr =	sadd.s32 s0, s3;
	s0 =	sld [smem:$0x3F89]  }
0x30: {  	s3 =	sld [smem:$0x3F8C]  }
0x31: {  	[smem:$0x3F95] =	sst s10  }
0x32: {  	s10 =	sld [smem:$0x3F93];
	_ =	sdelay $0x3  }
0x33: {  	p0 =	seq.s32 s10, $0x1;
	s10 =	sld [smem:$0x3F95];
	_ =	sdelay $0x3  }
0x34: {  	[smem:$0x3F95] =	sst s10  }
0x35: {  	s10 =	sld [smem:$0x3F94];
	_ =	sdelay $0x3  }
0x36: {  	p1 =	seq.s32 s10, $0x1;
	s10 =	sld [smem:$0x3F95];
	_ =	sdelay $0x3  }
0x37: {  	[smem:$0x3F95] =	sst s10  }
0x38: {  	s10 =	sld [smem:$0x3F96]  }
0x39: {  	_ = 	snop;
	(pc) =	sbr.ind lr, $3  }
0x3a: {  	_ = 	snop  }
0x3b: {  	_ = 	snop  }
0x3c: {  	p2 =	seq.s32 s10, $0x1;
	s10 =	sld [smem:$0x3F95]  }
0x3d: {  	_ =	shalt  }
0x3e: {  	_ =	shalt  }
0x3f: {  	_ =	shalt  }
0x40: {  	_ =	shalt  }
0x41: {  	_ =	shalt  }
0x42: {  	_ =	shalt  }
0x43: {  	_ =	shalt  }
0x44: {  	_ =	shalt  }
0x45: {  	_ =	shalt  }
0x46: {  	_ =	shalt  }
0x47: {  	_ =	shalt  }
0x48: {  	_ =	shalt  }
0x49: {  	_ =	shalt  }
0x4a: {  	_ =	shalt  }
0x4b: {  	_ =	shalt  }
0x4c: {  	_ =	shalt  }
0x4d: {  	_ =	shalt  }
0x4e: {  	_ =	shalt  }
0x4f: {  	_ =	shalt  }
0x50: {  	_ =	shalt  }
0x51: {  	_ =	shalt  }
0x52: {  	_ =	shalt  }
0x53: {  	_ =	shalt  }
0x54: {  	_ =	shalt  }
0x55: {  	_ =	shalt  }
0x56: {  	_ =	shalt  }
0x57: {  	_ =	shalt  }
0x58: {  	_ =	shalt  }
0x59: {  	_ =	shalt  }
0x5a: {  	_ =	shalt  }
0x5b: {  	_ =	shalt  }
0x5c: {  	_ =	shalt  }
0x5d: {  	_ =	shalt  }
0x5e: {  	_ =	shalt  }
0x5f: {  	_ =	shalt  }
0x60: {  	_ =	shalt  }
0x61: {  	_ =	shalt  }
0x62: {  	_ =	shalt  }
0x63: {  	_ =	shalt  }
0x64: {  	_ =	shalt  }
0x65: {  	_ =	shalt  }
0x66: {  	_ =	shalt  }
0x67: {  	_ =	shalt  }
0x68: {  	_ =	shalt  }
0x69: {  	_ =	shalt  }
0x6a: {  	_ =	shalt  }
0x6b: {  	_ =	shalt  }
0x6c: {  	_ =	shalt  }
0x6d: {  	_ =	shalt  }
0x6e: {  	_ =	shalt  }
0x6f: {  	_ =	shalt  }
0x70: {  	_ =	shalt  }
0x71: {  	_ =	shalt  }
0x72: {  	_ =	shalt  }
0x73: {  	_ =	shalt  }
0x74: {  	_ =	shalt  }
0x75: {  	_ =	shalt  }
0x76: {  	_ =	shalt  }
0x77: {  	_ =	shalt  }
0x78: {  	_ =	shalt  }
0x79: {  	_ =	shalt  }
0x7a: {  	_ =	shalt  }
0x7b: {  	_ =	shalt  }
0x7c: {  	_ =	shalt  }
0x7d: {  	_ =	shalt  }
0x7e: {  	_ =	shalt  }
0x7f: {  	_ =	shalt  }
0x80: {  	_ =	shalt  }
0x81: {  	_ =	shalt  }
0x82: {  	_ =	shalt  }
0x83: {  	_ =	shalt  }
0x84: {  	_ =	shalt  }
0x85: {  	_ =	shalt  }
0x86: {  	_ =	shalt  }
0x87: {  	_ =	shalt  }
.Lfunc_end0:
.L_simem_size_0:
called_computation.3_lowered:
.L_overlay_start_0:
0x88: {  	s2 =	sld [smem:$0x3FD9]  }
0x89: {  	s3 =	sld [smem:$0x3FFE];
	_ =	sdelay $0x1  }
0x8a: {  	s1 =	srdreg.scid  }
0x8b: {  	s0 =	sand.u32 $0x1, s1  }
0x8c: {  	s17 =	sshll.u32 s0, $0xA;
	s2 =	sadd.s32 s3, s2  }
0x8d: {  	s2 =	sadd.s32 s2, s17  }
0x8e: {  	[smem:$0x3FA1] =	sst s2  }
0x8f: {  	_ = 	snop  }
0x90: {  	s2 =	sld [smem:$0x3FD0];
	(tm) =	ssettm $0x1  }
0x91: {  	s18 =	sld [smem:$0x3FFB];
	_ =	sdelay $0x3  }
0x92: {  	_ =	strace s18  }
0x93: {  	s3 =	sld [smem:$0x3FFC];
	_ =	sdelay $0x3  }
0x94: {  	_ =	strace s3  }
0x95: {  	s3 =	sld [smem:$0x3FFD];
	_ =	sdelay $0x3  }
0x96: {  	_ =	strace s3  }
0x97: {  	_ =	strace $0x8FFFFFFF  }
0x98: {  	s19 =	sld [smem:$0x3FDB];
	_ =	sdelay $0x1  }
0x99: {  	s4 =	simm.s32 $_scs_section_size  }
0x9a: {  	s5 =	simm.s32 $_size__tile_overlayer_lowered;
	s6 =	simm.s32 $_tile_overlayer_lowered  }
0x9b: {  	s22 =	simm.s32 $0x1BFF;
	s21 =	sshll.u32 s6, $0x1;
	s3 =	sadd.s32 s4, s19  }
0x9c: {  	s7 =	simm.s32 $0x0;
	s20 =	sshll.u32 s5, $0x1;
	s5 =	sadd.s32 s21, s3  }
0x9d: {  	[timem:s7], [sflag:s22] =	dma.local [hbm:s5], s20  }
0x9e: {  	_ =	swait.ge [sflag:s22], s20  }
0x9f: {  	s4 =	ssub.s32 $0x0, s20;
	[sflag:s22] =	ssyncset.done $0x0  }
0xa0: {  	[sflag:s22] =	ssyncadd.s32 s4;
	_ =	sdelay $0x1  }
0xa1: {  	s23 =	simm.s32 $0x1B8B  }
0xa2: {  	_ =	swait.ge [sflag:s23], $0x1  }
0xa3: {  	[sflag:s23] =	ssyncset.done $0x0  }
0xa4: {  	s25 =	simm.s32 $0x1B8E;
	s24 =	sld [smem:$0x3FFE];
	[sflag:s23] =	ssyncadd.s32 $0xFFFFFFFF  }
0xa5: {  	s26 =	simm.s32 $execute0_lowered;
	[smem:$0x3FD2] =	sst s25  }
0xa6: {  	s5 =	sshll.u32 s26, $0x1;
	_ =	strace $0x8000004F;
	[dreg:$0x1] =	wrdreg $0xFFFFFFFF  }
0xa7: {  	s28 =	simm.s32 $_size_execute0_lowered;
	s3 =	sadd.s32 s3, s5;
	[dreg:$0x0] =	wrdreg $0x0  }
0xa8: {  	s5 =	sshll.u32 s28, $0x1;
	[dreg:$0x2] =	wrdreg s3  }
0xa9: {  	[dreg:$0x3] =	wrdreg s5  }
0xaa: {  	[dreg:$0x4] =	wrdreg $0xC0  }
0xab: {  	_ =	task [dreg:s7], $0x5FFFF  }
0xac: {  	[dreg:$0x1] =	wrdreg $0xFFFFFFFF  }
0xad: {  	[dreg:$0x0] =	wrdreg $0x60  }
0xae: {  	[dreg:$0x2] =	wrdreg s24  }
0xaf: {  	[dreg:$0x3] =	wrdreg s2  }
0xb0: {  	[dreg:$0x4] =	wrdreg $0x40000  }
0xb1: {  	[dreg:$0x5] =	wrdreg $0x9  }
0xb2: {  	_ =	task.clear_ibuf [dreg:s7], $0x6FFFF;
	_ =	strace $0x9000004F  }
0xb3: {  	s29 =	simm.s32 $0x9;
	_ =	strace $0x80000051  }
0xb4: {  	_ =	swait.ge [sflag:s29], $0x1  }
0xb5: {  	[sflag:s29] =	ssyncadd.s32 $0xFFFFFFFF  }
0xb6: {  	_ =	strace $0x90000051  }
0xb7: {  	_ =	sfence  }
0xb8: {  	s30 =	sld [smem:$0x0];
	_ =	sdelay $0x2  }
0xb9: {  	s31 =	sshll.u32 s1, $0xD;
	s1 =	sshrl.u32 s1, $0x2  }
0xba: {  	s3 =	sand.u32 $0x4000, s31;
	s1 =	sadd.s32 s1, s30  }
0xbb: {  	s0 =	sor.u32 s3, s0;
	s1 =	sshll.u32 s1, $0x11  }
0xbc: {  	s0 =	sor.u32 s1, s0  }
0xbd: {  	s0 =	sadd.s32 $0x8F2B, s0  }
0xbe: {  	[sflag:s0] =	ssyncadd.remote.s32 $0x1  }
0xbf: {  	_ =	sfence.sel $0xFFFF  }
0xc0: {  	[dreg:$0x0] =	wrdreg $0xFFFFFFFF;
	(pc) =	sbr.abs _section_cstart, $3  }
0xc1: {  	[dreg:$0x1] =	wrdreg $0xFFFFFFFF  }
0xc2: {  	_ =	task.clear_ibuf [dreg:s7], $0x2FFFF;
	_ =	strace $0x9FFFFFFF  }
0xc3: {  	(tm) =	ssettm $0x7FFFFFFF  }
tec
execute0_lowered:
.L_overlay_start_1:
0x0: {  	(tag) =	ssettag $0x1  }
0x1: {  	s0 =	rddreg [dreg:$0x0]  }
0x2: {  	s3 =	rddreg [dreg:$0x2]  }
0x3: {  	s2 =	srdreg.scid;
	s1 =	stileid.u32;
	s4 =	simm.s32 $0x0  }
0x4: {  	s16 =	simm.s32 $0x2000;
	s17 =	simm.s32 $0x3;
	s18 =	simm.s32 $0x1000  }
0x5: {  	s19 =	simm.s32 $0x80;
	s20 =	simm.s32 $0x3000;
	s21 =	simm.s32 $0x1  }
0x6: {  	s22 =	simm.s32 $0x2;
	s23 =	simm.s32 $0x1E00;
	s24 =	simm.s32 $0xF00  }
0x7: {  	s25 =	simm.s32 $0x1E80;
	s26 =	simm.s32 $0xF80;
	s28 =	simm.s32 $0x1F00  }
0x8: {  	s29 =	simm.s32 $0x1F80;
	s30 =	simm.s32 $0x0;
	s7 =	smul.u32 $0xA00, s1  }
0x9: {  	s2 =	sand.u32 $0x1, s2;
	[smem:$0x7FF] =	sst s4;
	s9 =	smul.u32 $0x14000, s1  }
0xa: {  	s5 =	sadd.s32 $0x171200, s0;
	s6 =	sadd.s32 $0x8200, s0;
	s13 =	smul.u32 $0x5000, s1  }
0xb: {  	s8 =	smul.u32 $0xA000, s2;
	_ =	strace $0x80000050;
	s31 =	ssub.s32 $0x2, s2  }
0xc: {  	s2 =	smul.u32 $0x50000, s2;
	s10 =	sshrl.u32 s31, $0x1;
	s9 =	sshrl.u32 s9, $0x2  }
0xd: {  	s8 =	sadd.s32 s7, s8;
	s7 =	sadd.s32 $0x1C200, s0;
	s15 =	ssub.s32 s31, s10  }
0xe: {  	s13 =	sadd.s32 s13, s2;
	s0 =	sadd.s32 s8, s0;
	s8 =	sadd.s32 s9, s3  }
0xf: {  	s15 =	smax.u32 s15, $0x1;
	s9 =	sadd.s32 $0x1000, s8;
	s10 =	sadd.s32 $0x2000, s8  }
0x10: {  	s11 =	sadd.s32 $0x3000, s8;
	s12 =	sadd.s32 $0x4000, s8;
	s14 =	sadd.s32 $0x185200, s0  }
.LBB2_1:
0x11: {  	s0 =	rddreg [dreg:$0x1];
	s2 =	simm.s32 $0x0  }
0x12: {  	[tilespmem:s16], [sflag:$0x3] =	stream.linear.gather [hbm4b:s0+s2], $0x1000, $0x38;
	[tilespmem:$0x9000] =	vst v63  }
0x13: {  	_ =	swait.ge [sflag:s17], $0x1000  }
0x14: {  	[sflag:s17] =	ssyncset.done $0x0  }
0x15: {  	[sflag:s17] =	ssyncadd.s32 $0xFFFFF000  }
0x16: {  	[spmem:s8] =	stream.linear.scatter [tilespmem:s16], [sflag:$0x3], $0x1000, $0x38;
	[tilespmem:$0x9000] =	vst v63  }
0x17: {  	_ =	swait.ge [sflag:s17], $0x1000  }
0x18: {  	[sflag:s17] =	ssyncset.done $0x0  }
0x19: {  	[sflag:s17] =	ssyncadd.s32 $0xFFFFF000  }
0x1a: {  	[spmem:s9] =	stream.linear.scatter [tilespmem:s16], [sflag:$0x3], $0x1000, $0x38;
	[tilespmem:$0x9000] =	vst v63  }
0x1b: {  	_ =	swait.ge [sflag:s17], $0x1000  }
0x1c: {  	[sflag:s17] =	ssyncset.done $0x0  }
0x1d: {  	[sflag:s17] =	ssyncadd.s32 $0xFFFFF000  }
0x1e: {  	[spmem:s10] =	stream.linear.scatter [tilespmem:s16], [sflag:$0x3], $0x1000, $0x38;
	[tilespmem:$0x9000] =	vst v63  }
0x1f: {  	_ =	swait.ge [sflag:s17], $0x1000  }
0x20: {  	[sflag:s17] =	ssyncset.done $0x0  }
0x21: {  	[sflag:s17] =	ssyncadd.s32 $0xFFFFF000  }
0x22: {  	[spmem:s11] =	stream.linear.scatter [tilespmem:s16], [sflag:$0x3], $0x1000, $0x38;
	[tilespmem:$0x9000] =	vst v63  }
0x23: {  	_ =	swait.ge [sflag:s17], $0x1000  }
0x24: {  	[sflag:s17] =	ssyncset.done $0x0  }
0x25: {  	[sflag:s17] =	ssyncadd.s32 $0xFFFFF000  }
0x26: {  	[spmem:s12] =	stream.linear.scatter [tilespmem:s16], [sflag:$0x3], $0x1000, $0x38;
	[tilespmem:$0x9000] =	vst v63  }
0x27: {  	_ =	swait.ge [sflag:s17], $0x1000  }
0x28: {  	[sflag:s17] =	ssyncset.done $0x0  }
0x29: {  	[sflag:s17] =	ssyncadd.s32 $0xFFFFF000  }
0x2a: {  	s31 =	simm.s32 $0x0;
	[bflag:$0x0] =	sbarrier.arrive $0xFFFF  }
.LBB2_2:
0x2b: {  	s0 =	sshll.u32 s31, $0xC  }
0x2c: {  	s0 =	sadd.s32 s0, s13  }
0x2d: {  	s0 =	sshrl.u32 s0, $0x3  }
0x2e: {  	s4 =	simm.s32 $0x0;
	s2 =	sadd.s32 s6, s0  }
0x2f: {  	[tilespmem:s4], [sflag:$0x3] =	stream.linear.gather [hbm4b:s2+s4], $0x1000, $0x38;
	[tilespmem:$0x9000] =	vst v63  }
0x30: {  	_ =	swait.ge [sflag:s17], $0x1000  }
0x31: {  	[sflag:s17] =	ssyncset.done $0x0  }
0x32: {  	s0 =	sadd.s32 s7, s0;
	[sflag:s17] =	ssyncadd.s32 $0xFFFFF000  }
0x33: {  	[tilespmem:s18], [sflag:$0x3] =	stream.linear.gather [hbm4b:s0+s4], $0x1000, $0x38;
	[tilespmem:$0x9000] =	vst v63  }
0x34: {  	_ =	swait.ge [sflag:s17], $0x1000  }
0x35: {  	[sflag:s17] =	ssyncset.done $0x0  }
0x36: {  	[sflag:s17] =	ssyncadd.s32 $0xFFFFF000  }
0x37: {  	[tilespmem:s16], [sflag:$0x1] =	stream.indirect.gather [hbm4b:s5+s19], $0x20, s4, s19, $0xb8;
	[tilespmem:$0x9000] =	vst v63  }
0x38: {  	_ = 	snop  }
0x39: {  	[tilespmem:s20], [sflag:$0x2] =	stream.indirect.gather [hbm4b:s5+s19], $0x20, s19, s19, $0xb8;
	[tilespmem:$0x9000] =	vst v63  }
0x3a: {  	_ =	swait.ge [sflag:s21], $0x1000  }
0x3b: {  	[sflag:s21] =	ssyncset.done $0x0  }
0x3c: {  	s4 =	simm.s32 $0x1000;
	[sflag:s21] =	ssyncadd.s32 $0xFFFFF000  }
0x3d: {  	[spmem:s3] =	stream.indirect.scatter.add.f32 [tilespmem:s16], [sflag:$0x3], $0x20, s4, s19, $0xb8;
	[tilespmem:$0x9000] =	vst v63  }
0x3e: {  	_ =	swait.ge [sflag:s17], $0x1000  }
0x3f: {  	[sflag:s17] =	ssyncset.done $0x0  }
0x40: {  	s2 =	simm.s32 $0x100;
	[sflag:s17] =	ssyncadd.s32 $0xFFFFF000  }
0x41: {  	[tilespmem:s16], [sflag:$0x1] =	stream.indirect.gather [hbm4b:s5+s19], $0x20, s2, s19, $0xb8;
	[tilespmem:$0x9000] =	vst v63  }
0x42: {  	_ =	swait.ge [sflag:s22], $0x1000  }
0x43: {  	[sflag:s22] =	ssyncset.done $0x0  }
0x44: {  	s4 =	simm.s32 $0x1080;
	[sflag:s22] =	ssyncadd.s32 $0xFFFFF000  }
0x45: {  	[spmem:s3] =	stream.indirect.scatter.add.f32 [tilespmem:s20], [sflag:$0x3], $0x20, s4, s19, $0xb8;
	[tilespmem:$0x9000] =	vst v63  }
0x46: {  	_ =	swait.ge [sflag:s17], $0x1000  }
0x47: {  	[sflag:s17] =	ssyncset.done $0x0  }
0x48: {  	s0 =	simm.s32 $0x400;
	s2 =	simm.s32 $0x180;
	[sflag:s17] =	ssyncadd.s32 $0xFFFFF000  }
.LBB2_3:
0x49: {  	[tilespmem:s20], [sflag:$0x2] =	stream.indirect.gather [hbm4b:s5+s19], $0x20, s2, s19, $0xb8;
	[tilespmem:$0x9000] =	vst v63  }
0x4a: {  	s2 =	smov.u32 s0  }
0x4b: {  	p0 =	sne.s32 s0, $0x3400;
	s0 =	sadd.s32 $0x400, s0;
	_ =	swait.ge [sflag:s21], $0x1000  }
0x4c: {  	s2 =	sshra.s32 s2, $0x2;
	[sflag:s21] =	ssyncset.done $0x0  }
0x4d: {  	s4 =	sadd.s32 $0x1000, s2;
	[sflag:s21] =	ssyncadd.s32 $0xFFFFF000  }
0x4e: {  	[spmem:s3] =	stream.indirect.scatter.add.f32 [tilespmem:s16], [sflag:$0x3], $0x20, s4, s19, $0xb8;
	[tilespmem:$0x9000] =	vst v63  }
0x4f: {  	_ =	swait.ge [sflag:s17], $0x1000  }
0x50: {  	[sflag:s17] =	ssyncset.done $0x0  }
0x51: {  	s4 =	sadd.s32 $0x100, s2;
	[sflag:s17] =	ssyncadd.s32 $0xFFFFF000  }
0x52: {  	[tilespmem:s16], [sflag:$0x1] =	stream.indirect.gather [hbm4b:s5+s19], $0x20, s4, s19, $0xb8;
	[tilespmem:$0x9000] =	vst v63  }
0x53: {  	_ =	swait.ge [sflag:s22], $0x1000  }
0x54: {  	[sflag:s22] =	ssyncset.done $0x0  }
.Ltmp0:
0x55: {  	s4 =	sadd.s32 $0x1080, s2;
	[sflag:s22] =	ssyncadd.s32 $0xFFFFF000;
	(pc) =	sbr.rel @p0 .LBB2_3-.Ltmp0, $4  }
0x56: {  	[spmem:s3] =	stream.indirect.scatter.add.f32 [tilespmem:s20], [sflag:$0x3], $0x20, s4, s19, $0xb8;
	[tilespmem:$0x9000] =	vst v63  }
0x57: {  	_ =	swait.ge [sflag:s17], $0x1000  }
0x58: {  	[sflag:s17] =	ssyncset.done $0x0  }
0x59: {  	s2 =	sadd.s32 $0x180, s2;
	[sflag:s17] =	ssyncadd.s32 $0xFFFFF000  }
0x5a: {  	[tilespmem:s20], [sflag:$0x2] =	stream.indirect.gather [hbm4b:s5+s19], $0x20, s2, s19, $0xb8;
	[tilespmem:$0x9000] =	vst v63  }
0x5b: {  	_ =	swait.ge [sflag:s21], $0x1000  }
0x5c: {  	[sflag:s21] =	ssyncset.done $0x0  }
0x5d: {  	[sflag:s21] =	ssyncadd.s32 $0xFFFFF000  }
0x5e: {  	[spmem:s3] =	stream.indirect.scatter.add.f32 [tilespmem:s16], [sflag:$0x3], $0x20, s23, s19, $0xb8;
	[tilespmem:$0x9000] =	vst v63  }
0x5f: {  	_ =	swait.ge [sflag:s17], $0x1000  }
0x60: {  	[sflag:s17] =	ssyncset.done $0x0  }
0x61: {  	[sflag:s17] =	ssyncadd.s32 $0xFFFFF000  }
0x62: {  	[tilespmem:s16], [sflag:$0x1] =	stream.indirect.gather [hbm4b:s5+s19], $0x20, s24, s19, $0xb8;
	[tilespmem:$0x9000] =	vst v63  }
0x63: {  	_ =	swait.ge [sflag:s22], $0x1000  }
0x64: {  	[sflag:s22] =	ssyncset.done $0x0  }
0x65: {  	[sflag:s22] =	ssyncadd.s32 $0xFFFFF000  }
0x66: {  	[spmem:s3] =	stream.indirect.scatter.add.f32 [tilespmem:s20], [sflag:$0x3], $0x20, s25, s19, $0xb8;
	[tilespmem:$0x9000] =	vst v63  }
0x67: {  	_ =	swait.ge [sflag:s17], $0x1000  }
0x68: {  	[sflag:s17] =	ssyncset.done $0x0  }
0x69: {  	[sflag:s17] =	ssyncadd.s32 $0xFFFFF000  }
0x6a: {  	[tilespmem:s20], [sflag:$0x2] =	stream.indirect.gather [hbm4b:s5+s19], $0x20, s26, s19, $0xb8;
	[tilespmem:$0x9000] =	vst v63  }
0x6b: {  	_ =	swait.ge [sflag:s21], $0x1000  }
0x6c: {  	[sflag:s21] =	ssyncset.done $0x0  }
0x6d: {  	[sflag:s21] =	ssyncadd.s32 $0xFFFFF000  }
0x6e: {  	[spmem:s3] =	stream.indirect.scatter.add.f32 [tilespmem:s16], [sflag:$0x3], $0x20, s28, s19, $0xb8;
	[tilespmem:$0x9000] =	vst v63  }
0x6f: {  	_ =	swait.ge [sflag:s17], $0x1000  }
0x70: {  	[sflag:s17] =	ssyncset.done $0x0  }
0x71: {  	[sflag:s17] =	ssyncadd.s32 $0xFFFFF000  }
0x72: {  	[tilespmem:s16], [sflag:$0x1] =	stream.indirect.gather [hbm4b:s5+s19], $0x20, s26, s19, $0xb8;
	[tilespmem:$0x9000] =	vst v63  }
0x73: {  	_ =	swait.ge [sflag:s22], $0x1000  }
0x74: {  	[sflag:s22] =	ssyncset.done $0x0  }
0x75: {  	[sflag:s22] =	ssyncadd.s32 $0xFFFFF000  }
0x76: {  	[spmem:s3] =	stream.indirect.scatter.add.f32 [tilespmem:s20], [sflag:$0x3], $0x20, s29, s19, $0xb8;
	[tilespmem:$0x9000] =	vst v63  }
0x77: {  	_ =	swait.ge [sflag:s17], $0x1000  }
0x78: {  	[sflag:s17] =	ssyncset.done $0x0  }
0x79: {  	s31 =	sadd.s32 $0x1, s31;
	[sflag:s17] =	ssyncadd.s32 $0xFFFFF000  }
0x7a: {  	[tilespmem:s20], [sflag:$0x2] =	stream.indirect.gather [hbm4b:s5+s19], $0x20, s26, s19, $0xb8;
	[tilespmem:$0x9000] =	vst v63  }
0x7b: {  	p0 =	sne.s32 s31, $0x5;
	_ =	swait.ge [sflag:s21], $0x1000  }
.Ltmp1:
0x7c: {  	[sflag:s21] =	ssyncset.done $0x0;
	(pc) =	sbr.rel @p0 .LBB2_2-.Ltmp1, $4  }
0x7d: {  	[sflag:s21] =	ssyncadd.s32 $0xFFFFF000  }
0x7e: {  	_ =	swait.ge [sflag:s22], $0x1000  }
0x7f: {  	[sflag:s22] =	ssyncset.done $0x0  }
0x80: {  	[sflag:s22] =	ssyncadd.s32 $0xFFFFF000  }
0x81: {  	s30 =	sadd.s32 $0x1, s30  }
0x82: {  	s0 =	sshll.u32 s1, $0x6;
	[bflag:$0x0] =	sbarrier.arrive $0xFFFF;
	p0 =	sne.s32 s30, s15  }
.Ltmp2:
0x83: {  	s2 =	sshrl.u32 s8, $0x3;
	s0 =	sor.u32 $0x1C03, s0;
	(pc) =	sbr.rel @p0 .LBB2_1-.Ltmp2, $4  }
0x84: {  	[hbm:s14], [sflag:s0] =	dma.local [spmem:s2], $0xA00  }
0x85: {  	_ =	swait.ge [sflag:s17], $0xA00  }
0x86: {  	[sflag:s17] =	ssyncset.done $0x0  }
0x87: {  	[sflag:s17] =	ssyncadd.s32 $0xFFFFF600  }
0x88: {  	_ =	sfence.sel $0x180000  }
0x89: {  	[bflag:$0x0] =	sbarrier.arrive $0xFFFF  }
0x8a: {  	_ =	strace $0x90000050  }
0x8b: {  	[bflag:$0x2] =	sbarrier.arrive $0xFFFF  }
0x8c: {  	p0 =	sne.s32 s1, $0x0;
	s0 =	rddreg [dreg:$0x3]  }
0x8d: {  	s0 =	sadd.s32 @!p0 $0x100000, s0  }
0x8e: {  	[sflag:s0] =	ssyncadd.tile.s32 @!p0 $0x1;
	_ =	shalt  }
.Lfunc_end2:
_tile_overlayer_lowered:
.L_overlay_start_2:
0x8f: {  	(tag) =	ssettag $0x2  }
0x90: {  	s0 =	rddreg [dreg:$0x0];
	s2 =	stileid.u32  }
0x91: {  	s1 =	rddreg [dreg:$0x1];
	p0 =	sne.s32 s2, $0x0  }
0x92: {  	s3 =	rddreg [dreg:$0x2];
	[bflag:$0x3] =	sbarrier.arrive $0xFFFF;
	s2 =	simm.s32 @!p0 $0x1C03  }
0x93: {  	[timem:s3], [sflag:s2] =	dma.local @!p0 [hbm:s0], s1  }
0x94: {  	s0 =	simm.s32 @!p0 $0x3  }
0x95: {  	_ =	swait.ge @!p0 [sflag:s0], s1  }
0x96: {  	s1 =	ssub.s32 @!p0 $0x0, s1;
	[sflag:s0] =	ssyncset.done @!p0 $0x0  }
0x97: {  	[sflag:s0] =	ssyncadd.s32 @!p0 s1  }
0x98: {  	[bflag:$0x3] =	sbarrier.arrive $0xFFFF  }
0x99: {  	_ =	shalt  }

</sc_bundles>
